<compile_context>
chip_gen: v7x
topology: tpu7x:2x2x1
jax: 0.10.2.dev20260603
libtpu: 0.0.44.dev20260713+nightly
codegen_flags: <defaults>
</compile_context>

<pallas_src>
import functools

import jax
import jax.numpy as jnp
from jax import lax
from jax.experimental import pallas as pl
from jax.experimental.pallas import tpu as pltpu
from jax.experimental.pallas import tpu_sc as plsc

BLK = 128
NUM_EXPERTS = 16
NEG = -1e30


def _gating_body(xf_ref, wg1_ref, wg2_ref, gates_ref, dest_ref, bte_ref,
                 used_ref, loss_ref):
    T = xf_ref.shape[0]
    E = NUM_EXPERTS
    A = 2 * T
    nblk = A // BLK
    nb_out = bte_ref.shape[0]

    xf = xf_ref[...]
    h1 = jnp.maximum(jnp.dot(xf, wg1_ref[...]), 0.0)
    logits = jnp.dot(h1, wg2_ref[...])

    m = jnp.max(logits, axis=-1, keepdims=True)
    el = jnp.exp(logits - m)
    probs = el / jnp.sum(el, axis=-1, keepdims=True)

    iota = lax.broadcasted_iota(jnp.int32, (T, E), 1)
    i1 = jnp.min(jnp.where(logits == m, iota, E), axis=-1, keepdims=True)
    masked = jnp.where(iota == i1, NEG, logits)
    m2 = jnp.max(masked, axis=-1, keepdims=True)
    i2 = jnp.min(jnp.where(masked == m2, iota, E), axis=-1, keepdims=True)
    p1 = jnp.sum(jnp.where(iota == i1, probs, 0.0), axis=-1, keepdims=True)
    p2 = jnp.sum(jnp.where(iota == i2, probs, 0.0), axis=-1, keepdims=True)
    den = p1 + p2 + 1e-9
    gates_ref[...] = jnp.concatenate([p1 / den, p2 / den], axis=-1)

    eps = 1e-9
    p_bar = jnp.sum(probs, axis=0, keepdims=True) * (1.0 / T)
    h_marg = -jnp.sum(p_bar * jnp.log(p_bar + eps))
    h_cond = jnp.sum(-(probs * jnp.log(probs + eps))) * (1.0 / T)
    loss_ref[...] = jnp.reshape(-h_marg + h_cond, (1, 1))

    iota_a = lax.broadcasted_iota(jnp.int32, (A, E), 1)
    e_flat = jnp.concatenate([i1, i2], axis=0)
    onehot = (e_flat == iota_a).astype(jnp.float32)

    ri = lax.broadcasted_iota(jnp.int32, (BLK, BLK), 0)
    ci = lax.broadcasted_iota(jnp.int32, (BLK, BLK), 1)
    tril = (ri >= ci).astype(jnp.bfloat16)

    onehot_b = onehot.astype(jnp.bfloat16)
    cum_blocks = []
    run = jnp.zeros((1, E), jnp.float32)
    for j in range(nblk):
        oj = onehot[j * BLK:(j + 1) * BLK]
        cj = jnp.dot(tril, onehot_b[j * BLK:(j + 1) * BLK],
                     preferred_element_type=jnp.float32)
        cum_blocks.append(cj - oj + run)
        run = run + cj[BLK - 1:BLK]
    rank = jnp.concatenate(cum_blocks, axis=0)
    counts = run

    pc = jnp.floor((counts + (BLK - 1)) * (1.0 / BLK)) * BLK
    po = jnp.zeros((1, E), jnp.float32)
    acc = pc
    for sh in (1, 2, 4, 8):
        if sh < E:
            po = po
            shifted = jnp.concatenate(
                [jnp.zeros((1, sh), jnp.float32), acc[:, :E - sh]], axis=-1)
            acc = acc + shifted
    po = acc - pc

    dest = jnp.sum(onehot * (po + rank), axis=-1, keepdims=True)
    dest_ref[...] = dest.astype(jnp.int32)

    cum_end = po + pc
    bids = lax.broadcasted_iota(jnp.int32, (nb_out, 1), 0).astype(
        jnp.float32) * BLK
    bte = jnp.sum((cum_end <= bids).astype(jnp.float32), axis=-1, keepdims=True)
    bte_ref[...] = jnp.minimum(bte, E - 1).astype(jnp.int32)
    total_rows = jnp.sum(pc)
    used_ref[...] = (bids < total_rows).astype(jnp.int32)


def _ffn_body(bte_ref, used_ref, xs_ref, w1_ref, w2_ref, out_ref):
    i = pl.program_id(0)

    @pl.when(used_ref[i] != 0)
    def _():
        xb = xs_ref[...].astype(jnp.bfloat16)
        w1 = w1_ref[0].astype(jnp.bfloat16)
        h = jnp.dot(xb, w1, preferred_element_type=jnp.float32)
        h = jnp.maximum(h, 0.0).astype(jnp.bfloat16)
        w2 = w2_ref[0].astype(jnp.bfloat16)
        out_ref[...] = jnp.dot(h, w2, preferred_element_type=jnp.float32)


def kernel(x, Wg1, Wg2, W1, W2):
    B, S, D = x.shape
    T = B * S
    E, _, H = W1.shape
    A = 2 * T
    NB = (A + E * (BLK - 1) + BLK - 1) // BLK
    P = NB * BLK

    xf = x.reshape(T, D)

    gates, dest, bte, used, loss = pl.pallas_call(
        _gating_body,
        out_shape=[
            jax.ShapeDtypeStruct((T, 2), jnp.float32),
            jax.ShapeDtypeStruct((A, 1), jnp.int32),
            jax.ShapeDtypeStruct((NB, 1), jnp.int32),
            jax.ShapeDtypeStruct((NB, 1), jnp.int32),
            jax.ShapeDtypeStruct((1, 1), jnp.float32),
        ],
    )(xf, Wg1, Wg2)

    rr = dest.reshape(2, T)
    r0, r1 = rr[0], rr[1]
    bte_flat = bte.reshape(NB)
    used_flat = used.reshape(NB)

    info = plsc.get_sparse_core_info()
    NC, NS = info.num_cores, info.num_subcores
    NW = NC * NS
    tpw = T // NW
    mesh = plsc.VectorSubcoreMesh(core_axis_name="c", subcore_axis_name="s")

    @functools.partial(
        pl.kernel,
        out_type=jax.ShapeDtypeStruct((P, D), jnp.float32),
        mesh=mesh,
        scratch_types=[
            pltpu.VMEM((tpw,), jnp.int32),
            pltpu.VMEM((tpw,), jnp.int32),
            pltpu.VMEM((tpw, D), jnp.float32),
            pltpu.SemaphoreType.DMA,
        ],
    )
    def _scatter_sc(xf_hbm, r0_hbm, r1_hbm, xs_hbm, idx0_v, idx1_v, rows_v,
                    sem):
        wid = lax.axis_index("s") * NC + lax.axis_index("c")
        base = wid * tpw
        pltpu.sync_copy(xf_hbm.at[pl.ds(base, tpw)], rows_v)
        pltpu.sync_copy(r0_hbm.at[pl.ds(base, tpw)], idx0_v)
        pltpu.sync_copy(r1_hbm.at[pl.ds(base, tpw)], idx1_v)
        d0 = pltpu.async_copy(rows_v, xs_hbm.at[idx0_v], sem)
        d1 = pltpu.async_copy(rows_v, xs_hbm.at[idx1_v], sem)
        d0.wait()
        d1.wait()

    xs = _scatter_sc(xf, r0, r1)

    out2 = pl.pallas_call(
        _ffn_body,
        grid_spec=pltpu.PrefetchScalarGridSpec(
            num_scalar_prefetch=2,
            grid=(NB,),
            in_specs=[
                pl.BlockSpec((BLK, D), lambda i, bte_s, used_s: (i, 0)),
                pl.BlockSpec((1, D, H),
                             lambda i, bte_s, used_s: (bte_s[i], 0, 0)),
                pl.BlockSpec((1, H, D),
                             lambda i, bte_s, used_s: (bte_s[i], 0, 0)),
            ],
            out_specs=pl.BlockSpec((BLK, D), lambda i, bte_s, used_s: (i, 0)),
        ),
        out_shape=jax.ShapeDtypeStruct((P, D), jnp.float32),
    )(bte_flat, used_flat, xs, W1, W2)

    L = info.num_lanes
    nch = D // L
    g0 = gates[:, 0]
    g1 = gates[:, 1]

    @functools.partial(
        pl.kernel,
        out_type=jax.ShapeDtypeStruct((T, D), jnp.float32),
        mesh=mesh,
        compiler_params=pltpu.CompilerParams(needs_layout_passes=False),
        scratch_types=[
            pltpu.VMEM((tpw,), jnp.int32),
            pltpu.VMEM((tpw,), jnp.int32),
            pltpu.VMEM((tpw,), jnp.float32),
            pltpu.VMEM((tpw,), jnp.float32),
            pltpu.VMEM((tpw, D), jnp.float32),
            pltpu.VMEM((tpw, D), jnp.float32),
            pltpu.SemaphoreType.DMA,
        ],
    )
    def _combine_sc(out2_hbm, r0_hbm, r1_hbm, g0_hbm, g1_hbm, y_hbm, idx0_v,
                    idx1_v, g0_v, g1_v, rows0_v, rows1_v, sem):
        wid = lax.axis_index("s") * NC + lax.axis_index("c")
        base = wid * tpw
        pltpu.sync_copy(r0_hbm.at[pl.ds(base, tpw)], idx0_v)
        pltpu.sync_copy(r1_hbm.at[pl.ds(base, tpw)], idx1_v)
        pltpu.sync_copy(g0_hbm.at[pl.ds(base, tpw)], g0_v)
        pltpu.sync_copy(g1_hbm.at[pl.ds(base, tpw)], g1_v)
        d0 = pltpu.async_copy(out2_hbm.at[idx0_v], rows0_v, sem)
        d1 = pltpu.async_copy(out2_hbm.at[idx1_v], rows1_v, sem)
        d0.wait()
        d1.wait()

        def body_j(j, carry):
            jj = jnp.full((L,), j, jnp.int32)
            gs0 = plsc.load_gather(g0_v, [jj])
            gs1 = plsc.load_gather(g1_v, [jj])
            for c in range(nch):
                sl = pl.ds(c * L, L)
                rows0_v[j, sl] = rows0_v[j, sl] * gs0 + rows1_v[j, sl] * gs1
            return carry

        lax.fori_loop(0, tpw, body_j, 0)
        pltpu.sync_copy(rows0_v, y_hbm.at[pl.ds(base, tpw)])

    y = _combine_sc(out2, r0, r1, g0, g1)

    return y.reshape(B, S, D), loss[0, 0]

# --- scband reference (transcript-rebuilt; emitter-appended) ---
"""Pipeline reference for scband-mo-e-34754875359705 (READ-ONLY COPY).

The authoritative reference and input builder live on the scoring server;
editing this copy changes nothing except your own understanding.
"""

import jax, jax.numpy as jnp
import numpy as np

TOP_K = 2

def setup_inputs(seed: int = 0) -> dict:
    key = jax.random.key(seed)
    ks = jax.random.split(key, 5)
    B, S, D = 1, 2048, 768
    E, H, G = 16, 768, 256
    x = jax.random.normal(ks[0], (B, S, D), dtype=jnp.float32)
    Wg1 = jax.random.normal(ks[1], (D, G), dtype=jnp.float32) * 0.02
    Wg2 = jax.random.normal(ks[2], (G, E), dtype=jnp.float32) * 0.02
    W1 = jax.random.normal(ks[3], (E, D, H), dtype=jnp.float32) * 0.02
    W2 = jax.random.normal(ks[4], (E, H, D), dtype=jnp.float32) * 0.02
    return {"x": x, "Wg1": Wg1, "Wg2": Wg2, "W1": W1, "W2": W2}

def reference(x, Wg1, Wg2, W1, W2):
    bsz, length, dim = x.shape
    xf = x.reshape(-1, dim)
    T = xf.shape[0]
    E = W1.shape[0]
    # top_k_gating (gate_type='mlp', gating_size=256, no bias, no dropout)
    logits = jax.nn.relu(xf @ Wg1) @ Wg2
    probs = jax.nn.softmax(logits, axis=-1)
    top_k_gates, top_k_indices = jax.lax.top_k(probs, TOP_K)
    top_k_gates = top_k_gates / (jnp.sum(top_k_gates, axis=-1, keepdims=True) + 1e-9)
    # dense dispatch/combine equivalent of compute_gating + index_add:
    # y[t] = sum over the top-k assigned experts e of gate * W2[e]^T relu(W1[e]^T x[t])
    dense_gates = jnp.zeros((T, E), dtype=xf.dtype).at[jnp.arange(T)[:, None], top_k_indices].set(top_k_gates)
    h = jnp.einsum('td,edh->eth', xf, W1)
    h = jax.nn.relu(h)  # self.activation
    expert_out = jnp.einsum('eth,ehd->etd', h, W2)
    y = jnp.einsum('te,etd->td', dense_gates, expert_out)
    y = y.reshape(bsz, length, dim)
    # 'mi' aux loss: minimize -(H(mean probs) - mean H(probs))
    eps = 1e-9
    p_bar = jnp.mean(probs, axis=0)
    H_marg = -jnp.sum(p_bar * jnp.log(p_bar + eps))
    H_cond = jnp.mean(-jnp.sum(probs * jnp.log(probs + eps), axis=-1))
    loss = -H_marg + H_cond
    return (y, loss)

if __name__ == "__main__":
    import jax
    _d = setup_inputs()
    print(jax.jit(kernel)(*tuple(_d.values())))

</pallas_src>

<mosaic_0001>
#map = affine_map<(d0, d1) -> (0, 0)>
#map1 = affine_map<(d0, d1) -> (0)>
module attributes {stable_mosaic.version = 14 : i64} {
  func.func @_combine_sc(%arg0: i32, %arg1: i32, %arg2: memref<6144x768xf32, #tpu.memory_space<hbm>>, %arg3: memref<2048xi32, #tpu.memory_space<hbm>>, %arg4: memref<2048xi32, #tpu.memory_space<hbm>>, %arg5: memref<2048xf32, #tpu.memory_space<hbm>>, %arg6: memref<2048xf32, #tpu.memory_space<hbm>>, %arg7: memref<2048x768xf32, #tpu.memory_space<hbm>>, %arg8: memref<64xi32, #tpu.memory_space<vmem>>, %arg9: memref<64xi32, #tpu.memory_space<vmem>>, %arg10: memref<64xf32, #tpu.memory_space<vmem>>, %arg11: memref<64xf32, #tpu.memory_space<vmem>>, %arg12: memref<64x768xf32, #tpu.memory_space<vmem>>, %arg13: memref<64x768xf32, #tpu.memory_space<vmem>>, %arg14: memref<!tpu.dma_semaphore, #tpu.memory_space<semaphore_mem>>) attributes {dimension_semantics = [#tpu.dimension_semantics<core_parallel>, #tpu.dimension_semantics<subcore_parallel>], iteration_bounds = array<i64: 2, 16>, scalar_prefetch = 0 : i64, scratch_operands = 7 : i64, tpu.core_type = #tpu.core_type<sc_vector_subcore>, window_params = [{transform_indices = #map}, {transform_indices = #map1}, {transform_indices = #map1}, {transform_indices = #map1}, {transform_indices = #map1}, {transform_indices = #map}]} {
    %mul3A = arith.constant 2 : i32
    %mul3A_0 = arith.muli %arg1, %mul3A : i32
    %add3A = arith.addi %mul3A_0, %arg0 : i32
    %mul3A_1 = arith.constant 64 : i32
    %mul3A_2 = arith.muli %add3A, %mul3A_1 : i32
    "tpu.region"() ({
      %run_scoped3A = tpu.sem_alloc : memref<!tpu.dma_semaphore, #tpu.memory_space<semaphore_mem>>
      %dma_start3A_18 = tpu.memref_slice %arg3[%mul3A_2] : memref<2048xi32, #tpu.memory_space<hbm>> -> memref<64xi32, #tpu.memory_space<hbm>>
      %dma_start3A_19 = tpu.memref_slice %arg3[%mul3A_2] : memref<2048xi32, #tpu.memory_space<hbm>> -> memref<64xi32, #tpu.memory_space<hbm>>
      tpu.enqueue_dma source(%dma_start3A_19 : memref<64xi32, #tpu.memory_space<hbm>>) target(%arg8 : memref<64xi32, #tpu.memory_space<vmem>>) target_semaphore(%run_scoped3A : memref<!tpu.dma_semaphore, #tpu.memory_space<semaphore_mem>>)
      %dma_wait3A_20 = tpu.memref_slice %arg3[%mul3A_2] : memref<2048xi32, #tpu.memory_space<hbm>> -> memref<64xi32, #tpu.memory_space<hbm>>
      %dma_wait3A_21 = tpu.memref_slice %arg3[%mul3A_2] : memref<2048xi32, #tpu.memory_space<hbm>> -> memref<64xi32, #tpu.memory_space<hbm>>
      tpu.wait_dma2 semaphore(%run_scoped3A : memref<!tpu.dma_semaphore, #tpu.memory_space<semaphore_mem>>) src(%dma_wait3A_21 : memref<64xi32, #tpu.memory_space<hbm>>) dst(%arg8 : memref<64xi32, #tpu.memory_space<vmem>>)
      tpu.yield
    }) : () -> ()
    "tpu.region"() ({
      %run_scoped3A = tpu.sem_alloc : memref<!tpu.dma_semaphore, #tpu.memory_space<semaphore_mem>>
      %dma_start3A_18 = tpu.memref_slice %arg4[%mul3A_2] : memref<2048xi32, #tpu.memory_space<hbm>> -> memref<64xi32, #tpu.memory_space<hbm>>
      %dma_start3A_19 = tpu.memref_slice %arg4[%mul3A_2] : memref<2048xi32, #tpu.memory_space<hbm>> -> memref<64xi32, #tpu.memory_space<hbm>>
      tpu.enqueue_dma source(%dma_start3A_19 : memref<64xi32, #tpu.memory_space<hbm>>) target(%arg9 : memref<64xi32, #tpu.memory_space<vmem>>) target_semaphore(%run_scoped3A : memref<!tpu.dma_semaphore, #tpu.memory_space<semaphore_mem>>)
      %dma_wait3A_20 = tpu.memref_slice %arg4[%mul3A_2] : memref<2048xi32, #tpu.memory_space<hbm>> -> memref<64xi32, #tpu.memory_space<hbm>>
      %dma_wait3A_21 = tpu.memref_slice %arg4[%mul3A_2] : memref<2048xi32, #tpu.memory_space<hbm>> -> memref<64xi32, #tpu.memory_space<hbm>>
      tpu.wait_dma2 semaphore(%run_scoped3A : memref<!tpu.dma_semaphore, #tpu.memory_space<semaphore_mem>>) src(%dma_wait3A_21 : memref<64xi32, #tpu.memory_space<hbm>>) dst(%arg9 : memref<64xi32, #tpu.memory_space<vmem>>)
      tpu.yield
    }) : () -> ()
    "tpu.region"() ({
      %run_scoped3A = tpu.sem_alloc : memref<!tpu.dma_semaphore, #tpu.memory_space<semaphore_mem>>
      %dma_start3A_18 = tpu.memref_slice %arg5[%mul3A_2] : memref<2048xf32, #tpu.memory_space<hbm>> -> memref<64xf32, #tpu.memory_space<hbm>>
      %dma_start3A_19 = tpu.memref_slice %arg5[%mul3A_2] : memref<2048xf32, #tpu.memory_space<hbm>> -> memref<64xf32, #tpu.memory_space<hbm>>
      tpu.enqueue_dma source(%dma_start3A_19 : memref<64xf32, #tpu.memory_space<hbm>>) target(%arg10 : memref<64xf32, #tpu.memory_space<vmem>>) target_semaphore(%run_scoped3A : memref<!tpu.dma_semaphore, #tpu.memory_space<semaphore_mem>>)
      %dma_wait3A_20 = tpu.memref_slice %arg5[%mul3A_2] : memref<2048xf32, #tpu.memory_space<hbm>> -> memref<64xf32, #tpu.memory_space<hbm>>
      %dma_wait3A_21 = tpu.memref_slice %arg5[%mul3A_2] : memref<2048xf32, #tpu.memory_space<hbm>> -> memref<64xf32, #tpu.memory_space<hbm>>
      tpu.wait_dma2 semaphore(%run_scoped3A : memref<!tpu.dma_semaphore, #tpu.memory_space<semaphore_mem>>) src(%dma_wait3A_21 : memref<64xf32, #tpu.memory_space<hbm>>) dst(%arg10 : memref<64xf32, #tpu.memory_space<vmem>>)
      tpu.yield
    }) : () -> ()
    "tpu.region"() ({
      %run_scoped3A = tpu.sem_alloc : memref<!tpu.dma_semaphore, #tpu.memory_space<semaphore_mem>>
      %dma_start3A_18 = tpu.memref_slice %arg6[%mul3A_2] : memref<2048xf32, #tpu.memory_space<hbm>> -> memref<64xf32, #tpu.memory_space<hbm>>
      %dma_start3A_19 = tpu.memref_slice %arg6[%mul3A_2] : memref<2048xf32, #tpu.memory_space<hbm>> -> memref<64xf32, #tpu.memory_space<hbm>>
      tpu.enqueue_dma source(%dma_start3A_19 : memref<64xf32, #tpu.memory_space<hbm>>) target(%arg11 : memref<64xf32, #tpu.memory_space<vmem>>) target_semaphore(%run_scoped3A : memref<!tpu.dma_semaphore, #tpu.memory_space<semaphore_mem>>)
      %dma_wait3A_20 = tpu.memref_slice %arg6[%mul3A_2] : memref<2048xf32, #tpu.memory_space<hbm>> -> memref<64xf32, #tpu.memory_space<hbm>>
      %dma_wait3A_21 = tpu.memref_slice %arg6[%mul3A_2] : memref<2048xf32, #tpu.memory_space<hbm>> -> memref<64xf32, #tpu.memory_space<hbm>>
      tpu.wait_dma2 semaphore(%run_scoped3A : memref<!tpu.dma_semaphore, #tpu.memory_space<semaphore_mem>>) src(%dma_wait3A_21 : memref<64xf32, #tpu.memory_space<hbm>>) dst(%arg11 : memref<64xf32, #tpu.memory_space<vmem>>)
      tpu.yield
    }) : () -> ()
    %dma_start3A = arith.constant 0 : i32
    %dma_start3A_3 = arith.constant 0 : i32
    %dma_start3A_4 = tpu.memref_slice %arg2[%dma_start3A, %dma_start3A_3] : memref<6144x768xf32, #tpu.memory_space<hbm>> -> memref<6144x768xf32, #tpu.memory_space<hbm>>
    tpu.enqueue_indirect_dma source(%dma_start3A_4 : memref<6144x768xf32, #tpu.memory_space<hbm>>) target(%arg12 : memref<64x768xf32, #tpu.memory_space<vmem>>) offsets(%arg8 : memref<64xi32, #tpu.memory_space<vmem>>) semaphore(%arg14 : memref<!tpu.dma_semaphore, #tpu.memory_space<semaphore_mem>>)
    %dma_start3A_5 = arith.constant 0 : i32
    %dma_start3A_6 = arith.constant 0 : i32
    %dma_start3A_7 = tpu.memref_slice %arg2[%dma_start3A_5, %dma_start3A_6] : memref<6144x768xf32, #tpu.memory_space<hbm>> -> memref<6144x768xf32, #tpu.memory_space<hbm>>
    tpu.enqueue_indirect_dma source(%dma_start3A_7 : memref<6144x768xf32, #tpu.memory_space<hbm>>) target(%arg13 : memref<64x768xf32, #tpu.memory_space<vmem>>) offsets(%arg9 : memref<64xi32, #tpu.memory_space<vmem>>) semaphore(%arg14 : memref<!tpu.dma_semaphore, #tpu.memory_space<semaphore_mem>>)
    %dma_wait3A = arith.constant 0 : i32
    %dma_wait3A_8 = arith.constant 0 : i32
    %dma_wait3A_9 = tpu.memref_slice %arg2[%dma_wait3A, %dma_wait3A_8] : memref<6144x768xf32, #tpu.memory_space<hbm>> -> memref<6144x768xf32, #tpu.memory_space<hbm>>
    tpu.wait_indirect_dma semaphore(%arg14 : memref<!tpu.dma_semaphore, #tpu.memory_space<semaphore_mem>>) src(%dma_wait3A_9 : memref<6144x768xf32, #tpu.memory_space<hbm>>) dst(%arg12 : memref<64x768xf32, #tpu.memory_space<vmem>>)
    %dma_wait3A_10 = arith.constant 0 : i32
    %dma_wait3A_11 = arith.constant 0 : i32
    %dma_wait3A_12 = tpu.memref_slice %arg2[%dma_wait3A_10, %dma_wait3A_11] : memref<6144x768xf32, #tpu.memory_space<hbm>> -> memref<6144x768xf32, #tpu.memory_space<hbm>>
    tpu.wait_indirect_dma semaphore(%arg14 : memref<!tpu.dma_semaphore, #tpu.memory_space<semaphore_mem>>) src(%dma_wait3A_12 : memref<6144x768xf32, #tpu.memory_space<hbm>>) dst(%arg13 : memref<64x768xf32, #tpu.memory_space<vmem>>)
    %scan3A = arith.constant 0 : i32
    %scan3A_13 = arith.constant 0 : i32
    %scan3A_14 = arith.constant 64 : i32
    %scan3A_15 = arith.addi %scan3A_13, %scan3A_14 : i32
    %scan3A_16 = arith.constant 1 : i32
    scf.for %scan3A_18 = %scan3A_13 to %scan3A_15 step %scan3A_16  : i32 {
      %broadcast_in_dim3A = vector.broadcast %scan3A_18 : i32 to vector<16xi32>
      %gather3A = tpu.vector_load_idx %arg10[%broadcast_in_dim3A] : memref<64xf32, #tpu.memory_space<vmem>>[vector<16xi32>], vector<16xf32>,
      %gather3A_19 = tpu.vector_load_idx %arg11[%broadcast_in_dim3A] : memref<64xf32, #tpu.memory_space<vmem>>[vector<16xi32>], vector<16xf32>,
      %get3A = arith.index_cast %scan3A_18 : i32 to index
      %get3A_20 = arith.constant 0 : index
      %get3A_21 = tpu.vector_load %arg12[%get3A, %get3A_20] {strides = array<i32>} : memref<64x768xf32, #tpu.memory_space<vmem>>, vector<16xf32>,
      %mul3A_22 = arith.mulf %get3A_21, %gather3A : vector<16xf32>
      %get3A_23 = arith.index_cast %scan3A_18 : i32 to index
      %get3A_24 = arith.constant 0 : index
      %get3A_25 = tpu.vector_load %arg13[%get3A_23, %get3A_24] {strides = array<i32>} : memref<64x768xf32, #tpu.memory_space<vmem>>, vector<16xf32>,
      %mul3A_26 = arith.mulf %get3A_25, %gather3A_19 : vector<16xf32>
      %add3A_27 = arith.addf %mul3A_22, %mul3A_26 : vector<16xf32>
      %swap3A = arith.index_cast %scan3A_18 : i32 to index
      %swap3A_28 = arith.constant 0 : index
      %swap3A_29 = tpu.vector_load %arg12[%swap3A, %swap3A_28] {strides = array<i32>} : memref<64x768xf32, #tpu.memory_space<vmem>>, vector<16xf32>,
      tpu.vector_store %arg12[%swap3A, %swap3A_28], %add3A_27 {strides = array<i32>} : memref<64x768xf32, #tpu.memory_space<vmem>>, vector<16xf32>,
      %get3A_30 = arith.index_cast %scan3A_18 : i32 to index
      %get3A_31 = arith.constant 16 : index
      %get3A_32 = tpu.vector_load %arg12[%get3A_30, %get3A_31] {strides = array<i32>} : memref<64x768xf32, #tpu.memory_space<vmem>>, vector<16xf32>,
      %mul3A_33 = arith.mulf %get3A_32, %gather3A : vector<16xf32>
      %get3A_34 = arith.index_cast %scan3A_18 : i32 to index
      %get3A_35 = arith.constant 16 : index
      %get3A_36 = tpu.vector_load %arg13[%get3A_34, %get3A_35] {strides = array<i32>} : memref<64x768xf32, #tpu.memory_space<vmem>>, vector<16xf32>,
      %mul3A_37 = arith.mulf %get3A_36, %gather3A_19 : vector<16xf32>
      %add3A_38 = arith.addf %mul3A_33, %mul3A_37 : vector<16xf32>
      %swap3A_39 = arith.index_cast %scan3A_18 : i32 to index
      %swap3A_40 = arith.constant 16 : index
      %swap3A_41 = tpu.vector_load %arg12[%swap3A_39, %swap3A_40] {strides = array<i32>} : memref<64x768xf32, #tpu.memory_space<vmem>>, vector<16xf32>,
      tpu.vector_store %arg12[%swap3A_39, %swap3A_40], %add3A_38 {strides = array<i32>} : memref<64x768xf32, #tpu.memory_space<vmem>>, vector<16xf32>,
      %get3A_42 = arith.index_cast %scan3A_18 : i32 to index
      %get3A_43 = arith.constant 32 : index
      %get3A_44 = tpu.vector_load %arg12[%get3A_42, %get3A_43] {strides = array<i32>} : memref<64x768xf32, #tpu.memory_space<vmem>>, vector<16xf32>,
      %mul3A_45 = arith.mulf %get3A_44, %gather3A : vector<16xf32>
      %get3A_46 = arith.index_cast %scan3A_18 : i32 to index
      %get3A_47 = arith.constant 32 : index
      %get3A_48 = tpu.vector_load %arg13[%get3A_46, %get3A_47] {strides = array<i32>} : memref<64x768xf32, #tpu.memory_space<vmem>>, vector<16xf32>,
      %mul3A_49 = arith.mulf %get3A_48, %gather3A_19 : vector<16xf32>
      %add3A_50 = arith.addf %mul3A_45, %mul3A_49 : vector<16xf32>
      %swap3A_51 = arith.index_cast %scan3A_18 : i32 to index
      %swap3A_52 = arith.constant 32 : index
      %swap3A_53 = tpu.vector_load %arg12[%swap3A_51, %swap3A_52] {strides = array<i32>} : memref<64x768xf32, #tpu.memory_space<vmem>>, vector<16xf32>,
      tpu.vector_store %arg12[%swap3A_51, %swap3A_52], %add3A_50 {strides = array<i32>} : memref<64x768xf32, #tpu.memory_space<vmem>>, vector<16xf32>,
      %get3A_54 = arith.index_cast %scan3A_18 : i32 to index
      %get3A_55 = arith.constant 48 : index
      %get3A_56 = tpu.vector_load %arg12[%get3A_54, %get3A_55] {strides = array<i32>} : memref<64x768xf32, #tpu.memory_space<vmem>>, vector<16xf32>,
      %mul3A_57 = arith.mulf %get3A_56, %gather3A : vector<16xf32>
      %get3A_58 = arith.index_cast %scan3A_18 : i32 to index
      %get3A_59 = arith.constant 48 : index
      %get3A_60 = tpu.vector_load %arg13[%get3A_58, %get3A_59] {strides = array<i32>} : memref<64x768xf32, #tpu.memory_space<vmem>>, vector<16xf32>,
      %mul3A_61 = arith.mulf %get3A_60, %gather3A_19 : vector<16xf32>
      %add3A_62 = arith.addf %mul3A_57, %mul3A_61 : vector<16xf32>
      %swap3A_63 = arith.index_cast %scan3A_18 : i32 to index
      %swap3A_64 = arith.constant 48 : index
      %swap3A_65 = tpu.vector_load %arg12[%swap3A_63, %swap3A_64] {strides = array<i32>} : memref<64x768xf32, #tpu.memory_space<vmem>>, vector<16xf32>,
      tpu.vector_store %arg12[%swap3A_63, %swap3A_64], %add3A_62 {strides = array<i32>} : memref<64x768xf32, #tpu.memory_space<vmem>>, vector<16xf32>,
      %get3A_66 = arith.index_cast %scan3A_18 : i32 to index
      %get3A_67 = arith.constant 64 : index
      %get3A_68 = tpu.vector_load %arg12[%get3A_66, %get3A_67] {strides = array<i32>} : memref<64x768xf32, #tpu.memory_space<vmem>>, vector<16xf32>,
      %mul3A_69 = arith.mulf %get3A_68, %gather3A : vector<16xf32>
      %get3A_70 = arith.index_cast %scan3A_18 : i32 to index
      %get3A_71 = arith.constant 64 : index
      %get3A_72 = tpu.vector_load %arg13[%get3A_70, %get3A_71] {strides = array<i32>} : memref<64x768xf32, #tpu.memory_space<vmem>>, vector<16xf32>,
      %mul3A_73 = arith.mulf %get3A_72, %gather3A_19 : vector<16xf32>
      %add3A_74 = arith.addf %mul3A_69, %mul3A_73 : vector<16xf32>
      %swap3A_75 = arith.index_cast %scan3A_18 : i32 to index
      %swap3A_76 = arith.constant 64 : index
      %swap3A_77 = tpu.vector_load %arg12[%swap3A_75, %swap3A_76] {strides = array<i32>} : memref<64x768xf32, #tpu.memory_space<vmem>>, vector<16xf32>,
      tpu.vector_store %arg12[%swap3A_75, %swap3A_76], %add3A_74 {strides = array<i32>} : memref<64x768xf32, #tpu.memory_space<vmem>>, vector<16xf32>,
      %get3A_78 = arith.index_cast %scan3A_18 : i32 to index
      %get3A_79 = arith.constant 80 : index
      %get3A_80 = tpu.vector_load %arg12[%get3A_78, %get3A_79] {strides = array<i32>} : memref<64x768xf32, #tpu.memory_space<vmem>>, vector<16xf32>,
      %mul3A_81 = arith.mulf %get3A_80, %gather3A : vector<16xf32>
      %get3A_82 = arith.index_cast %scan3A_18 : i32 to index
      %get3A_83 = arith.constant 80 : index
      %get3A_84 = tpu.vector_load %arg13[%get3A_82, %get3A_83] {strides = array<i32>} : memref<64x768xf32, #tpu.memory_space<vmem>>, vector<16xf32>,
      %mul3A_85 = arith.mulf %get3A_84, %gather3A_19 : vector<16xf32>
      %add3A_86 = arith.addf %mul3A_81, %mul3A_85 : vector<16xf32>
      %swap3A_87 = arith.index_cast %scan3A_18 : i32 to index
      %swap3A_88 = arith.constant 80 : index
      %swap3A_89 = tpu.vector_load %arg12[%swap3A_87, %swap3A_88] {strides = array<i32>} : memref<64x768xf32, #tpu.memory_space<vmem>>, vector<16xf32>,
      tpu.vector_store %arg12[%swap3A_87, %swap3A_88], %add3A_86 {strides = array<i32>} : memref<64x768xf32, #tpu.memory_space<vmem>>, vector<16xf32>,
      %get3A_90 = arith.index_cast %scan3A_18 : i32 to index
      %get3A_91 = arith.constant 96 : index
      %get3A_92 = tpu.vector_load %arg12[%get3A_90, %get3A_91] {strides = array<i32>} : memref<64x768xf32, #tpu.memory_space<vmem>>, vector<16xf32>,
      %mul3A_93 = arith.mulf %get3A_92, %gather3A : vector<16xf32>
      %get3A_94 = arith.index_cast %scan3A_18 : i32 to index
      %get3A_95 = arith.constant 96 : index
      %get3A_96 = tpu.vector_load %arg13[%get3A_94, %get3A_95] {strides = array<i32>} : memref<64x768xf32, #tpu.memory_space<vmem>>, vector<16xf32>,
      %mul3A_97 = arith.mulf %get3A_96, %gather3A_19 : vector<16xf32>
      %add3A_98 = arith.addf %mul3A_93, %mul3A_97 : vector<16xf32>
      %swap3A_99 = arith.index_cast %scan3A_18 : i32 to index
      %swap3A_100 = arith.constant 96 : index
      %swap3A_101 = tpu.vector_load %arg12[%swap3A_99, %swap3A_100] {strides = array<i32>} : memref<64x768xf32, #tpu.memory_space<vmem>>, vector<16xf32>,
      tpu.vector_store %arg12[%swap3A_99, %swap3A_100], %add3A_98 {strides = array<i32>} : memref<64x768xf32, #tpu.memory_space<vmem>>, vector<16xf32>,
      %get3A_102 = arith.index_cast %scan3A_18 : i32 to index
      %get3A_103 = arith.constant 112 : index
      %get3A_104 = tpu.vector_load %arg12[%get3A_102, %get3A_103] {strides = array<i32>} : memref<64x768xf32, #tpu.memory_space<vmem>>, vector<16xf32>,
      %mul3A_105 = arith.mulf %get3A_104, %gather3A : vector<16xf32>
      %get3A_106 = arith.index_cast %scan3A_18 : i32 to index
      %get3A_107 = arith.constant 112 : index
      %get3A_108 = tpu.vector_load %arg13[%get3A_106, %get3A_107] {strides = array<i32>} : memref<64x768xf32, #tpu.memory_space<vmem>>, vector<16xf32>,
      %mul3A_109 = arith.mulf %get3A_108, %gather3A_19 : vector<16xf32>
      %add3A_110 = arith.addf %mul3A_105, %mul3A_109 : vector<16xf32>
      %swap3A_111 = arith.index_cast %scan3A_18 : i32 to index
      %swap3A_112 = arith.constant 112 : index
      %swap3A_113 = tpu.vector_load %arg12[%swap3A_111, %swap3A_112] {strides = array<i32>} : memref<64x768xf32, #tpu.memory_space<vmem>>, vector<16xf32>,
      tpu.vector_store %arg12[%swap3A_111, %swap3A_112], %add3A_110 {strides = array<i32>} : memref<64x768xf32, #tpu.memory_space<vmem>>, vector<16xf32>,
      %get3A_114 = arith.index_cast %scan3A_18 : i32 to index
      %get3A_115 = arith.constant 128 : index
      %get3A_116 = tpu.vector_load %arg12[%get3A_114, %get3A_115] {strides = array<i32>} : memref<64x768xf32, #tpu.memory_space<vmem>>, vector<16xf32>,
      %mul3A_117 = arith.mulf %get3A_116, %gather3A : vector<16xf32>
      %get3A_118 = arith.index_cast %scan3A_18 : i32 to index
      %get3A_119 = arith.constant 128 : index
      %get3A_120 = tpu.vector_load %arg13[%get3A_118, %get3A_119] {strides = array<i32>} : memref<64x768xf32, #tpu.memory_space<vmem>>, vector<16xf32>,
      %mul3A_121 = arith.mulf %get3A_120, %gather3A_19 : vector<16xf32>
      %add3A_122 = arith.addf %mul3A_117, %mul3A_121 : vector<16xf32>
      %swap3A_123 = arith.index_cast %scan3A_18 : i32 to index
      %swap3A_124 = arith.constant 128 : index
      %swap3A_125 = tpu.vector_load %arg12[%swap3A_123, %swap3A_124] {strides = array<i32>} : memref<64x768xf32, #tpu.memory_space<vmem>>, vector<16xf32>,
      tpu.vector_store %arg12[%swap3A_123, %swap3A_124], %add3A_122 {strides = array<i32>} : memref<64x768xf32, #tpu.memory_space<vmem>>, vector<16xf32>,
      %get3A_126 = arith.index_cast %scan3A_18 : i32 to index
      %get3A_127 = arith.constant 144 : index
      %get3A_128 = tpu.vector_load %arg12[%get3A_126, %get3A_127] {strides = array<i32>} : memref<64x768xf32, #tpu.memory_space<vmem>>, vector<16xf32>,
      %mul3A_129 = arith.mulf %get3A_128, %gather3A : vector<16xf32>
      %get3A_130 = arith.index_cast %scan3A_18 : i32 to index
      %get3A_131 = arith.constant 144 : index
      %get3A_132 = tpu.vector_load %arg13[%get3A_130, %get3A_131] {strides = array<i32>} : memref<64x768xf32, #tpu.memory_space<vmem>>, vector<16xf32>,
      %mul3A_133 = arith.mulf %get3A_132, %gather3A_19 : vector<16xf32>
      %add3A_134 = arith.addf %mul3A_129, %mul3A_133 : vector<16xf32>
      %swap3A_135 = arith.index_cast %scan3A_18 : i32 to index
      %swap3A_136 = arith.constant 144 : index
      %swap3A_137 = tpu.vector_load %arg12[%swap3A_135, %swap3A_136] {strides = array<i32>} : memref<64x768xf32, #tpu.memory_space<vmem>>, vector<16xf32>,
      tpu.vector_store %arg12[%swap3A_135, %swap3A_136], %add3A_134 {strides = array<i32>} : memref<64x768xf32, #tpu.memory_space<vmem>>, vector<16xf32>,
      %get3A_138 = arith.index_cast %scan3A_18 : i32 to index
      %get3A_139 = arith.constant 160 : index
      %get3A_140 = tpu.vector_load %arg12[%get3A_138, %get3A_139] {strides = array<i32>} : memref<64x768xf32, #tpu.memory_space<vmem>>, vector<16xf32>,
      %mul3A_141 = arith.mulf %get3A_140, %gather3A : vector<16xf32>
      %get3A_142 = arith.index_cast %scan3A_18 : i32 to index
      %get3A_143 = arith.constant 160 : index
      %get3A_144 = tpu.vector_load %arg13[%get3A_142, %get3A_143] {strides = array<i32>} : memref<64x768xf32, #tpu.memory_space<vmem>>, vector<16xf32>,
      %mul3A_145 = arith.mulf %get3A_144, %gather3A_19 : vector<16xf32>
      %add3A_146 = arith.addf %mul3A_141, %mul3A_145 : vector<16xf32>
      %swap3A_147 = arith.index_cast %scan3A_18 : i32 to index
      %swap3A_148 = arith.constant 160 : index
      %swap3A_149 = tpu.vector_load %arg12[%swap3A_147, %swap3A_148] {strides = array<i32>} : memref<64x768xf32, #tpu.memory_space<vmem>>, vector<16xf32>,
      tpu.vector_store %arg12[%swap3A_147, %swap3A_148], %add3A_146 {strides = array<i32>} : memref<64x768xf32, #tpu.memory_space<vmem>>, vector<16xf32>,
      %get3A_150 = arith.index_cast %scan3A_18 : i32 to index
      %get3A_151 = arith.constant 176 : index
      %get3A_152 = tpu.vector_load %arg12[%get3A_150, %get3A_151] {strides = array<i32>} : memref<64x768xf32, #tpu.memory_space<vmem>>, vector<16xf32>,
      %mul3A_153 = arith.mulf %get3A_152, %gather3A : vector<16xf32>
      %get3A_154 = arith.index_cast %scan3A_18 : i32 to index
      %get3A_155 = arith.constant 176 : index
      %get3A_156 = tpu.vector_load %arg13[%get3A_154, %get3A_155] {strides = array<i32>} : memref<64x768xf32, #tpu.memory_space<vmem>>, vector<16xf32>,
      %mul3A_157 = arith.mulf %get3A_156, %gather3A_19 : vector<16xf32>
      %add3A_158 = arith.addf %mul3A_153, %mul3A_157 : vector<16xf32>
      %swap3A_159 = arith.index_cast %scan3A_18 : i32 to index
      %swap3A_160 = arith.constant 176 : index
      %swap3A_161 = tpu.vector_load %arg12[%swap3A_159, %swap3A_160] {strides = array<i32>} : memref<64x768xf32, #tpu.memory_space<vmem>>, vector<16xf32>,
      tpu.vector_store %arg12[%swap3A_159, %swap3A_160], %add3A_158 {strides = array<i32>} : memref<64x768xf32, #tpu.memory_space<vmem>>, vector<16xf32>,
      %get3A_162 = arith.index_cast %scan3A_18 : i32 to index
      %get3A_163 = arith.constant 192 : index
      %get3A_164 = tpu.vector_load %arg12[%get3A_162, %get3A_163] {strides = array<i32>} : memref<64x768xf32, #tpu.memory_space<vmem>>, vector<16xf32>,
      %mul3A_165 = arith.mulf %get3A_164, %gather3A : vector<16xf32>
      %get3A_166 = arith.index_cast %scan3A_18 : i32 to index
      %get3A_167 = arith.constant 192 : index
      %get3A_168 = tpu.vector_load %arg13[%get3A_166, %get3A_167] {strides = array<i32>} : memref<64x768xf32, #tpu.memory_space<vmem>>, vector<16xf32>,
      %mul3A_169 = arith.mulf %get3A_168, %gather3A_19 : vector<16xf32>
      %add3A_170 = arith.addf %mul3A_165, %mul3A_169 : vector<16xf32>
      %swap3A_171 = arith.index_cast %scan3A_18 : i32 to index
      %swap3A_172 = arith.constant 192 : index
      %swap3A_173 = tpu.vector_load %arg12[%swap3A_171, %swap3A_172] {strides = array<i32>} : memref<64x768xf32, #tpu.memory_space<vmem>>, vector<16xf32>,
      tpu.vector_store %arg12[%swap3A_171, %swap3A_172], %add3A_170 {strides = array<i32>} : memref<64x768xf32, #tpu.memory_space<vmem>>, vector<16xf32>,
      %get3A_174 = arith.index_cast %scan3A_18 : i32 to index
      %get3A_175 = arith.constant 208 : index
      %get3A_176 = tpu.vector_load %arg12[%get3A_174, %get3A_175] {strides = array<i32>} : memref<64x768xf32, #tpu.memory_space<vmem>>, vector<16xf32>,
      %mul3A_177 = arith.mulf %get3A_176, %gather3A : vector<16xf32>
      %get3A_178 = arith.index_cast %scan3A_18 : i32 to index
      %get3A_179 = arith.constant 208 : index
      %get3A_180 = tpu.vector_load %arg13[%get3A_178, %get3A_179] {strides = array<i32>} : memref<64x768xf32, #tpu.memory_space<vmem>>, vector<16xf32>,
      %mul3A_181 = arith.mulf %get3A_180, %gather3A_19 : vector<16xf32>
      %add3A_182 = arith.addf %mul3A_177, %mul3A_181 : vector<16xf32>
      %swap3A_183 = arith.index_cast %scan3A_18 : i32 to index
      %swap3A_184 = arith.constant 208 : index
      %swap3A_185 = tpu.vector_load %arg12[%swap3A_183, %swap3A_184] {strides = array<i32>} : memref<64x768xf32, #tpu.memory_space<vmem>>, vector<16xf32>,
      tpu.vector_store %arg12[%swap3A_183, %swap3A_184], %add3A_182 {strides = array<i32>} : memref<64x768xf32, #tpu.memory_space<vmem>>, vector<16xf32>,
      %get3A_186 = arith.index_cast %scan3A_18 : i32 to index
      %get3A_187 = arith.constant 224 : index
      %get3A_188 = tpu.vector_load %arg12[%get3A_186, %get3A_187] {strides = array<i32>} : memref<64x768xf32, #tpu.memory_space<vmem>>, vector<16xf32>,
      %mul3A_189 = arith.mulf %get3A_188, %gather3A : vector<16xf32>
      %get3A_190 = arith.index_cast %scan3A_18 : i32 to index
      %get3A_191 = arith.constant 224 : index
      %get3A_192 = tpu.vector_load %arg13[%get3A_190, %get3A_191] {strides = array<i32>} : memref<64x768xf32, #tpu.memory_space<vmem>>, vector<16xf32>,
      %mul3A_193 = arith.mulf %get3A_192, %gather3A_19 : vector<16xf32>
      %add3A_194 = arith.addf %mul3A_189, %mul3A_193 : vector<16xf32>
      %swap3A_195 = arith.index_cast %scan3A_18 : i32 to index
      %swap3A_196 = arith.constant 224 : index
      %swap3A_197 = tpu.vector_load %arg12[%swap3A_195, %swap3A_196] {strides = array<i32>} : memref<64x768xf32, #tpu.memory_space<vmem>>, vector<16xf32>,
      tpu.vector_store %arg12[%swap3A_195, %swap3A_196], %add3A_194 {strides = array<i32>} : memref<64x768xf32, #tpu.memory_space<vmem>>, vector<16xf32>,
      %get3A_198 = arith.index_cast %scan3A_18 : i32 to index
      %get3A_199 = arith.constant 240 : index
      %get3A_200 = tpu.vector_load %arg12[%get3A_198, %get3A_199] {strides = array<i32>} : memref<64x768xf32, #tpu.memory_space<vmem>>, vector<16xf32>,
      %mul3A_201 = arith.mulf %get3A_200, %gather3A : vector<16xf32>
      %get3A_202 = arith.index_cast %scan3A_18 : i32 to index
      %get3A_203 = arith.constant 240 : index
      %get3A_204 = tpu.vector_load %arg13[%get3A_202, %get3A_203] {strides = array<i32>} : memref<64x768xf32, #tpu.memory_space<vmem>>, vector<16xf32>,
      %mul3A_205 = arith.mulf %get3A_204, %gather3A_19 : vector<16xf32>
      %add3A_206 = arith.addf %mul3A_201, %mul3A_205 : vector<16xf32>
      %swap3A_207 = arith.index_cast %scan3A_18 : i32 to index
      %swap3A_208 = arith.constant 240 : index
      %swap3A_209 = tpu.vector_load %arg12[%swap3A_207, %swap3A_208] {strides = array<i32>} : memref<64x768xf32, #tpu.memory_space<vmem>>, vector<16xf32>,
      tpu.vector_store %arg12[%swap3A_207, %swap3A_208], %add3A_206 {strides = array<i32>} : memref<64x768xf32, #tpu.memory_space<vmem>>, vector<16xf32>,
      %get3A_210 = arith.index_cast %scan3A_18 : i32 to index
      %get3A_211 = arith.constant 256 : index
      %get3A_212 = tpu.vector_load %arg12[%get3A_210, %get3A_211] {strides = array<i32>} : memref<64x768xf32, #tpu.memory_space<vmem>>, vector<16xf32>,
      %mul3A_213 = arith.mulf %get3A_212, %gather3A : vector<16xf32>
      %get3A_214 = arith.index_cast %scan3A_18 : i32 to index
      %get3A_215 = arith.constant 256 : index
      %get3A_216 = tpu.vector_load %arg13[%get3A_214, %get3A_215] {strides = array<i32>} : memref<64x768xf32, #tpu.memory_space<vmem>>, vector<16xf32>,
      %mul3A_217 = arith.mulf %get3A_216, %gather3A_19 : vector<16xf32>
      %add3A_218 = arith.addf %mul3A_213, %mul3A_217 : vector<16xf32>
      %swap3A_219 = arith.index_cast %scan3A_18 : i32 to index
      %swap3A_220 = arith.constant 256 : index
      %swap3A_221 = tpu.vector_load %arg12[%swap3A_219, %swap3A_220] {strides = array<i32>} : memref<64x768xf32, #tpu.memory_space<vmem>>, vector<16xf32>,
      tpu.vector_store %arg12[%swap3A_219, %swap3A_220], %add3A_218 {strides = array<i32>} : memref<64x768xf32, #tpu.memory_space<vmem>>, vector<16xf32>,
      %get3A_222 = arith.index_cast %scan3A_18 : i32 to index
      %get3A_223 = arith.constant 272 : index
      %get3A_224 = tpu.vector_load %arg12[%get3A_222, %get3A_223] {strides = array<i32>} : memref<64x768xf32, #tpu.memory_space<vmem>>, vector<16xf32>,
      %mul3A_225 = arith.mulf %get3A_224, %gather3A : vector<16xf32>
      %get3A_226 = arith.index_cast %scan3A_18 : i32 to index
      %get3A_227 = arith.constant 272 : index
      %get3A_228 = tpu.vector_load %arg13[%get3A_226, %get3A_227] {strides = array<i32>} : memref<64x768xf32, #tpu.memory_space<vmem>>, vector<16xf32>,
      %mul3A_229 = arith.mulf %get3A_228, %gather3A_19 : vector<16xf32>
      %add3A_230 = arith.addf %mul3A_225, %mul3A_229 : vector<16xf32>
      %swap3A_231 = arith.index_cast %scan3A_18 : i32 to index
      %swap3A_232 = arith.constant 272 : index
      %swap3A_233 = tpu.vector_load %arg12[%swap3A_231, %swap3A_232] {strides = array<i32>} : memref<64x768xf32, #tpu.memory_space<vmem>>, vector<16xf32>,
      tpu.vector_store %arg12[%swap3A_231, %swap3A_232], %add3A_230 {strides = array<i32>} : memref<64x768xf32, #tpu.memory_space<vmem>>, vector<16xf32>,
      %get3A_234 = arith.index_cast %scan3A_18 : i32 to index
      %get3A_235 = arith.constant 288 : index
      %get3A_236 = tpu.vector_load %arg12[%get3A_234, %get3A_235] {strides = array<i32>} : memref<64x768xf32, #tpu.memory_space<vmem>>, vector<16xf32>,
      %mul3A_237 = arith.mulf %get3A_236, %gather3A : vector<16xf32>
      %get3A_238 = arith.index_cast %scan3A_18 : i32 to index
      %get3A_239 = arith.constant 288 : index
      %get3A_240 = tpu.vector_load %arg13[%get3A_238, %get3A_239] {strides = array<i32>} : memref<64x768xf32, #tpu.memory_space<vmem>>, vector<16xf32>,
      %mul3A_241 = arith.mulf %get3A_240, %gather3A_19 : vector<16xf32>
      %add3A_242 = arith.addf %mul3A_237, %mul3A_241 : vector<16xf32>
      %swap3A_243 = arith.index_cast %scan3A_18 : i32 to index
      %swap3A_244 = arith.constant 288 : index
      %swap3A_245 = tpu.vector_load %arg12[%swap3A_243, %swap3A_244] {strides = array<i32>} : memref<64x768xf32, #tpu.memory_space<vmem>>, vector<16xf32>,
      tpu.vector_store %arg12[%swap3A_243, %swap3A_244], %add3A_242 {strides = array<i32>} : memref<64x768xf32, #tpu.memory_space<vmem>>, vector<16xf32>,
      %get3A_246 = arith.index_cast %scan3A_18 : i32 to index
      %get3A_247 = arith.constant 304 : index
      %get3A_248 = tpu.vector_load %arg12[%get3A_246, %get3A_247] {strides = array<i32>} : memref<64x768xf32, #tpu.memory_space<vmem>>, vector<16xf32>,
      %mul3A_249 = arith.mulf %get3A_248, %gather3A : vector<16xf32>
      %get3A_250 = arith.index_cast %scan3A_18 : i32 to index
      %get3A_251 = arith.constant 304 : index
      %get3A_252 = tpu.vector_load %arg13[%get3A_250, %get3A_251] {strides = array<i32>} : memref<64x768xf32, #tpu.memory_space<vmem>>, vector<16xf32>,
      %mul3A_253 = arith.mulf %get3A_252, %gather3A_19 : vector<16xf32>
      %add3A_254 = arith.addf %mul3A_249, %mul3A_253 : vector<16xf32>
      %swap3A_255 = arith.index_cast %scan3A_18 : i32 to index
      %swap3A_256 = arith.constant 304 : index
      %swap3A_257 = tpu.vector_load %arg12[%swap3A_255, %swap3A_256] {strides = array<i32>} : memref<64x768xf32, #tpu.memory_space<vmem>>, vector<16xf32>,
      tpu.vector_store %arg12[%swap3A_255, %swap3A_256], %add3A_254 {strides = array<i32>} : memref<64x768xf32, #tpu.memory_space<vmem>>, vector<16xf32>,
      %get3A_258 = arith.index_cast %scan3A_18 : i32 to index
      %get3A_259 = arith.constant 320 : index
      %get3A_260 = tpu.vector_load %arg12[%get3A_258, %get3A_259] {strides = array<i32>} : memref<64x768xf32, #tpu.memory_space<vmem>>, vector<16xf32>,
      %mul3A_261 = arith.mulf %get3A_260, %gather3A : vector<16xf32>
      %get3A_262 = arith.index_cast %scan3A_18 : i32 to index
      %get3A_263 = arith.constant 320 : index
      %get3A_264 = tpu.vector_load %arg13[%get3A_262, %get3A_263] {strides = array<i32>} : memref<64x768xf32, #tpu.memory_space<vmem>>, vector<16xf32>,
      %mul3A_265 = arith.mulf %get3A_264, %gather3A_19 : vector<16xf32>
      %add3A_266 = arith.addf %mul3A_261, %mul3A_265 : vector<16xf32>
      %swap3A_267 = arith.index_cast %scan3A_18 : i32 to index
      %swap3A_268 = arith.constant 320 : index
      %swap3A_269 = tpu.vector_load %arg12[%swap3A_267, %swap3A_268] {strides = array<i32>} : memref<64x768xf32, #tpu.memory_space<vmem>>, vector<16xf32>,
      tpu.vector_store %arg12[%swap3A_267, %swap3A_268], %add3A_266 {strides = array<i32>} : memref<64x768xf32, #tpu.memory_space<vmem>>, vector<16xf32>,
      %get3A_270 = arith.index_cast %scan3A_18 : i32 to index
      %get3A_271 = arith.constant 336 : index
      %get3A_272 = tpu.vector_load %arg12[%get3A_270, %get3A_271] {strides = array<i32>} : memref<64x768xf32, #tpu.memory_space<vmem>>, vector<16xf32>,
      %mul3A_273 = arith.mulf %get3A_272, %gather3A : vector<16xf32>
      %get3A_274 = arith.index_cast %scan3A_18 : i32 to index
      %get3A_275 = arith.constant 336 : index
      %get3A_276 = tpu.vector_load %arg13[%get3A_274, %get3A_275] {strides = array<i32>} : memref<64x768xf32, #tpu.memory_space<vmem>>, vector<16xf32>,
      %mul3A_277 = arith.mulf %get3A_276, %gather3A_19 : vector<16xf32>
      %add3A_278 = arith.addf %mul3A_273, %mul3A_277 : vector<16xf32>
      %swap3A_279 = arith.index_cast %scan3A_18 : i32 to index
      %swap3A_280 = arith.constant 336 : index
      %swap3A_281 = tpu.vector_load %arg12[%swap3A_279, %swap3A_280] {strides = array<i32>} : memref<64x768xf32, #tpu.memory_space<vmem>>, vector<16xf32>,
      tpu.vector_store %arg12[%swap3A_279, %swap3A_280], %add3A_278 {strides = array<i32>} : memref<64x768xf32, #tpu.memory_space<vmem>>, vector<16xf32>,
      %get3A_282 = arith.index_cast %scan3A_18 : i32 to index
      %get3A_283 = arith.constant 352 : index
      %get3A_284 = tpu.vector_load %arg12[%get3A_282, %get3A_283] {strides = array<i32>} : memref<64x768xf32, #tpu.memory_space<vmem>>, vector<16xf32>,
      %mul3A_285 = arith.mulf %get3A_284, %gather3A : vector<16xf32>
      %get3A_286 = arith.index_cast %scan3A_18 : i32 to index
      %get3A_287 = arith.constant 352 : index
      %get3A_288 = tpu.vector_load %arg13[%get3A_286, %get3A_287] {strides = array<i32>} : memref<64x768xf32, #tpu.memory_space<vmem>>, vector<16xf32>,
      %mul3A_289 = arith.mulf %get3A_288, %gather3A_19 : vector<16xf32>
      %add3A_290 = arith.addf %mul3A_285, %mul3A_289 : vector<16xf32>
      %swap3A_291 = arith.index_cast %scan3A_18 : i32 to index
      %swap3A_292 = arith.constant 352 : index
      %swap3A_293 = tpu.vector_load %arg12[%swap3A_291, %swap3A_292] {strides = array<i32>} : memref<64x768xf32, #tpu.memory_space<vmem>>, vector<16xf32>,
      tpu.vector_store %arg12[%swap3A_291, %swap3A_292], %add3A_290 {strides = array<i32>} : memref<64x768xf32, #tpu.memory_space<vmem>>, vector<16xf32>,
      %get3A_294 = arith.index_cast %scan3A_18 : i32 to index
      %get3A_295 = arith.constant 368 : index
      %get3A_296 = tpu.vector_load %arg12[%get3A_294, %get3A_295] {strides = array<i32>} : memref<64x768xf32, #tpu.memory_space<vmem>>, vector<16xf32>,
      %mul3A_297 = arith.mulf %get3A_296, %gather3A : vector<16xf32>
      %get3A_298 = arith.index_cast %scan3A_18 : i32 to index
      %get3A_299 = arith.constant 368 : index
      %get3A_300 = tpu.vector_load %arg13[%get3A_298, %get3A_299] {strides = array<i32>} : memref<64x768xf32, #tpu.memory_space<vmem>>, vector<16xf32>,
      %mul3A_301 = arith.mulf %get3A_300, %gather3A_19 : vector<16xf32>
      %add3A_302 = arith.addf %mul3A_297, %mul3A_301 : vector<16xf32>
      %swap3A_303 = arith.index_cast %scan3A_18 : i32 to index
      %swap3A_304 = arith.constant 368 : index
      %swap3A_305 = tpu.vector_load %arg12[%swap3A_303, %swap3A_304] {strides = array<i32>} : memref<64x768xf32, #tpu.memory_space<vmem>>, vector<16xf32>,
      tpu.vector_store %arg12[%swap3A_303, %swap3A_304], %add3A_302 {strides = array<i32>} : memref<64x768xf32, #tpu.memory_space<vmem>>, vector<16xf32>,
      %get3A_306 = arith.index_cast %scan3A_18 : i32 to index
      %get3A_307 = arith.constant 384 : index
      %get3A_308 = tpu.vector_load %arg12[%get3A_306, %get3A_307] {strides = array<i32>} : memref<64x768xf32, #tpu.memory_space<vmem>>, vector<16xf32>,
      %mul3A_309 = arith.mulf %get3A_308, %gather3A : vector<16xf32>
      %get3A_310 = arith.index_cast %scan3A_18 : i32 to index
      %get3A_311 = arith.constant 384 : index
      %get3A_312 = tpu.vector_load %arg13[%get3A_310, %get3A_311] {strides = array<i32>} : memref<64x768xf32, #tpu.memory_space<vmem>>, vector<16xf32>,
      %mul3A_313 = arith.mulf %get3A_312, %gather3A_19 : vector<16xf32>
      %add3A_314 = arith.addf %mul3A_309, %mul3A_313 : vector<16xf32>
      %swap3A_315 = arith.index_cast %scan3A_18 : i32 to index
      %swap3A_316 = arith.constant 384 : index
      %swap3A_317 = tpu.vector_load %arg12[%swap3A_315, %swap3A_316] {strides = array<i32>} : memref<64x768xf32, #tpu.memory_space<vmem>>, vector<16xf32>,
      tpu.vector_store %arg12[%swap3A_315, %swap3A_316], %add3A_314 {strides = array<i32>} : memref<64x768xf32, #tpu.memory_space<vmem>>, vector<16xf32>,
      %get3A_318 = arith.index_cast %scan3A_18 : i32 to index
      %get3A_319 = arith.constant 400 : index
      %get3A_320 = tpu.vector_load %arg12[%get3A_318, %get3A_319] {strides = array<i32>} : memref<64x768xf32, #tpu.memory_space<vmem>>, vector<16xf32>,
      %mul3A_321 = arith.mulf %get3A_320, %gather3A : vector<16xf32>
      %get3A_322 = arith.index_cast %scan3A_18 : i32 to index
      %get3A_323 = arith.constant 400 : index
      %get3A_324 = tpu.vector_load %arg13[%get3A_322, %get3A_323] {strides = array<i32>} : memref<64x768xf32, #tpu.memory_space<vmem>>, vector<16xf32>,
      %mul3A_325 = arith.mulf %get3A_324, %gather3A_19 : vector<16xf32>
      %add3A_326 = arith.addf %mul3A_321, %mul3A_325 : vector<16xf32>
      %swap3A_327 = arith.index_cast %scan3A_18 : i32 to index
      %swap3A_328 = arith.constant 400 : index
      %swap3A_329 = tpu.vector_load %arg12[%swap3A_327, %swap3A_328] {strides = array<i32>} : memref<64x768xf32, #tpu.memory_space<vmem>>, vector<16xf32>,
      tpu.vector_store %arg12[%swap3A_327, %swap3A_328], %add3A_326 {strides = array<i32>} : memref<64x768xf32, #tpu.memory_space<vmem>>, vector<16xf32>,
      %get3A_330 = arith.index_cast %scan3A_18 : i32 to index
      %get3A_331 = arith.constant 416 : index
      %get3A_332 = tpu.vector_load %arg12[%get3A_330, %get3A_331] {strides = array<i32>} : memref<64x768xf32, #tpu.memory_space<vmem>>, vector<16xf32>,
      %mul3A_333 = arith.mulf %get3A_332, %gather3A : vector<16xf32>
      %get3A_334 = arith.index_cast %scan3A_18 : i32 to index
      %get3A_335 = arith.constant 416 : index
      %get3A_336 = tpu.vector_load %arg13[%get3A_334, %get3A_335] {strides = array<i32>} : memref<64x768xf32, #tpu.memory_space<vmem>>, vector<16xf32>,
      %mul3A_337 = arith.mulf %get3A_336, %gather3A_19 : vector<16xf32>
      %add3A_338 = arith.addf %mul3A_333, %mul3A_337 : vector<16xf32>
      %swap3A_339 = arith.index_cast %scan3A_18 : i32 to index
      %swap3A_340 = arith.constant 416 : index
      %swap3A_341 = tpu.vector_load %arg12[%swap3A_339, %swap3A_340] {strides = array<i32>} : memref<64x768xf32, #tpu.memory_space<vmem>>, vector<16xf32>,
      tpu.vector_store %arg12[%swap3A_339, %swap3A_340], %add3A_338 {strides = array<i32>} : memref<64x768xf32, #tpu.memory_space<vmem>>, vector<16xf32>,
      %get3A_342 = arith.index_cast %scan3A_18 : i32 to index
      %get3A_343 = arith.constant 432 : index
      %get3A_344 = tpu.vector_load %arg12[%get3A_342, %get3A_343] {strides = array<i32>} : memref<64x768xf32, #tpu.memory_space<vmem>>, vector<16xf32>,
      %mul3A_345 = arith.mulf %get3A_344, %gather3A : vector<16xf32>
      %get3A_346 = arith.index_cast %scan3A_18 : i32 to index
      %get3A_347 = arith.constant 432 : index
      %get3A_348 = tpu.vector_load %arg13[%get3A_346, %get3A_347] {strides = array<i32>} : memref<64x768xf32, #tpu.memory_space<vmem>>, vector<16xf32>,
      %mul3A_349 = arith.mulf %get3A_348, %gather3A_19 : vector<16xf32>
      %add3A_350 = arith.addf %mul3A_345, %mul3A_349 : vector<16xf32>
      %swap3A_351 = arith.index_cast %scan3A_18 : i32 to index
      %swap3A_352 = arith.constant 432 : index
      %swap3A_353 = tpu.vector_load %arg12[%swap3A_351, %swap3A_352] {strides = array<i32>} : memref<64x768xf32, #tpu.memory_space<vmem>>, vector<16xf32>,
      tpu.vector_store %arg12[%swap3A_351, %swap3A_352], %add3A_350 {strides = array<i32>} : memref<64x768xf32, #tpu.memory_space<vmem>>, vector<16xf32>,
      %get3A_354 = arith.index_cast %scan3A_18 : i32 to index
      %get3A_355 = arith.constant 448 : index
      %get3A_356 = tpu.vector_load %arg12[%get3A_354, %get3A_355] {strides = array<i32>} : memref<64x768xf32, #tpu.memory_space<vmem>>, vector<16xf32>,
      %mul3A_357 = arith.mulf %get3A_356, %gather3A : vector<16xf32>
      %get3A_358 = arith.index_cast %scan3A_18 : i32 to index
      %get3A_359 = arith.constant 448 : index
      %get3A_360 = tpu.vector_load %arg13[%get3A_358, %get3A_359] {strides = array<i32>} : memref<64x768xf32, #tpu.memory_space<vmem>>, vector<16xf32>,
      %mul3A_361 = arith.mulf %get3A_360, %gather3A_19 : vector<16xf32>
      %add3A_362 = arith.addf %mul3A_357, %mul3A_361 : vector<16xf32>
      %swap3A_363 = arith.index_cast %scan3A_18 : i32 to index
      %swap3A_364 = arith.constant 448 : index
      %swap3A_365 = tpu.vector_load %arg12[%swap3A_363, %swap3A_364] {strides = array<i32>} : memref<64x768xf32, #tpu.memory_space<vmem>>, vector<16xf32>,
      tpu.vector_store %arg12[%swap3A_363, %swap3A_364], %add3A_362 {strides = array<i32>} : memref<64x768xf32, #tpu.memory_space<vmem>>, vector<16xf32>,
      %get3A_366 = arith.index_cast %scan3A_18 : i32 to index
      %get3A_367 = arith.constant 464 : index
      %get3A_368 = tpu.vector_load %arg12[%get3A_366, %get3A_367] {strides = array<i32>} : memref<64x768xf32, #tpu.memory_space<vmem>>, vector<16xf32>,
      %mul3A_369 = arith.mulf %get3A_368, %gather3A : vector<16xf32>
      %get3A_370 = arith.index_cast %scan3A_18 : i32 to index
      %get3A_371 = arith.constant 464 : index
      %get3A_372 = tpu.vector_load %arg13[%get3A_370, %get3A_371] {strides = array<i32>} : memref<64x768xf32, #tpu.memory_space<vmem>>, vector<16xf32>,
      %mul3A_373 = arith.mulf %get3A_372, %gather3A_19 : vector<16xf32>
      %add3A_374 = arith.addf %mul3A_369, %mul3A_373 : vector<16xf32>
      %swap3A_375 = arith.index_cast %scan3A_18 : i32 to index
      %swap3A_376 = arith.constant 464 : index
      %swap3A_377 = tpu.vector_load %arg12[%swap3A_375, %swap3A_376] {strides = array<i32>} : memref<64x768xf32, #tpu.memory_space<vmem>>, vector<16xf32>,
      tpu.vector_store %arg12[%swap3A_375, %swap3A_376], %add3A_374 {strides = array<i32>} : memref<64x768xf32, #tpu.memory_space<vmem>>, vector<16xf32>,
      %get3A_378 = arith.index_cast %scan3A_18 : i32 to index
      %get3A_379 = arith.constant 480 : index
      %get3A_380 = tpu.vector_load %arg12[%get3A_378, %get3A_379] {strides = array<i32>} : memref<64x768xf32, #tpu.memory_space<vmem>>, vector<16xf32>,
      %mul3A_381 = arith.mulf %get3A_380, %gather3A : vector<16xf32>
      %get3A_382 = arith.index_cast %scan3A_18 : i32 to index
      %get3A_383 = arith.constant 480 : index
      %get3A_384 = tpu.vector_load %arg13[%get3A_382, %get3A_383] {strides = array<i32>} : memref<64x768xf32, #tpu.memory_space<vmem>>, vector<16xf32>,
      %mul3A_385 = arith.mulf %get3A_384, %gather3A_19 : vector<16xf32>
      %add3A_386 = arith.addf %mul3A_381, %mul3A_385 : vector<16xf32>
      %swap3A_387 = arith.index_cast %scan3A_18 : i32 to index
      %swap3A_388 = arith.constant 480 : index
      %swap3A_389 = tpu.vector_load %arg12[%swap3A_387, %swap3A_388] {strides = array<i32>} : memref<64x768xf32, #tpu.memory_space<vmem>>, vector<16xf32>,
      tpu.vector_store %arg12[%swap3A_387, %swap3A_388], %add3A_386 {strides = array<i32>} : memref<64x768xf32, #tpu.memory_space<vmem>>, vector<16xf32>,
      %get3A_390 = arith.index_cast %scan3A_18 : i32 to index
      %get3A_391 = arith.constant 496 : index
      %get3A_392 = tpu.vector_load %arg12[%get3A_390, %get3A_391] {strides = array<i32>} : memref<64x768xf32, #tpu.memory_space<vmem>>, vector<16xf32>,
      %mul3A_393 = arith.mulf %get3A_392, %gather3A : vector<16xf32>
      %get3A_394 = arith.index_cast %scan3A_18 : i32 to index
      %get3A_395 = arith.constant 496 : index
      %get3A_396 = tpu.vector_load %arg13[%get3A_394, %get3A_395] {strides = array<i32>} : memref<64x768xf32, #tpu.memory_space<vmem>>, vector<16xf32>,
      %mul3A_397 = arith.mulf %get3A_396, %gather3A_19 : vector<16xf32>
      %add3A_398 = arith.addf %mul3A_393, %mul3A_397 : vector<16xf32>
      %swap3A_399 = arith.index_cast %scan3A_18 : i32 to index
      %swap3A_400 = arith.constant 496 : index
      %swap3A_401 = tpu.vector_load %arg12[%swap3A_399, %swap3A_400] {strides = array<i32>} : memref<64x768xf32, #tpu.memory_space<vmem>>, vector<16xf32>,
      tpu.vector_store %arg12[%swap3A_399, %swap3A_400], %add3A_398 {strides = array<i32>} : memref<64x768xf32, #tpu.memory_space<vmem>>, vector<16xf32>,
      %get3A_402 = arith.index_cast %scan3A_18 : i32 to index
      %get3A_403 = arith.constant 512 : index
      %get3A_404 = tpu.vector_load %arg12[%get3A_402, %get3A_403] {strides = array<i32>} : memref<64x768xf32, #tpu.memory_space<vmem>>, vector<16xf32>,
      %mul3A_405 = arith.mulf %get3A_404, %gather3A : vector<16xf32>
      %get3A_406 = arith.index_cast %scan3A_18 : i32 to index
      %get3A_407 = arith.constant 512 : index
      %get3A_408 = tpu.vector_load %arg13[%get3A_406, %get3A_407] {strides = array<i32>} : memref<64x768xf32, #tpu.memory_space<vmem>>, vector<16xf32>,
      %mul3A_409 = arith.mulf %get3A_408, %gather3A_19 : vector<16xf32>
      %add3A_410 = arith.addf %mul3A_405, %mul3A_409 : vector<16xf32>
      %swap3A_411 = arith.index_cast %scan3A_18 : i32 to index
      %swap3A_412 = arith.constant 512 : index
      %swap3A_413 = tpu.vector_load %arg12[%swap3A_411, %swap3A_412] {strides = array<i32>} : memref<64x768xf32, #tpu.memory_space<vmem>>, vector<16xf32>,
      tpu.vector_store %arg12[%swap3A_411, %swap3A_412], %add3A_410 {strides = array<i32>} : memref<64x768xf32, #tpu.memory_space<vmem>>, vector<16xf32>,
      %get3A_414 = arith.index_cast %scan3A_18 : i32 to index
      %get3A_415 = arith.constant 528 : index
      %get3A_416 = tpu.vector_load %arg12[%get3A_414, %get3A_415] {strides = array<i32>} : memref<64x768xf32, #tpu.memory_space<vmem>>, vector<16xf32>,
      %mul3A_417 = arith.mulf %get3A_416, %gather3A : vector<16xf32>
      %get3A_418 = arith.index_cast %scan3A_18 : i32 to index
      %get3A_419 = arith.constant 528 : index
      %get3A_420 = tpu.vector_load %arg13[%get3A_418, %get3A_419] {strides = array<i32>} : memref<64x768xf32, #tpu.memory_space<vmem>>, vector<16xf32>,
      %mul3A_421 = arith.mulf %get3A_420, %gather3A_19 : vector<16xf32>
      %add3A_422 = arith.addf %mul3A_417, %mul3A_421 : vector<16xf32>
      %swap3A_423 = arith.index_cast %scan3A_18 : i32 to index
      %swap3A_424 = arith.constant 528 : index
      %swap3A_425 = tpu.vector_load %arg12[%swap3A_423, %swap3A_424] {strides = array<i32>} : memref<64x768xf32, #tpu.memory_space<vmem>>, vector<16xf32>,
      tpu.vector_store %arg12[%swap3A_423, %swap3A_424], %add3A_422 {strides = array<i32>} : memref<64x768xf32, #tpu.memory_space<vmem>>, vector<16xf32>,
      %get3A_426 = arith.index_cast %scan3A_18 : i32 to index
      %get3A_427 = arith.constant 544 : index
      %get3A_428 = tpu.vector_load %arg12[%get3A_426, %get3A_427] {strides = array<i32>} : memref<64x768xf32, #tpu.memory_space<vmem>>, vector<16xf32>,
      %mul3A_429 = arith.mulf %get3A_428, %gather3A : vector<16xf32>
      %get3A_430 = arith.index_cast %scan3A_18 : i32 to index
      %get3A_431 = arith.constant 544 : index
      %get3A_432 = tpu.vector_load %arg13[%get3A_430, %get3A_431] {strides = array<i32>} : memref<64x768xf32, #tpu.memory_space<vmem>>, vector<16xf32>,
      %mul3A_433 = arith.mulf %get3A_432, %gather3A_19 : vector<16xf32>
      %add3A_434 = arith.addf %mul3A_429, %mul3A_433 : vector<16xf32>
      %swap3A_435 = arith.index_cast %scan3A_18 : i32 to index
      %swap3A_436 = arith.constant 544 : index
      %swap3A_437 = tpu.vector_load %arg12[%swap3A_435, %swap3A_436] {strides = array<i32>} : memref<64x768xf32, #tpu.memory_space<vmem>>, vector<16xf32>,
      tpu.vector_store %arg12[%swap3A_435, %swap3A_436], %add3A_434 {strides = array<i32>} : memref<64x768xf32, #tpu.memory_space<vmem>>, vector<16xf32>,
      %get3A_438 = arith.index_cast %scan3A_18 : i32 to index
      %get3A_439 = arith.constant 560 : index
      %get3A_440 = tpu.vector_load %arg12[%get3A_438, %get3A_439] {strides = array<i32>} : memref<64x768xf32, #tpu.memory_space<vmem>>, vector<16xf32>,
      %mul3A_441 = arith.mulf %get3A_440, %gather3A : vector<16xf32>
      %get3A_442 = arith.index_cast %scan3A_18 : i32 to index
      %get3A_443 = arith.constant 560 : index
      %get3A_444 = tpu.vector_load %arg13[%get3A_442, %get3A_443] {strides = array<i32>} : memref<64x768xf32, #tpu.memory_space<vmem>>, vector<16xf32>,
      %mul3A_445 = arith.mulf %get3A_444, %gather3A_19 : vector<16xf32>
      %add3A_446 = arith.addf %mul3A_441, %mul3A_445 : vector<16xf32>
      %swap3A_447 = arith.index_cast %scan3A_18 : i32 to index
      %swap3A_448 = arith.constant 560 : index
      %swap3A_449 = tpu.vector_load %arg12[%swap3A_447, %swap3A_448] {strides = array<i32>} : memref<64x768xf32, #tpu.memory_space<vmem>>, vector<16xf32>,
      tpu.vector_store %arg12[%swap3A_447, %swap3A_448], %add3A_446 {strides = array<i32>} : memref<64x768xf32, #tpu.memory_space<vmem>>, vector<16xf32>,
      %get3A_450 = arith.index_cast %scan3A_18 : i32 to index
      %get3A_451 = arith.constant 576 : index
      %get3A_452 = tpu.vector_load %arg12[%get3A_450, %get3A_451] {strides = array<i32>} : memref<64x768xf32, #tpu.memory_space<vmem>>, vector<16xf32>,
      %mul3A_453 = arith.mulf %get3A_452, %gather3A : vector<16xf32>
      %get3A_454 = arith.index_cast %scan3A_18 : i32 to index
      %get3A_455 = arith.constant 576 : index
      %get3A_456 = tpu.vector_load %arg13[%get3A_454, %get3A_455] {strides = array<i32>} : memref<64x768xf32, #tpu.memory_space<vmem>>, vector<16xf32>,
      %mul3A_457 = arith.mulf %get3A_456, %gather3A_19 : vector<16xf32>
      %add3A_458 = arith.addf %mul3A_453, %mul3A_457 : vector<16xf32>
      %swap3A_459 = arith.index_cast %scan3A_18 : i32 to index
      %swap3A_460 = arith.constant 576 : index
      %swap3A_461 = tpu.vector_load %arg12[%swap3A_459, %swap3A_460] {strides = array<i32>} : memref<64x768xf32, #tpu.memory_space<vmem>>, vector<16xf32>,
      tpu.vector_store %arg12[%swap3A_459, %swap3A_460], %add3A_458 {strides = array<i32>} : memref<64x768xf32, #tpu.memory_space<vmem>>, vector<16xf32>,
      %get3A_462 = arith.index_cast %scan3A_18 : i32 to index
      %get3A_463 = arith.constant 592 : index
      %get3A_464 = tpu.vector_load %arg12[%get3A_462, %get3A_463] {strides = array<i32>} : memref<64x768xf32, #tpu.memory_space<vmem>>, vector<16xf32>,
      %mul3A_465 = arith.mulf %get3A_464, %gather3A : vector<16xf32>
      %get3A_466 = arith.index_cast %scan3A_18 : i32 to index
      %get3A_467 = arith.constant 592 : index
      %get3A_468 = tpu.vector_load %arg13[%get3A_466, %get3A_467] {strides = array<i32>} : memref<64x768xf32, #tpu.memory_space<vmem>>, vector<16xf32>,
      %mul3A_469 = arith.mulf %get3A_468, %gather3A_19 : vector<16xf32>
      %add3A_470 = arith.addf %mul3A_465, %mul3A_469 : vector<16xf32>
      %swap3A_471 = arith.index_cast %scan3A_18 : i32 to index
      %swap3A_472 = arith.constant 592 : index
      %swap3A_473 = tpu.vector_load %arg12[%swap3A_471, %swap3A_472] {strides = array<i32>} : memref<64x768xf32, #tpu.memory_space<vmem>>, vector<16xf32>,
      tpu.vector_store %arg12[%swap3A_471, %swap3A_472], %add3A_470 {strides = array<i32>} : memref<64x768xf32, #tpu.memory_space<vmem>>, vector<16xf32>,
      %get3A_474 = arith.index_cast %scan3A_18 : i32 to index
      %get3A_475 = arith.constant 608 : index
      %get3A_476 = tpu.vector_load %arg12[%get3A_474, %get3A_475] {strides = array<i32>} : memref<64x768xf32, #tpu.memory_space<vmem>>, vector<16xf32>,
      %mul3A_477 = arith.mulf %get3A_476, %gather3A : vector<16xf32>
      %get3A_478 = arith.index_cast %scan3A_18 : i32 to index
      %get3A_479 = arith.constant 608 : index
      %get3A_480 = tpu.vector_load %arg13[%get3A_478, %get3A_479] {strides = array<i32>} : memref<64x768xf32, #tpu.memory_space<vmem>>, vector<16xf32>,
      %mul3A_481 = arith.mulf %get3A_480, %gather3A_19 : vector<16xf32>
      %add3A_482 = arith.addf %mul3A_477, %mul3A_481 : vector<16xf32>
      %swap3A_483 = arith.index_cast %scan3A_18 : i32 to index
      %swap3A_484 = arith.constant 608 : index
      %swap3A_485 = tpu.vector_load %arg12[%swap3A_483, %swap3A_484] {strides = array<i32>} : memref<64x768xf32, #tpu.memory_space<vmem>>, vector<16xf32>,
      tpu.vector_store %arg12[%swap3A_483, %swap3A_484], %add3A_482 {strides = array<i32>} : memref<64x768xf32, #tpu.memory_space<vmem>>, vector<16xf32>,
      %get3A_486 = arith.index_cast %scan3A_18 : i32 to index
      %get3A_487 = arith.constant 624 : index
      %get3A_488 = tpu.vector_load %arg12[%get3A_486, %get3A_487] {strides = array<i32>} : memref<64x768xf32, #tpu.memory_space<vmem>>, vector<16xf32>,
      %mul3A_489 = arith.mulf %get3A_488, %gather3A : vector<16xf32>
      %get3A_490 = arith.index_cast %scan3A_18 : i32 to index
      %get3A_491 = arith.constant 624 : index
      %get3A_492 = tpu.vector_load %arg13[%get3A_490, %get3A_491] {strides = array<i32>} : memref<64x768xf32, #tpu.memory_space<vmem>>, vector<16xf32>,
      %mul3A_493 = arith.mulf %get3A_492, %gather3A_19 : vector<16xf32>
      %add3A_494 = arith.addf %mul3A_489, %mul3A_493 : vector<16xf32>
      %swap3A_495 = arith.index_cast %scan3A_18 : i32 to index
      %swap3A_496 = arith.constant 624 : index
      %swap3A_497 = tpu.vector_load %arg12[%swap3A_495, %swap3A_496] {strides = array<i32>} : memref<64x768xf32, #tpu.memory_space<vmem>>, vector<16xf32>,
      tpu.vector_store %arg12[%swap3A_495, %swap3A_496], %add3A_494 {strides = array<i32>} : memref<64x768xf32, #tpu.memory_space<vmem>>, vector<16xf32>,
      %get3A_498 = arith.index_cast %scan3A_18 : i32 to index
      %get3A_499 = arith.constant 640 : index
      %get3A_500 = tpu.vector_load %arg12[%get3A_498, %get3A_499] {strides = array<i32>} : memref<64x768xf32, #tpu.memory_space<vmem>>, vector<16xf32>,
      %mul3A_501 = arith.mulf %get3A_500, %gather3A : vector<16xf32>
      %get3A_502 = arith.index_cast %scan3A_18 : i32 to index
      %get3A_503 = arith.constant 640 : index
      %get3A_504 = tpu.vector_load %arg13[%get3A_502, %get3A_503] {strides = array<i32>} : memref<64x768xf32, #tpu.memory_space<vmem>>, vector<16xf32>,
      %mul3A_505 = arith.mulf %get3A_504, %gather3A_19 : vector<16xf32>
      %add3A_506 = arith.addf %mul3A_501, %mul3A_505 : vector<16xf32>
      %swap3A_507 = arith.index_cast %scan3A_18 : i32 to index
      %swap3A_508 = arith.constant 640 : index
      %swap3A_509 = tpu.vector_load %arg12[%swap3A_507, %swap3A_508] {strides = array<i32>} : memref<64x768xf32, #tpu.memory_space<vmem>>, vector<16xf32>,
      tpu.vector_store %arg12[%swap3A_507, %swap3A_508], %add3A_506 {strides = array<i32>} : memref<64x768xf32, #tpu.memory_space<vmem>>, vector<16xf32>,
      %get3A_510 = arith.index_cast %scan3A_18 : i32 to index
      %get3A_511 = arith.constant 656 : index
      %get3A_512 = tpu.vector_load %arg12[%get3A_510, %get3A_511] {strides = array<i32>} : memref<64x768xf32, #tpu.memory_space<vmem>>, vector<16xf32>,
      %mul3A_513 = arith.mulf %get3A_512, %gather3A : vector<16xf32>
      %get3A_514 = arith.index_cast %scan3A_18 : i32 to index
      %get3A_515 = arith.constant 656 : index
      %get3A_516 = tpu.vector_load %arg13[%get3A_514, %get3A_515] {strides = array<i32>} : memref<64x768xf32, #tpu.memory_space<vmem>>, vector<16xf32>,
      %mul3A_517 = arith.mulf %get3A_516, %gather3A_19 : vector<16xf32>
      %add3A_518 = arith.addf %mul3A_513, %mul3A_517 : vector<16xf32>
      %swap3A_519 = arith.index_cast %scan3A_18 : i32 to index
      %swap3A_520 = arith.constant 656 : index
      %swap3A_521 = tpu.vector_load %arg12[%swap3A_519, %swap3A_520] {strides = array<i32>} : memref<64x768xf32, #tpu.memory_space<vmem>>, vector<16xf32>,
      tpu.vector_store %arg12[%swap3A_519, %swap3A_520], %add3A_518 {strides = array<i32>} : memref<64x768xf32, #tpu.memory_space<vmem>>, vector<16xf32>,
      %get3A_522 = arith.index_cast %scan3A_18 : i32 to index
      %get3A_523 = arith.constant 672 : index
      %get3A_524 = tpu.vector_load %arg12[%get3A_522, %get3A_523] {strides = array<i32>} : memref<64x768xf32, #tpu.memory_space<vmem>>, vector<16xf32>,
      %mul3A_525 = arith.mulf %get3A_524, %gather3A : vector<16xf32>
      %get3A_526 = arith.index_cast %scan3A_18 : i32 to index
      %get3A_527 = arith.constant 672 : index
      %get3A_528 = tpu.vector_load %arg13[%get3A_526, %get3A_527] {strides = array<i32>} : memref<64x768xf32, #tpu.memory_space<vmem>>, vector<16xf32>,
      %mul3A_529 = arith.mulf %get3A_528, %gather3A_19 : vector<16xf32>
      %add3A_530 = arith.addf %mul3A_525, %mul3A_529 : vector<16xf32>
      %swap3A_531 = arith.index_cast %scan3A_18 : i32 to index
      %swap3A_532 = arith.constant 672 : index
      %swap3A_533 = tpu.vector_load %arg12[%swap3A_531, %swap3A_532] {strides = array<i32>} : memref<64x768xf32, #tpu.memory_space<vmem>>, vector<16xf32>,
      tpu.vector_store %arg12[%swap3A_531, %swap3A_532], %add3A_530 {strides = array<i32>} : memref<64x768xf32, #tpu.memory_space<vmem>>, vector<16xf32>,
      %get3A_534 = arith.index_cast %scan3A_18 : i32 to index
      %get3A_535 = arith.constant 688 : index
      %get3A_536 = tpu.vector_load %arg12[%get3A_534, %get3A_535] {strides = array<i32>} : memref<64x768xf32, #tpu.memory_space<vmem>>, vector<16xf32>,
      %mul3A_537 = arith.mulf %get3A_536, %gather3A : vector<16xf32>
      %get3A_538 = arith.index_cast %scan3A_18 : i32 to index
      %get3A_539 = arith.constant 688 : index
      %get3A_540 = tpu.vector_load %arg13[%get3A_538, %get3A_539] {strides = array<i32>} : memref<64x768xf32, #tpu.memory_space<vmem>>, vector<16xf32>,
      %mul3A_541 = arith.mulf %get3A_540, %gather3A_19 : vector<16xf32>
      %add3A_542 = arith.addf %mul3A_537, %mul3A_541 : vector<16xf32>
      %swap3A_543 = arith.index_cast %scan3A_18 : i32 to index
      %swap3A_544 = arith.constant 688 : index
      %swap3A_545 = tpu.vector_load %arg12[%swap3A_543, %swap3A_544] {strides = array<i32>} : memref<64x768xf32, #tpu.memory_space<vmem>>, vector<16xf32>,
      tpu.vector_store %arg12[%swap3A_543, %swap3A_544], %add3A_542 {strides = array<i32>} : memref<64x768xf32, #tpu.memory_space<vmem>>, vector<16xf32>,
      %get3A_546 = arith.index_cast %scan3A_18 : i32 to index
      %get3A_547 = arith.constant 704 : index
      %get3A_548 = tpu.vector_load %arg12[%get3A_546, %get3A_547] {strides = array<i32>} : memref<64x768xf32, #tpu.memory_space<vmem>>, vector<16xf32>,
      %mul3A_549 = arith.mulf %get3A_548, %gather3A : vector<16xf32>
      %get3A_550 = arith.index_cast %scan3A_18 : i32 to index
      %get3A_551 = arith.constant 704 : index
      %get3A_552 = tpu.vector_load %arg13[%get3A_550, %get3A_551] {strides = array<i32>} : memref<64x768xf32, #tpu.memory_space<vmem>>, vector<16xf32>,
      %mul3A_553 = arith.mulf %get3A_552, %gather3A_19 : vector<16xf32>
      %add3A_554 = arith.addf %mul3A_549, %mul3A_553 : vector<16xf32>
      %swap3A_555 = arith.index_cast %scan3A_18 : i32 to index
      %swap3A_556 = arith.constant 704 : index
      %swap3A_557 = tpu.vector_load %arg12[%swap3A_555, %swap3A_556] {strides = array<i32>} : memref<64x768xf32, #tpu.memory_space<vmem>>, vector<16xf32>,
      tpu.vector_store %arg12[%swap3A_555, %swap3A_556], %add3A_554 {strides = array<i32>} : memref<64x768xf32, #tpu.memory_space<vmem>>, vector<16xf32>,
      %get3A_558 = arith.index_cast %scan3A_18 : i32 to index
      %get3A_559 = arith.constant 720 : index
      %get3A_560 = tpu.vector_load %arg12[%get3A_558, %get3A_559] {strides = array<i32>} : memref<64x768xf32, #tpu.memory_space<vmem>>, vector<16xf32>,
      %mul3A_561 = arith.mulf %get3A_560, %gather3A : vector<16xf32>
      %get3A_562 = arith.index_cast %scan3A_18 : i32 to index
      %get3A_563 = arith.constant 720 : index
      %get3A_564 = tpu.vector_load %arg13[%get3A_562, %get3A_563] {strides = array<i32>} : memref<64x768xf32, #tpu.memory_space<vmem>>, vector<16xf32>,
      %mul3A_565 = arith.mulf %get3A_564, %gather3A_19 : vector<16xf32>
      %add3A_566 = arith.addf %mul3A_561, %mul3A_565 : vector<16xf32>
      %swap3A_567 = arith.index_cast %scan3A_18 : i32 to index
      %swap3A_568 = arith.constant 720 : index
      %swap3A_569 = tpu.vector_load %arg12[%swap3A_567, %swap3A_568] {strides = array<i32>} : memref<64x768xf32, #tpu.memory_space<vmem>>, vector<16xf32>,
      tpu.vector_store %arg12[%swap3A_567, %swap3A_568], %add3A_566 {strides = array<i32>} : memref<64x768xf32, #tpu.memory_space<vmem>>, vector<16xf32>,
      %get3A_570 = arith.index_cast %scan3A_18 : i32 to index
      %get3A_571 = arith.constant 736 : index
      %get3A_572 = tpu.vector_load %arg12[%get3A_570, %get3A_571] {strides = array<i32>} : memref<64x768xf32, #tpu.memory_space<vmem>>, vector<16xf32>,
      %mul3A_573 = arith.mulf %get3A_572, %gather3A : vector<16xf32>
      %get3A_574 = arith.index_cast %scan3A_18 : i32 to index
      %get3A_575 = arith.constant 736 : index
      %get3A_576 = tpu.vector_load %arg13[%get3A_574, %get3A_575] {strides = array<i32>} : memref<64x768xf32, #tpu.memory_space<vmem>>, vector<16xf32>,
      %mul3A_577 = arith.mulf %get3A_576, %gather3A_19 : vector<16xf32>
      %add3A_578 = arith.addf %mul3A_573, %mul3A_577 : vector<16xf32>
      %swap3A_579 = arith.index_cast %scan3A_18 : i32 to index
      %swap3A_580 = arith.constant 736 : index
      %swap3A_581 = tpu.vector_load %arg12[%swap3A_579, %swap3A_580] {strides = array<i32>} : memref<64x768xf32, #tpu.memory_space<vmem>>, vector<16xf32>,
      tpu.vector_store %arg12[%swap3A_579, %swap3A_580], %add3A_578 {strides = array<i32>} : memref<64x768xf32, #tpu.memory_space<vmem>>, vector<16xf32>,
      %get3A_582 = arith.index_cast %scan3A_18 : i32 to index
      %get3A_583 = arith.constant 752 : index
      %get3A_584 = tpu.vector_load %arg12[%get3A_582, %get3A_583] {strides = array<i32>} : memref<64x768xf32, #tpu.memory_space<vmem>>, vector<16xf32>,
      %mul3A_585 = arith.mulf %get3A_584, %gather3A : vector<16xf32>
      %get3A_586 = arith.index_cast %scan3A_18 : i32 to index
      %get3A_587 = arith.constant 752 : index
      %get3A_588 = tpu.vector_load %arg13[%get3A_586, %get3A_587] {strides = array<i32>} : memref<64x768xf32, #tpu.memory_space<vmem>>, vector<16xf32>,
      %mul3A_589 = arith.mulf %get3A_588, %gather3A_19 : vector<16xf32>
      %add3A_590 = arith.addf %mul3A_585, %mul3A_589 : vector<16xf32>
      %swap3A_591 = arith.index_cast %scan3A_18 : i32 to index
      %swap3A_592 = arith.constant 752 : index
      %swap3A_593 = tpu.vector_load %arg12[%swap3A_591, %swap3A_592] {strides = array<i32>} : memref<64x768xf32, #tpu.memory_space<vmem>>, vector<16xf32>,
      tpu.vector_store %arg12[%swap3A_591, %swap3A_592], %add3A_590 {strides = array<i32>} : memref<64x768xf32, #tpu.memory_space<vmem>>, vector<16xf32>,
    }
    %scan3A_17 = arith.constant 64 : i32
    "tpu.region"() ({
      %run_scoped3A = tpu.sem_alloc : memref<!tpu.dma_semaphore, #tpu.memory_space<semaphore_mem>>
      %dma_start3A_18 = arith.constant 0 : i32
      %dma_start3A_19 = tpu.memref_slice %arg7[%mul3A_2, %dma_start3A_18] : memref<2048x768xf32, #tpu.memory_space<hbm>> -> memref<64x768xf32, #tpu.memory_space<hbm>>
      %dma_start3A_20 = arith.constant 0 : i32
      %dma_start3A_21 = tpu.memref_slice %arg7[%mul3A_2, %dma_start3A_20] : memref<2048x768xf32, #tpu.memory_space<hbm>> -> memref<64x768xf32, #tpu.memory_space<hbm>>
      tpu.enqueue_dma source(%arg12 : memref<64x768xf32, #tpu.memory_space<vmem>>) target(%dma_start3A_21 : memref<64x768xf32, #tpu.memory_space<hbm>>) target_semaphore(%run_scoped3A : memref<!tpu.dma_semaphore, #tpu.memory_space<semaphore_mem>>)
      %dma_wait3A_22 = arith.constant 0 : i32
      %dma_wait3A_23 = tpu.memref_slice %arg7[%mul3A_2, %dma_wait3A_22] : memref<2048x768xf32, #tpu.memory_space<hbm>> -> memref<64x768xf32, #tpu.memory_space<hbm>>
      %dma_wait3A_24 = arith.constant 0 : i32
      %dma_wait3A_25 = tpu.memref_slice %arg7[%mul3A_2, %dma_wait3A_24] : memref<2048x768xf32, #tpu.memory_space<hbm>> -> memref<64x768xf32, #tpu.memory_space<hbm>>
      tpu.wait_dma2 semaphore(%run_scoped3A : memref<!tpu.dma_semaphore, #tpu.memory_space<semaphore_mem>>) src(%arg12 : memref<64x768xf32, #tpu.memory_space<vmem>>) dst(%dma_wait3A_25 : memref<64x768xf32, #tpu.memory_space<hbm>>)
      tpu.yield
    }) : () -> ()
    return
  }
}

#map = affine_map<(d0, d1) -> (0, 0)>
#map1 = affine_map<(d0, d1) -> (0)>
module attributes {stable_mosaic.version = 14 : i64} {
  func.func @_scatter_sc(%arg0: i32, %arg1: i32, %arg2: memref<2048x768xf32, #tpu.memory_space<hbm>>, %arg3: memref<2048xi32, #tpu.memory_space<hbm>>, %arg4: memref<2048xi32, #tpu.memory_space<hbm>>, %arg5: memref<6144x768xf32, #tpu.memory_space<hbm>>, %arg6: memref<64xi32, #tpu.memory_space<vmem>>, %arg7: memref<64xi32, #tpu.memory_space<vmem>>, %arg8: memref<64x768xf32, #tpu.memory_space<vmem>>, %arg9: memref<!tpu.dma_semaphore, #tpu.memory_space<semaphore_mem>>) attributes {dimension_semantics = [#tpu.dimension_semantics<core_parallel>, #tpu.dimension_semantics<subcore_parallel>], iteration_bounds = array<i64: 2, 16>, scalar_prefetch = 0 : i64, scratch_operands = 4 : i64, tpu.core_type = #tpu.core_type<sc_vector_subcore>, window_params = [{transform_indices = #map}, {transform_indices = #map1}, {transform_indices = #map1}, {transform_indices = #map}]} {
    %mul3A = arith.constant 2 : i32
    %mul3A_0 = arith.muli %arg1, %mul3A : i32
    %add3A = arith.addi %mul3A_0, %arg0 : i32
    %mul3A_1 = arith.constant 64 : i32
    %mul3A_2 = arith.muli %add3A, %mul3A_1 : i32
    "tpu.region"() ({
      %run_scoped3A = tpu.sem_alloc : memref<!tpu.dma_semaphore, #tpu.memory_space<semaphore_mem>>
      %dma_start3A_13 = arith.constant 0 : i32
      %dma_start3A_14 = tpu.memref_slice %arg2[%mul3A_2, %dma_start3A_13] : memref<2048x768xf32, #tpu.memory_space<hbm>> -> memref<64x768xf32, #tpu.memory_space<hbm>>
      %dma_start3A_15 = arith.constant 0 : i32
      %dma_start3A_16 = tpu.memref_slice %arg2[%mul3A_2, %dma_start3A_15] : memref<2048x768xf32, #tpu.memory_space<hbm>> -> memref<64x768xf32, #tpu.memory_space<hbm>>
      tpu.enqueue_dma source(%dma_start3A_16 : memref<64x768xf32, #tpu.memory_space<hbm>>) target(%arg8 : memref<64x768xf32, #tpu.memory_space<vmem>>) target_semaphore(%run_scoped3A : memref<!tpu.dma_semaphore, #tpu.memory_space<semaphore_mem>>)
      %dma_wait3A_17 = arith.constant 0 : i32
      %dma_wait3A_18 = tpu.memref_slice %arg2[%mul3A_2, %dma_wait3A_17] : memref<2048x768xf32, #tpu.memory_space<hbm>> -> memref<64x768xf32, #tpu.memory_space<hbm>>
      %dma_wait3A_19 = arith.constant 0 : i32
      %dma_wait3A_20 = tpu.memref_slice %arg2[%mul3A_2, %dma_wait3A_19] : memref<2048x768xf32, #tpu.memory_space<hbm>> -> memref<64x768xf32, #tpu.memory_space<hbm>>
      tpu.wait_dma2 semaphore(%run_scoped3A : memref<!tpu.dma_semaphore, #tpu.memory_space<semaphore_mem>>) src(%dma_wait3A_20 : memref<64x768xf32, #tpu.memory_space<hbm>>) dst(%arg8 : memref<64x768xf32, #tpu.memory_space<vmem>>)
      tpu.yield
    }) : () -> ()
    "tpu.region"() ({
      %run_scoped3A = tpu.sem_alloc : memref<!tpu.dma_semaphore, #tpu.memory_space<semaphore_mem>>
      %dma_start3A_13 = tpu.memref_slice %arg3[%mul3A_2] : memref<2048xi32, #tpu.memory_space<hbm>> -> memref<64xi32, #tpu.memory_space<hbm>>
      %dma_start3A_14 = tpu.memref_slice %arg3[%mul3A_2] : memref<2048xi32, #tpu.memory_space<hbm>> -> memref<64xi32, #tpu.memory_space<hbm>>
      tpu.enqueue_dma source(%dma_start3A_14 : memref<64xi32, #tpu.memory_space<hbm>>) target(%arg6 : memref<64xi32, #tpu.memory_space<vmem>>) target_semaphore(%run_scoped3A : memref<!tpu.dma_semaphore, #tpu.memory_space<semaphore_mem>>)
      %dma_wait3A_15 = tpu.memref_slice %arg3[%mul3A_2] : memref<2048xi32, #tpu.memory_space<hbm>> -> memref<64xi32, #tpu.memory_space<hbm>>
      %dma_wait3A_16 = tpu.memref_slice %arg3[%mul3A_2] : memref<2048xi32, #tpu.memory_space<hbm>> -> memref<64xi32, #tpu.memory_space<hbm>>
      tpu.wait_dma2 semaphore(%run_scoped3A : memref<!tpu.dma_semaphore, #tpu.memory_space<semaphore_mem>>) src(%dma_wait3A_16 : memref<64xi32, #tpu.memory_space<hbm>>) dst(%arg6 : memref<64xi32, #tpu.memory_space<vmem>>)
      tpu.yield
    }) : () -> ()
    "tpu.region"() ({
      %run_scoped3A = tpu.sem_alloc : memref<!tpu.dma_semaphore, #tpu.memory_space<semaphore_mem>>
      %dma_start3A_13 = tpu.memref_slice %arg4[%mul3A_2] : memref<2048xi32, #tpu.memory_space<hbm>> -> memref<64xi32, #tpu.memory_space<hbm>>
      %dma_start3A_14 = tpu.memref_slice %arg4[%mul3A_2] : memref<2048xi32, #tpu.memory_space<hbm>> -> memref<64xi32, #tpu.memory_space<hbm>>
      tpu.enqueue_dma source(%dma_start3A_14 : memref<64xi32, #tpu.memory_space<hbm>>) target(%arg7 : memref<64xi32, #tpu.memory_space<vmem>>) target_semaphore(%run_scoped3A : memref<!tpu.dma_semaphore, #tpu.memory_space<semaphore_mem>>)
      %dma_wait3A_15 = tpu.memref_slice %arg4[%mul3A_2] : memref<2048xi32, #tpu.memory_space<hbm>> -> memref<64xi32, #tpu.memory_space<hbm>>
      %dma_wait3A_16 = tpu.memref_slice %arg4[%mul3A_2] : memref<2048xi32, #tpu.memory_space<hbm>> -> memref<64xi32, #tpu.memory_space<hbm>>
      tpu.wait_dma2 semaphore(%run_scoped3A : memref<!tpu.dma_semaphore, #tpu.memory_space<semaphore_mem>>) src(%dma_wait3A_16 : memref<64xi32, #tpu.memory_space<hbm>>) dst(%arg7 : memref<64xi32, #tpu.memory_space<vmem>>)
      tpu.yield
    }) : () -> ()
    %dma_start3A = arith.constant 0 : i32
    %dma_start3A_3 = arith.constant 0 : i32
    %dma_start3A_4 = tpu.memref_slice %arg5[%dma_start3A, %dma_start3A_3] : memref<6144x768xf32, #tpu.memory_space<hbm>> -> memref<6144x768xf32, #tpu.memory_space<hbm>>
    tpu.enqueue_indirect_dma source(%arg8 : memref<64x768xf32, #tpu.memory_space<vmem>>) target(%dma_start3A_4 : memref<6144x768xf32, #tpu.memory_space<hbm>>) offsets(%arg6 : memref<64xi32, #tpu.memory_space<vmem>>) semaphore(%arg9 : memref<!tpu.dma_semaphore, #tpu.memory_space<semaphore_mem>>)
    %dma_start3A_5 = arith.constant 0 : i32
    %dma_start3A_6 = arith.constant 0 : i32
    %dma_start3A_7 = tpu.memref_slice %arg5[%dma_start3A_5, %dma_start3A_6] : memref<6144x768xf32, #tpu.memory_space<hbm>> -> memref<6144x768xf32, #tpu.memory_space<hbm>>
    tpu.enqueue_indirect_dma source(%arg8 : memref<64x768xf32, #tpu.memory_space<vmem>>) target(%dma_start3A_7 : memref<6144x768xf32, #tpu.memory_space<hbm>>) offsets(%arg7 : memref<64xi32, #tpu.memory_space<vmem>>) semaphore(%arg9 : memref<!tpu.dma_semaphore, #tpu.memory_space<semaphore_mem>>)
    %dma_wait3A = arith.constant 0 : i32
    %dma_wait3A_8 = arith.constant 0 : i32
    %dma_wait3A_9 = tpu.memref_slice %arg5[%dma_wait3A, %dma_wait3A_8] : memref<6144x768xf32, #tpu.memory_space<hbm>> -> memref<6144x768xf32, #tpu.memory_space<hbm>>
    tpu.wait_indirect_dma semaphore(%arg9 : memref<!tpu.dma_semaphore, #tpu.memory_space<semaphore_mem>>) src(%arg8 : memref<64x768xf32, #tpu.memory_space<vmem>>) dst(%dma_wait3A_9 : memref<6144x768xf32, #tpu.memory_space<hbm>>)
    %dma_wait3A_10 = arith.constant 0 : i32
    %dma_wait3A_11 = arith.constant 0 : i32
    %dma_wait3A_12 = tpu.memref_slice %arg5[%dma_wait3A_10, %dma_wait3A_11] : memref<6144x768xf32, #tpu.memory_space<hbm>> -> memref<6144x768xf32, #tpu.memory_space<hbm>>
    tpu.wait_indirect_dma semaphore(%arg9 : memref<!tpu.dma_semaphore, #tpu.memory_space<semaphore_mem>>) src(%arg8 : memref<64x768xf32, #tpu.memory_space<vmem>>) dst(%dma_wait3A_12 : memref<6144x768xf32, #tpu.memory_space<hbm>>)
    return
  }
}

module attributes {stable_mosaic.version = 14 : i64} {
  func.func @_gating_body(%arg0: memref<2048x768xf32, #tpu.memory_space<vmem>>, %arg1: memref<768x256xf32, #tpu.memory_space<vmem>>, %arg2: memref<256x16xf32, #tpu.memory_space<vmem>>, %arg3: memref<2048x2xf32, #tpu.memory_space<vmem>>, %arg4: memref<4096x1xi32, #tpu.memory_space<vmem>>, %arg5: memref<48x1xi32, #tpu.memory_space<vmem>>, %arg6: memref<48x1xi32, #tpu.memory_space<vmem>>, %arg7: memref<1x1xf32, #tpu.memory_space<vmem>>) attributes {dimension_semantics = [], scalar_prefetch = 0 : i64, scratch_operands = 0 : i64, tpu.core_type = #tpu.core_type<tc>} {
    %get3A = arith.constant 0 : index
    %get3A_0 = arith.constant 0 : index
    %get3A_1 = vector.load %arg0[%get3A, %get3A_0] : memref<2048x768xf32, #tpu.memory_space<vmem>>, vector<2048x768xf32>
    %get3A_2 = arith.constant 0 : index
    %get3A_3 = arith.constant 0 : index
    %get3A_4 = vector.load %arg1[%get3A_2, %get3A_3] : memref<768x256xf32, #tpu.memory_space<vmem>>, vector<768x256xf32>
    %dot_general3A = arith.constant dense<0.000000e+00> : vector<2048x256xf32>
    %dot_general3A_5 = tpu.matmul %get3A_1, %get3A_4, %dot_general3A {dimension_numbers = #tpu.dot_dimension_numbers<[1], [0], [0], [1], [0, 0, 1, 1], [], []>, transpose_lhs_hint = false} : vector<2048x768xf32>, vector<768x256xf32>, vector<2048x256xf32> -> vector<2048x256xf32>
    %max3A = arith.constant 0.000000e+00 : f32
    %max3A_6 = vector.broadcast %max3A : f32 to vector<2048x256xf32>
    %max3A_7 = arith.maximumf %dot_general3A_5, %max3A_6 : vector<2048x256xf32>
    %get3A_8 = arith.constant 0 : index
    %get3A_9 = arith.constant 0 : index
    %get3A_10 = vector.load %arg2[%get3A_8, %get3A_9] : memref<256x16xf32, #tpu.memory_space<vmem>>, vector<256x16xf32>
    %dot_general3A_11 = arith.constant dense<0.000000e+00> : vector<2048x16xf32>
    %dot_general3A_12 = tpu.matmul %max3A_7, %get3A_10, %dot_general3A_11 {dimension_numbers = #tpu.dot_dimension_numbers<[1], [0], [0], [1], [0, 0, 1, 1], [], []>, transpose_lhs_hint = false} : vector<2048x256xf32>, vector<256x16xf32>, vector<2048x16xf32> -> vector<2048x16xf32>
    %reduce_max3A = arith.constant dense<0xFF800000> : vector<2048xf32>
    %reduce_max3A_13 = vector.multi_reduction <maximumf>, %dot_general3A_12, %reduce_max3A [1] : vector<2048x16xf32> to vector<2048xf32>
    %broadcast_in_dim3A = vector.shape_cast %reduce_max3A_13 : vector<2048xf32> to vector<2048x1xf32>
    %sub3A = vector.broadcast %broadcast_in_dim3A : vector<2048x1xf32> to vector<2048x16xf32>
    %sub3A_14 = arith.subf %dot_general3A_12, %sub3A : vector<2048x16xf32>
    %exp3A = math.exp %sub3A_14 : vector<2048x16xf32>
    %reduce_sum3A = arith.constant dense<0.000000e+00> : vector<2048xf32>
    %reduce_sum3A_15 = vector.multi_reduction <add>, %exp3A, %reduce_sum3A [1] : vector<2048x16xf32> to vector<2048xf32>
    %broadcast_in_dim3A_16 = vector.shape_cast %reduce_sum3A_15 : vector<2048xf32> to vector<2048x1xf32>
    %div3A = vector.broadcast %broadcast_in_dim3A_16 : vector<2048x1xf32> to vector<2048x16xf32>
    %div3A_17 = arith.divf %exp3A, %div3A : vector<2048x16xf32>
    %iota3A = tpu.iota {dimensions = array<i32: 1>} : vector<2048x16xi32>
    %eq3A = vector.broadcast %broadcast_in_dim3A : vector<2048x1xf32> to vector<2048x16xf32>
    %eq3A_18 = arith.cmpf oeq, %dot_general3A_12, %eq3A : vector<2048x16xf32>
    %jit3A = arith.constant 16 : i32
    %broadcast_in_dim3A_19 = vector.broadcast %jit3A : i32 to vector<2048x16xi32>
    %select_n3A = arith.select %eq3A_18, %iota3A, %broadcast_in_dim3A_19 : vector<2048x16xi1>, vector<2048x16xi32>
    %reduce_min3A = arith.constant dense<2147483647> : vector<2048xi32>
    %reduce_min3A_20 = vector.multi_reduction <minsi>, %select_n3A, %reduce_min3A [1] : vector<2048x16xi32> to vector<2048xi32>
    %broadcast_in_dim3A_21 = vector.shape_cast %reduce_min3A_20 : vector<2048xi32> to vector<2048x1xi32>
    %eq3A_22 = vector.broadcast %broadcast_in_dim3A_21 : vector<2048x1xi32> to vector<2048x16xi32>
    %eq3A_23 = arith.cmpi eq, %iota3A, %eq3A_22 : vector<2048x16xi32>
    %jit3A_24 = arith.constant -1.000000e+30 : f32
    %broadcast_in_dim3A_25 = vector.broadcast %jit3A_24 : f32 to vector<2048x16xf32>
    %select_n3A_26 = arith.select %eq3A_23, %broadcast_in_dim3A_25, %dot_general3A_12 : vector<2048x16xi1>, vector<2048x16xf32>
    %reduce_max3A_27 = arith.constant dense<0xFF800000> : vector<2048xf32>
    %reduce_max3A_28 = vector.multi_reduction <maximumf>, %select_n3A_26, %reduce_max3A_27 [1] : vector<2048x16xf32> to vector<2048xf32>
    %broadcast_in_dim3A_29 = vector.shape_cast %reduce_max3A_28 : vector<2048xf32> to vector<2048x1xf32>
    %eq3A_30 = vector.broadcast %broadcast_in_dim3A_29 : vector<2048x1xf32> to vector<2048x16xf32>
    %eq3A_31 = arith.cmpf oeq, %select_n3A_26, %eq3A_30 : vector<2048x16xf32>
    %jit3A_32 = arith.constant 16 : i32
    %broadcast_in_dim3A_33 = vector.broadcast %jit3A_32 : i32 to vector<2048x16xi32>
    %select_n3A_34 = arith.select %eq3A_31, %iota3A, %broadcast_in_dim3A_33 : vector<2048x16xi1>, vector<2048x16xi32>
    %reduce_min3A_35 = arith.constant dense<2147483647> : vector<2048xi32>
    %reduce_min3A_36 = vector.multi_reduction <minsi>, %select_n3A_34, %reduce_min3A_35 [1] : vector<2048x16xi32> to vector<2048xi32>
    %broadcast_in_dim3A_37 = vector.shape_cast %reduce_min3A_36 : vector<2048xi32> to vector<2048x1xi32>
    %eq3A_38 = vector.broadcast %broadcast_in_dim3A_21 : vector<2048x1xi32> to vector<2048x16xi32>
    %eq3A_39 = arith.cmpi eq, %iota3A, %eq3A_38 : vector<2048x16xi32>
    %jit3A_40 = arith.constant 0.000000e+00 : f32
    %broadcast_in_dim3A_41 = vector.broadcast %jit3A_40 : f32 to vector<2048x16xf32>
    %select_n3A_42 = arith.select %eq3A_39, %div3A_17, %broadcast_in_dim3A_41 : vector<2048x16xi1>, vector<2048x16xf32>
    %reduce_sum3A_43 = arith.constant dense<0.000000e+00> : vector<2048xf32>
    %reduce_sum3A_44 = vector.multi_reduction <add>, %select_n3A_42, %reduce_sum3A_43 [1] : vector<2048x16xf32> to vector<2048xf32>
    %broadcast_in_dim3A_45 = vector.shape_cast %reduce_sum3A_44 : vector<2048xf32> to vector<2048x1xf32>
    %eq3A_46 = vector.broadcast %broadcast_in_dim3A_37 : vector<2048x1xi32> to vector<2048x16xi32>
    %eq3A_47 = arith.cmpi eq, %iota3A, %eq3A_46 : vector<2048x16xi32>
    %jit3A_48 = arith.constant 0.000000e+00 : f32
    %broadcast_in_dim3A_49 = vector.broadcast %jit3A_48 : f32 to vector<2048x16xf32>
    %select_n3A_50 = arith.select %eq3A_47, %div3A_17, %broadcast_in_dim3A_49 : vector<2048x16xi1>, vector<2048x16xf32>
    %reduce_sum3A_51 = arith.constant dense<0.000000e+00> : vector<2048xf32>
    %reduce_sum3A_52 = vector.multi_reduction <add>, %select_n3A_50, %reduce_sum3A_51 [1] : vector<2048x16xf32> to vector<2048xf32>
    %broadcast_in_dim3A_53 = vector.shape_cast %reduce_sum3A_52 : vector<2048xf32> to vector<2048x1xf32>
    %add3A = arith.addf %broadcast_in_dim3A_45, %broadcast_in_dim3A_53 : vector<2048x1xf32>
    %add3A_54 = arith.constant 9.99999971E-10 : f32
    %add3A_55 = vector.broadcast %add3A_54 : f32 to vector<2048x1xf32>
    %add3A_56 = arith.addf %add3A, %add3A_55 : vector<2048x1xf32>
    %div3A_57 = arith.divf %broadcast_in_dim3A_45, %add3A_56 : vector<2048x1xf32>
    %div3A_58 = arith.divf %broadcast_in_dim3A_53, %add3A_56 : vector<2048x1xf32>
    %concatenate3A = tpu.concatenate %div3A_57, %div3A_58 in 1 : vector<2048x1xf32>, vector<2048x1xf32> -> vector<2048x2xf32>
    %swap3A = arith.constant 0 : index
    %swap3A_59 = arith.constant 0 : index
    %swap3A_60 = vector.load %arg3[%swap3A, %swap3A_59] : memref<2048x2xf32, #tpu.memory_space<vmem>>, vector<2048x2xf32>
    tpu.vector_store %arg3[%swap3A, %swap3A_59], %concatenate3A {strides = array<i32>} : memref<2048x2xf32, #tpu.memory_space<vmem>>, vector<2048x2xf32>,
    %reduce_sum3A_61 = arith.constant dense<0.000000e+00> : vector<16xf32>
    %reduce_sum3A_62 = vector.multi_reduction <add>, %div3A_17, %reduce_sum3A_61 [0] : vector<2048x16xf32> to vector<16xf32>
    %broadcast_in_dim3A_63 = vector.shape_cast %reduce_sum3A_62 : vector<16xf32> to vector<1x16xf32>
    %mul3A = arith.constant 4.8828125E-4 : f32
    %mul3A_64 = vector.broadcast %mul3A : f32 to vector<1x16xf32>
    %mul3A_65 = arith.mulf %broadcast_in_dim3A_63, %mul3A_64 : vector<1x16xf32>
    %add3A_66 = arith.constant 9.99999971E-10 : f32
    %add3A_67 = vector.broadcast %add3A_66 : f32 to vector<1x16xf32>
    %add3A_68 = arith.addf %mul3A_65, %add3A_67 : vector<1x16xf32>
    %log3A = math.log %add3A_68 : vector<1x16xf32>
    %mul3A_69 = arith.mulf %mul3A_65, %log3A : vector<1x16xf32>
    %reduce_sum3A_70 = vector.shape_cast %mul3A_69 : vector<1x16xf32> to vector<1x1x16xf32>
    %reduce_sum3A_71 = arith.constant dense<0.000000e+00> : vector<1xf32>
    %reduce_sum3A_72 = vector.multi_reduction <add>, %reduce_sum3A_70, %reduce_sum3A_71 [1, 2] : vector<1x1x16xf32> to vector<1xf32>
    %reduce_sum3A_73 = vector.shape_cast %reduce_sum3A_72 : vector<1xf32> to vector<1x1x1xf32>
    %reduce_sum3A_74 = vector.extract %reduce_sum3A_73[0, 0, 0] : f32 from vector<1x1x1xf32>
    %neg3A = arith.constant 0.000000e+00 : f32
    %neg3A_75 = arith.subf %neg3A, %reduce_sum3A_74 : f32
    %add3A_76 = arith.constant 9.99999971E-10 : f32
    %add3A_77 = vector.broadcast %add3A_76 : f32 to vector<2048x16xf32>
    %add3A_78 = arith.addf %div3A_17, %add3A_77 : vector<2048x16xf32>
    %log3A_79 = math.log %add3A_78 : vector<2048x16xf32>
    %mul3A_80 = arith.mulf %div3A_17, %log3A_79 : vector<2048x16xf32>
    %neg3A_81 = arith.constant 0.000000e+00 : f32
    %neg3A_82 = vector.broadcast %neg3A_81 : f32 to vector<2048x16xf32>
    %neg3A_83 = arith.subf %neg3A_82, %mul3A_80 : vector<2048x16xf32>
    %reduce_sum3A_84 = vector.shape_cast %neg3A_83 : vector<2048x16xf32> to vector<1x2048x16xf32>
    %reduce_sum3A_85 = arith.constant dense<0.000000e+00> : vector<1xf32>
    %reduce_sum3A_86 = vector.multi_reduction <add>, %reduce_sum3A_84, %reduce_sum3A_85 [1, 2] : vector<1x2048x16xf32> to vector<1xf32>
    %reduce_sum3A_87 = vector.shape_cast %reduce_sum3A_86 : vector<1xf32> to vector<1x1x1xf32>
    %reduce_sum3A_88 = vector.extract %reduce_sum3A_87[0, 0, 0] : f32 from vector<1x1x1xf32>
    %mul3A_89 = arith.constant 4.8828125E-4 : f32
    %mul3A_90 = arith.mulf %reduce_sum3A_88, %mul3A_89 : f32
    %neg3A_91 = arith.constant 0.000000e+00 : f32
    %neg3A_92 = arith.subf %neg3A_91, %neg3A_75 : f32
    %add3A_93 = arith.addf %neg3A_92, %mul3A_90 : f32
    %reshape3A = vector.broadcast %add3A_93 : f32 to vector<1x1xf32>
    %swap3A_94 = arith.constant 0 : index
    %swap3A_95 = arith.constant 0 : index
    %swap3A_96 = vector.load %arg7[%swap3A_94, %swap3A_95] : memref<1x1xf32, #tpu.memory_space<vmem>>, vector<1x1xf32>
    tpu.vector_store %arg7[%swap3A_94, %swap3A_95], %reshape3A {strides = array<i32>} : memref<1x1xf32, #tpu.memory_space<vmem>>, vector<1x1xf32>,
    %iota3A_97 = tpu.iota {dimensions = array<i32: 1>} : vector<4096x16xi32>
    %concatenate3A_98 = tpu.concatenate %broadcast_in_dim3A_21, %broadcast_in_dim3A_37 in 0 : vector<2048x1xi32>, vector<2048x1xi32> -> vector<4096x1xi32>
    %eq3A_99 = vector.broadcast %concatenate3A_98 : vector<4096x1xi32> to vector<4096x16xi32>
    %eq3A_100 = arith.cmpi eq, %eq3A_99, %iota3A_97 : vector<4096x16xi32>
    %convert_element_type3A = arith.extui %eq3A_100 : vector<4096x16xi1> to vector<4096x16xi32>
    %convert_element_type3A_101 = arith.sitofp %convert_element_type3A : vector<4096x16xi32> to vector<4096x16xf32>
    %iota3A_102 = tpu.iota {dimensions = array<i32: 0>} : vector<128x128xi32>
    %iota3A_103 = tpu.iota {dimensions = array<i32: 1>} : vector<128x128xi32>
    %ge3A = arith.cmpi sge, %iota3A_102, %iota3A_103 : vector<128x128xi32>
    %convert_element_type3A_104 = arith.extui %ge3A : vector<128x128xi1> to vector<128x128xi32>
    %convert_element_type3A_105 = arith.sitofp %convert_element_type3A_104 : vector<128x128xi32> to vector<128x128xf32>
    %convert_element_type3A_106 = arith.truncf %convert_element_type3A_105 : vector<128x128xf32> to vector<128x128xbf16>
    %convert_element_type3A_107 = arith.truncf %convert_element_type3A_101 : vector<4096x16xf32> to vector<4096x16xbf16>
    %broadcast_in_dim3A_108 = arith.constant 0.000000e+00 : f32
    %broadcast_in_dim3A_109 = vector.broadcast %broadcast_in_dim3A_108 : f32 to vector<1x16xf32>
    %slice3A = vector.extract_strided_slice %convert_element_type3A_101 {offsets = [0, 0], sizes = [128, 16], strides = [1, 1]} : vector<4096x16xf32> to vector<128x16xf32>
    %slice3A_110 = vector.extract_strided_slice %convert_element_type3A_107 {offsets = [0, 0], sizes = [128, 16], strides = [1, 1]} : vector<4096x16xbf16> to vector<128x16xbf16>
    %dot_general3A_111 = arith.constant dense<0.000000e+00> : vector<128x16xf32>
    %dot_general3A_112 = tpu.matmul %convert_element_type3A_106, %slice3A_110, %dot_general3A_111 {dimension_numbers = #tpu.dot_dimension_numbers<[1], [0], [0], [1], [0, 0, 1, 1], [], []>, transpose_lhs_hint = false} : vector<128x128xbf16>, vector<128x16xbf16>, vector<128x16xf32> -> vector<128x16xf32>
    %sub3A_113 = arith.subf %dot_general3A_112, %slice3A : vector<128x16xf32>
    %add3A_114 = vector.broadcast %broadcast_in_dim3A_109 : vector<1x16xf32> to vector<128x16xf32>
    %add3A_115 = arith.addf %sub3A_113, %add3A_114 : vector<128x16xf32>
    %slice3A_116 = vector.extract_strided_slice %dot_general3A_112 {offsets = [127, 0], sizes = [1, 16], strides = [1, 1]} : vector<128x16xf32> to vector<1x16xf32>
    %add3A_117 = arith.addf %broadcast_in_dim3A_109, %slice3A_116 : vector<1x16xf32>
    %slice3A_118 = vector.extract_strided_slice %convert_element_type3A_101 {offsets = [128, 0], sizes = [128, 16], strides = [1, 1]} : vector<4096x16xf32> to vector<128x16xf32>
    %slice3A_119 = vector.extract_strided_slice %convert_element_type3A_107 {offsets = [128, 0], sizes = [128, 16], strides = [1, 1]} : vector<4096x16xbf16> to vector<128x16xbf16>
    %dot_general3A_120 = arith.constant dense<0.000000e+00> : vector<128x16xf32>
    %dot_general3A_121 = tpu.matmul %convert_element_type3A_106, %slice3A_119, %dot_general3A_120 {dimension_numbers = #tpu.dot_dimension_numbers<[1], [0], [0], [1], [0, 0, 1, 1], [], []>, transpose_lhs_hint = false} : vector<128x128xbf16>, vector<128x16xbf16>, vector<128x16xf32> -> vector<128x16xf32>
    %sub3A_122 = arith.subf %dot_general3A_121, %slice3A_118 : vector<128x16xf32>
    %add3A_123 = vector.broadcast %add3A_117 : vector<1x16xf32> to vector<128x16xf32>
    %add3A_124 = arith.addf %sub3A_122, %add3A_123 : vector<128x16xf32>
    %slice3A_125 = vector.extract_strided_slice %dot_general3A_121 {offsets = [127, 0], sizes = [1, 16], strides = [1, 1]} : vector<128x16xf32> to vector<1x16xf32>
    %add3A_126 = arith.addf %add3A_117, %slice3A_125 : vector<1x16xf32>
    %slice3A_127 = vector.extract_strided_slice %convert_element_type3A_101 {offsets = [256, 0], sizes = [128, 16], strides = [1, 1]} : vector<4096x16xf32> to vector<128x16xf32>
    %slice3A_128 = vector.extract_strided_slice %convert_element_type3A_107 {offsets = [256, 0], sizes = [128, 16], strides = [1, 1]} : vector<4096x16xbf16> to vector<128x16xbf16>
    %dot_general3A_129 = arith.constant dense<0.000000e+00> : vector<128x16xf32>
    %dot_general3A_130 = tpu.matmul %convert_element_type3A_106, %slice3A_128, %dot_general3A_129 {dimension_numbers = #tpu.dot_dimension_numbers<[1], [0], [0], [1], [0, 0, 1, 1], [], []>, transpose_lhs_hint = false} : vector<128x128xbf16>, vector<128x16xbf16>, vector<128x16xf32> -> vector<128x16xf32>
    %sub3A_131 = arith.subf %dot_general3A_130, %slice3A_127 : vector<128x16xf32>
    %add3A_132 = vector.broadcast %add3A_126 : vector<1x16xf32> to vector<128x16xf32>
    %add3A_133 = arith.addf %sub3A_131, %add3A_132 : vector<128x16xf32>
    %slice3A_134 = vector.extract_strided_slice %dot_general3A_130 {offsets = [127, 0], sizes = [1, 16], strides = [1, 1]} : vector<128x16xf32> to vector<1x16xf32>
    %add3A_135 = arith.addf %add3A_126, %slice3A_134 : vector<1x16xf32>
    %slice3A_136 = vector.extract_strided_slice %convert_element_type3A_101 {offsets = [384, 0], sizes = [128, 16], strides = [1, 1]} : vector<4096x16xf32> to vector<128x16xf32>
    %slice3A_137 = vector.extract_strided_slice %convert_element_type3A_107 {offsets = [384, 0], sizes = [128, 16], strides = [1, 1]} : vector<4096x16xbf16> to vector<128x16xbf16>
    %dot_general3A_138 = arith.constant dense<0.000000e+00> : vector<128x16xf32>
    %dot_general3A_139 = tpu.matmul %convert_element_type3A_106, %slice3A_137, %dot_general3A_138 {dimension_numbers = #tpu.dot_dimension_numbers<[1], [0], [0], [1], [0, 0, 1, 1], [], []>, transpose_lhs_hint = false} : vector<128x128xbf16>, vector<128x16xbf16>, vector<128x16xf32> -> vector<128x16xf32>
    %sub3A_140 = arith.subf %dot_general3A_139, %slice3A_136 : vector<128x16xf32>
    %add3A_141 = vector.broadcast %add3A_135 : vector<1x16xf32> to vector<128x16xf32>
    %add3A_142 = arith.addf %sub3A_140, %add3A_141 : vector<128x16xf32>
    %slice3A_143 = vector.extract_strided_slice %dot_general3A_139 {offsets = [127, 0], sizes = [1, 16], strides = [1, 1]} : vector<128x16xf32> to vector<1x16xf32>
    %add3A_144 = arith.addf %add3A_135, %slice3A_143 : vector<1x16xf32>
    %slice3A_145 = vector.extract_strided_slice %convert_element_type3A_101 {offsets = [512, 0], sizes = [128, 16], strides = [1, 1]} : vector<4096x16xf32> to vector<128x16xf32>
    %slice3A_146 = vector.extract_strided_slice %convert_element_type3A_107 {offsets = [512, 0], sizes = [128, 16], strides = [1, 1]} : vector<4096x16xbf16> to vector<128x16xbf16>
    %dot_general3A_147 = arith.constant dense<0.000000e+00> : vector<128x16xf32>
    %dot_general3A_148 = tpu.matmul %convert_element_type3A_106, %slice3A_146, %dot_general3A_147 {dimension_numbers = #tpu.dot_dimension_numbers<[1], [0], [0], [1], [0, 0, 1, 1], [], []>, transpose_lhs_hint = false} : vector<128x128xbf16>, vector<128x16xbf16>, vector<128x16xf32> -> vector<128x16xf32>
    %sub3A_149 = arith.subf %dot_general3A_148, %slice3A_145 : vector<128x16xf32>
    %add3A_150 = vector.broadcast %add3A_144 : vector<1x16xf32> to vector<128x16xf32>
    %add3A_151 = arith.addf %sub3A_149, %add3A_150 : vector<128x16xf32>
    %slice3A_152 = vector.extract_strided_slice %dot_general3A_148 {offsets = [127, 0], sizes = [1, 16], strides = [1, 1]} : vector<128x16xf32> to vector<1x16xf32>
    %add3A_153 = arith.addf %add3A_144, %slice3A_152 : vector<1x16xf32>
    %slice3A_154 = vector.extract_strided_slice %convert_element_type3A_101 {offsets = [640, 0], sizes = [128, 16], strides = [1, 1]} : vector<4096x16xf32> to vector<128x16xf32>
    %slice3A_155 = vector.extract_strided_slice %convert_element_type3A_107 {offsets = [640, 0], sizes = [128, 16], strides = [1, 1]} : vector<4096x16xbf16> to vector<128x16xbf16>
    %dot_general3A_156 = arith.constant dense<0.000000e+00> : vector<128x16xf32>
    %dot_general3A_157 = tpu.matmul %convert_element_type3A_106, %slice3A_155, %dot_general3A_156 {dimension_numbers = #tpu.dot_dimension_numbers<[1], [0], [0], [1], [0, 0, 1, 1], [], []>, transpose_lhs_hint = false} : vector<128x128xbf16>, vector<128x16xbf16>, vector<128x16xf32> -> vector<128x16xf32>
    %sub3A_158 = arith.subf %dot_general3A_157, %slice3A_154 : vector<128x16xf32>
    %add3A_159 = vector.broadcast %add3A_153 : vector<1x16xf32> to vector<128x16xf32>
    %add3A_160 = arith.addf %sub3A_158, %add3A_159 : vector<128x16xf32>
    %slice3A_161 = vector.extract_strided_slice %dot_general3A_157 {offsets = [127, 0], sizes = [1, 16], strides = [1, 1]} : vector<128x16xf32> to vector<1x16xf32>
    %add3A_162 = arith.addf %add3A_153, %slice3A_161 : vector<1x16xf32>
    %slice3A_163 = vector.extract_strided_slice %convert_element_type3A_101 {offsets = [768, 0], sizes = [128, 16], strides = [1, 1]} : vector<4096x16xf32> to vector<128x16xf32>
    %slice3A_164 = vector.extract_strided_slice %convert_element_type3A_107 {offsets = [768, 0], sizes = [128, 16], strides = [1, 1]} : vector<4096x16xbf16> to vector<128x16xbf16>
    %dot_general3A_165 = arith.constant dense<0.000000e+00> : vector<128x16xf32>
    %dot_general3A_166 = tpu.matmul %convert_element_type3A_106, %slice3A_164, %dot_general3A_165 {dimension_numbers = #tpu.dot_dimension_numbers<[1], [0], [0], [1], [0, 0, 1, 1], [], []>, transpose_lhs_hint = false} : vector<128x128xbf16>, vector<128x16xbf16>, vector<128x16xf32> -> vector<128x16xf32>
    %sub3A_167 = arith.subf %dot_general3A_166, %slice3A_163 : vector<128x16xf32>
    %add3A_168 = vector.broadcast %add3A_162 : vector<1x16xf32> to vector<128x16xf32>
    %add3A_169 = arith.addf %sub3A_167, %add3A_168 : vector<128x16xf32>
    %slice3A_170 = vector.extract_strided_slice %dot_general3A_166 {offsets = [127, 0], sizes = [1, 16], strides = [1, 1]} : vector<128x16xf32> to vector<1x16xf32>
    %add3A_171 = arith.addf %add3A_162, %slice3A_170 : vector<1x16xf32>
    %slice3A_172 = vector.extract_strided_slice %convert_element_type3A_101 {offsets = [896, 0], sizes = [128, 16], strides = [1, 1]} : vector<4096x16xf32> to vector<128x16xf32>
    %slice3A_173 = vector.extract_strided_slice %convert_element_type3A_107 {offsets = [896, 0], sizes = [128, 16], strides = [1, 1]} : vector<4096x16xbf16> to vector<128x16xbf16>
    %dot_general3A_174 = arith.constant dense<0.000000e+00> : vector<128x16xf32>
    %dot_general3A_175 = tpu.matmul %convert_element_type3A_106, %slice3A_173, %dot_general3A_174 {dimension_numbers = #tpu.dot_dimension_numbers<[1], [0], [0], [1], [0, 0, 1, 1], [], []>, transpose_lhs_hint = false} : vector<128x128xbf16>, vector<128x16xbf16>, vector<128x16xf32> -> vector<128x16xf32>
    %sub3A_176 = arith.subf %dot_general3A_175, %slice3A_172 : vector<128x16xf32>
    %add3A_177 = vector.broadcast %add3A_171 : vector<1x16xf32> to vector<128x16xf32>
    %add3A_178 = arith.addf %sub3A_176, %add3A_177 : vector<128x16xf32>
    %slice3A_179 = vector.extract_strided_slice %dot_general3A_175 {offsets = [127, 0], sizes = [1, 16], strides = [1, 1]} : vector<128x16xf32> to vector<1x16xf32>
    %add3A_180 = arith.addf %add3A_171, %slice3A_179 : vector<1x16xf32>
    %slice3A_181 = vector.extract_strided_slice %convert_element_type3A_101 {offsets = [1024, 0], sizes = [128, 16], strides = [1, 1]} : vector<4096x16xf32> to vector<128x16xf32>
    %slice3A_182 = vector.extract_strided_slice %convert_element_type3A_107 {offsets = [1024, 0], sizes = [128, 16], strides = [1, 1]} : vector<4096x16xbf16> to vector<128x16xbf16>
    %dot_general3A_183 = arith.constant dense<0.000000e+00> : vector<128x16xf32>
    %dot_general3A_184 = tpu.matmul %convert_element_type3A_106, %slice3A_182, %dot_general3A_183 {dimension_numbers = #tpu.dot_dimension_numbers<[1], [0], [0], [1], [0, 0, 1, 1], [], []>, transpose_lhs_hint = false} : vector<128x128xbf16>, vector<128x16xbf16>, vector<128x16xf32> -> vector<128x16xf32>
    %sub3A_185 = arith.subf %dot_general3A_184, %slice3A_181 : vector<128x16xf32>
    %add3A_186 = vector.broadcast %add3A_180 : vector<1x16xf32> to vector<128x16xf32>
    %add3A_187 = arith.addf %sub3A_185, %add3A_186 : vector<128x16xf32>
    %slice3A_188 = vector.extract_strided_slice %dot_general3A_184 {offsets = [127, 0], sizes = [1, 16], strides = [1, 1]} : vector<128x16xf32> to vector<1x16xf32>
    %add3A_189 = arith.addf %add3A_180, %slice3A_188 : vector<1x16xf32>
    %slice3A_190 = vector.extract_strided_slice %convert_element_type3A_101 {offsets = [1152, 0], sizes = [128, 16], strides = [1, 1]} : vector<4096x16xf32> to vector<128x16xf32>
    %slice3A_191 = vector.extract_strided_slice %convert_element_type3A_107 {offsets = [1152, 0], sizes = [128, 16], strides = [1, 1]} : vector<4096x16xbf16> to vector<128x16xbf16>
    %dot_general3A_192 = arith.constant dense<0.000000e+00> : vector<128x16xf32>
    %dot_general3A_193 = tpu.matmul %convert_element_type3A_106, %slice3A_191, %dot_general3A_192 {dimension_numbers = #tpu.dot_dimension_numbers<[1], [0], [0], [1], [0, 0, 1, 1], [], []>, transpose_lhs_hint = false} : vector<128x128xbf16>, vector<128x16xbf16>, vector<128x16xf32> -> vector<128x16xf32>
    %sub3A_194 = arith.subf %dot_general3A_193, %slice3A_190 : vector<128x16xf32>
    %add3A_195 = vector.broadcast %add3A_189 : vector<1x16xf32> to vector<128x16xf32>
    %add3A_196 = arith.addf %sub3A_194, %add3A_195 : vector<128x16xf32>
    %slice3A_197 = vector.extract_strided_slice %dot_general3A_193 {offsets = [127, 0], sizes = [1, 16], strides = [1, 1]} : vector<128x16xf32> to vector<1x16xf32>
    %add3A_198 = arith.addf %add3A_189, %slice3A_197 : vector<1x16xf32>
    %slice3A_199 = vector.extract_strided_slice %convert_element_type3A_101 {offsets = [1280, 0], sizes = [128, 16], strides = [1, 1]} : vector<4096x16xf32> to vector<128x16xf32>
    %slice3A_200 = vector.extract_strided_slice %convert_element_type3A_107 {offsets = [1280, 0], sizes = [128, 16], strides = [1, 1]} : vector<4096x16xbf16> to vector<128x16xbf16>
    %dot_general3A_201 = arith.constant dense<0.000000e+00> : vector<128x16xf32>
    %dot_general3A_202 = tpu.matmul %convert_element_type3A_106, %slice3A_200, %dot_general3A_201 {dimension_numbers = #tpu.dot_dimension_numbers<[1], [0], [0], [1], [0, 0, 1, 1], [], []>, transpose_lhs_hint = false} : vector<128x128xbf16>, vector<128x16xbf16>, vector<128x16xf32> -> vector<128x16xf32>
    %sub3A_203 = arith.subf %dot_general3A_202, %slice3A_199 : vector<128x16xf32>
    %add3A_204 = vector.broadcast %add3A_198 : vector<1x16xf32> to vector<128x16xf32>
    %add3A_205 = arith.addf %sub3A_203, %add3A_204 : vector<128x16xf32>
    %slice3A_206 = vector.extract_strided_slice %dot_general3A_202 {offsets = [127, 0], sizes = [1, 16], strides = [1, 1]} : vector<128x16xf32> to vector<1x16xf32>
    %add3A_207 = arith.addf %add3A_198, %slice3A_206 : vector<1x16xf32>
    %slice3A_208 = vector.extract_strided_slice %convert_element_type3A_101 {offsets = [1408, 0], sizes = [128, 16], strides = [1, 1]} : vector<4096x16xf32> to vector<128x16xf32>
    %slice3A_209 = vector.extract_strided_slice %convert_element_type3A_107 {offsets = [1408, 0], sizes = [128, 16], strides = [1, 1]} : vector<4096x16xbf16> to vector<128x16xbf16>
    %dot_general3A_210 = arith.constant dense<0.000000e+00> : vector<128x16xf32>
    %dot_general3A_211 = tpu.matmul %convert_element_type3A_106, %slice3A_209, %dot_general3A_210 {dimension_numbers = #tpu.dot_dimension_numbers<[1], [0], [0], [1], [0, 0, 1, 1], [], []>, transpose_lhs_hint = false} : vector<128x128xbf16>, vector<128x16xbf16>, vector<128x16xf32> -> vector<128x16xf32>
    %sub3A_212 = arith.subf %dot_general3A_211, %slice3A_208 : vector<128x16xf32>
    %add3A_213 = vector.broadcast %add3A_207 : vector<1x16xf32> to vector<128x16xf32>
    %add3A_214 = arith.addf %sub3A_212, %add3A_213 : vector<128x16xf32>
    %slice3A_215 = vector.extract_strided_slice %dot_general3A_211 {offsets = [127, 0], sizes = [1, 16], strides = [1, 1]} : vector<128x16xf32> to vector<1x16xf32>
    %add3A_216 = arith.addf %add3A_207, %slice3A_215 : vector<1x16xf32>
    %slice3A_217 = vector.extract_strided_slice %convert_element_type3A_101 {offsets = [1536, 0], sizes = [128, 16], strides = [1, 1]} : vector<4096x16xf32> to vector<128x16xf32>
    %slice3A_218 = vector.extract_strided_slice %convert_element_type3A_107 {offsets = [1536, 0], sizes = [128, 16], strides = [1, 1]} : vector<4096x16xbf16> to vector<128x16xbf16>
    %dot_general3A_219 = arith.constant dense<0.000000e+00> : vector<128x16xf32>
    %dot_general3A_220 = tpu.matmul %convert_element_type3A_106, %slice3A_218, %dot_general3A_219 {dimension_numbers = #tpu.dot_dimension_numbers<[1], [0], [0], [1], [0, 0, 1, 1], [], []>, transpose_lhs_hint = false} : vector<128x128xbf16>, vector<128x16xbf16>, vector<128x16xf32> -> vector<128x16xf32>
    %sub3A_221 = arith.subf %dot_general3A_220, %slice3A_217 : vector<128x16xf32>
    %add3A_222 = vector.broadcast %add3A_216 : vector<1x16xf32> to vector<128x16xf32>
    %add3A_223 = arith.addf %sub3A_221, %add3A_222 : vector<128x16xf32>
    %slice3A_224 = vector.extract_strided_slice %dot_general3A_220 {offsets = [127, 0], sizes = [1, 16], strides = [1, 1]} : vector<128x16xf32> to vector<1x16xf32>
    %add3A_225 = arith.addf %add3A_216, %slice3A_224 : vector<1x16xf32>
    %slice3A_226 = vector.extract_strided_slice %convert_element_type3A_101 {offsets = [1664, 0], sizes = [128, 16], strides = [1, 1]} : vector<4096x16xf32> to vector<128x16xf32>
    %slice3A_227 = vector.extract_strided_slice %convert_element_type3A_107 {offsets = [1664, 0], sizes = [128, 16], strides = [1, 1]} : vector<4096x16xbf16> to vector<128x16xbf16>
    %dot_general3A_228 = arith.constant dense<0.000000e+00> : vector<128x16xf32>
    %dot_general3A_229 = tpu.matmul %convert_element_type3A_106, %slice3A_227, %dot_general3A_228 {dimension_numbers = #tpu.dot_dimension_numbers<[1], [0], [0], [1], [0, 0, 1, 1], [], []>, transpose_lhs_hint = false} : vector<128x128xbf16>, vector<128x16xbf16>, vector<128x16xf32> -> vector<128x16xf32>
    %sub3A_230 = arith.subf %dot_general3A_229, %slice3A_226 : vector<128x16xf32>
    %add3A_231 = vector.broadcast %add3A_225 : vector<1x16xf32> to vector<128x16xf32>
    %add3A_232 = arith.addf %sub3A_230, %add3A_231 : vector<128x16xf32>
    %slice3A_233 = vector.extract_strided_slice %dot_general3A_229 {offsets = [127, 0], sizes = [1, 16], strides = [1, 1]} : vector<128x16xf32> to vector<1x16xf32>
    %add3A_234 = arith.addf %add3A_225, %slice3A_233 : vector<1x16xf32>
    %slice3A_235 = vector.extract_strided_slice %convert_element_type3A_101 {offsets = [1792, 0], sizes = [128, 16], strides = [1, 1]} : vector<4096x16xf32> to vector<128x16xf32>
    %slice3A_236 = vector.extract_strided_slice %convert_element_type3A_107 {offsets = [1792, 0], sizes = [128, 16], strides = [1, 1]} : vector<4096x16xbf16> to vector<128x16xbf16>
    %dot_general3A_237 = arith.constant dense<0.000000e+00> : vector<128x16xf32>
    %dot_general3A_238 = tpu.matmul %convert_element_type3A_106, %slice3A_236, %dot_general3A_237 {dimension_numbers = #tpu.dot_dimension_numbers<[1], [0], [0], [1], [0, 0, 1, 1], [], []>, transpose_lhs_hint = false} : vector<128x128xbf16>, vector<128x16xbf16>, vector<128x16xf32> -> vector<128x16xf32>
    %sub3A_239 = arith.subf %dot_general3A_238, %slice3A_235 : vector<128x16xf32>
    %add3A_240 = vector.broadcast %add3A_234 : vector<1x16xf32> to vector<128x16xf32>
    %add3A_241 = arith.addf %sub3A_239, %add3A_240 : vector<128x16xf32>
    %slice3A_242 = vector.extract_strided_slice %dot_general3A_238 {offsets = [127, 0], sizes = [1, 16], strides = [1, 1]} : vector<128x16xf32> to vector<1x16xf32>
    %add3A_243 = arith.addf %add3A_234, %slice3A_242 : vector<1x16xf32>
    %slice3A_244 = vector.extract_strided_slice %convert_element_type3A_101 {offsets = [1920, 0], sizes = [128, 16], strides = [1, 1]} : vector<4096x16xf32> to vector<128x16xf32>
    %slice3A_245 = vector.extract_strided_slice %convert_element_type3A_107 {offsets = [1920, 0], sizes = [128, 16], strides = [1, 1]} : vector<4096x16xbf16> to vector<128x16xbf16>
    %dot_general3A_246 = arith.constant dense<0.000000e+00> : vector<128x16xf32>
    %dot_general3A_247 = tpu.matmul %convert_element_type3A_106, %slice3A_245, %dot_general3A_246 {dimension_numbers = #tpu.dot_dimension_numbers<[1], [0], [0], [1], [0, 0, 1, 1], [], []>, transpose_lhs_hint = false} : vector<128x128xbf16>, vector<128x16xbf16>, vector<128x16xf32> -> vector<128x16xf32>
    %sub3A_248 = arith.subf %dot_general3A_247, %slice3A_244 : vector<128x16xf32>
    %add3A_249 = vector.broadcast %add3A_243 : vector<1x16xf32> to vector<128x16xf32>
    %add3A_250 = arith.addf %sub3A_248, %add3A_249 : vector<128x16xf32>
    %slice3A_251 = vector.extract_strided_slice %dot_general3A_247 {offsets = [127, 0], sizes = [1, 16], strides = [1, 1]} : vector<128x16xf32> to vector<1x16xf32>
    %add3A_252 = arith.addf %add3A_243, %slice3A_251 : vector<1x16xf32>
    %slice3A_253 = vector.extract_strided_slice %convert_element_type3A_101 {offsets = [2048, 0], sizes = [128, 16], strides = [1, 1]} : vector<4096x16xf32> to vector<128x16xf32>
    %slice3A_254 = vector.extract_strided_slice %convert_element_type3A_107 {offsets = [2048, 0], sizes = [128, 16], strides = [1, 1]} : vector<4096x16xbf16> to vector<128x16xbf16>
    %dot_general3A_255 = arith.constant dense<0.000000e+00> : vector<128x16xf32>
    %dot_general3A_256 = tpu.matmul %convert_element_type3A_106, %slice3A_254, %dot_general3A_255 {dimension_numbers = #tpu.dot_dimension_numbers<[1], [0], [0], [1], [0, 0, 1, 1], [], []>, transpose_lhs_hint = false} : vector<128x128xbf16>, vector<128x16xbf16>, vector<128x16xf32> -> vector<128x16xf32>
    %sub3A_257 = arith.subf %dot_general3A_256, %slice3A_253 : vector<128x16xf32>
    %add3A_258 = vector.broadcast %add3A_252 : vector<1x16xf32> to vector<128x16xf32>
    %add3A_259 = arith.addf %sub3A_257, %add3A_258 : vector<128x16xf32>
    %slice3A_260 = vector.extract_strided_slice %dot_general3A_256 {offsets = [127, 0], sizes = [1, 16], strides = [1, 1]} : vector<128x16xf32> to vector<1x16xf32>
    %add3A_261 = arith.addf %add3A_252, %slice3A_260 : vector<1x16xf32>
    %slice3A_262 = vector.extract_strided_slice %convert_element_type3A_101 {offsets = [2176, 0], sizes = [128, 16], strides = [1, 1]} : vector<4096x16xf32> to vector<128x16xf32>
    %slice3A_263 = vector.extract_strided_slice %convert_element_type3A_107 {offsets = [2176, 0], sizes = [128, 16], strides = [1, 1]} : vector<4096x16xbf16> to vector<128x16xbf16>
    %dot_general3A_264 = arith.constant dense<0.000000e+00> : vector<128x16xf32>
    %dot_general3A_265 = tpu.matmul %convert_element_type3A_106, %slice3A_263, %dot_general3A_264 {dimension_numbers = #tpu.dot_dimension_numbers<[1], [0], [0], [1], [0, 0, 1, 1], [], []>, transpose_lhs_hint = false} : vector<128x128xbf16>, vector<128x16xbf16>, vector<128x16xf32> -> vector<128x16xf32>
    %sub3A_266 = arith.subf %dot_general3A_265, %slice3A_262 : vector<128x16xf32>
    %add3A_267 = vector.broadcast %add3A_261 : vector<1x16xf32> to vector<128x16xf32>
    %add3A_268 = arith.addf %sub3A_266, %add3A_267 : vector<128x16xf32>
    %slice3A_269 = vector.extract_strided_slice %dot_general3A_265 {offsets = [127, 0], sizes = [1, 16], strides = [1, 1]} : vector<128x16xf32> to vector<1x16xf32>
    %add3A_270 = arith.addf %add3A_261, %slice3A_269 : vector<1x16xf32>
    %slice3A_271 = vector.extract_strided_slice %convert_element_type3A_101 {offsets = [2304, 0], sizes = [128, 16], strides = [1, 1]} : vector<4096x16xf32> to vector<128x16xf32>
    %slice3A_272 = vector.extract_strided_slice %convert_element_type3A_107 {offsets = [2304, 0], sizes = [128, 16], strides = [1, 1]} : vector<4096x16xbf16> to vector<128x16xbf16>
    %dot_general3A_273 = arith.constant dense<0.000000e+00> : vector<128x16xf32>
    %dot_general3A_274 = tpu.matmul %convert_element_type3A_106, %slice3A_272, %dot_general3A_273 {dimension_numbers = #tpu.dot_dimension_numbers<[1], [0], [0], [1], [0, 0, 1, 1], [], []>, transpose_lhs_hint = false} : vector<128x128xbf16>, vector<128x16xbf16>, vector<128x16xf32> -> vector<128x16xf32>
    %sub3A_275 = arith.subf %dot_general3A_274, %slice3A_271 : vector<128x16xf32>
    %add3A_276 = vector.broadcast %add3A_270 : vector<1x16xf32> to vector<128x16xf32>
    %add3A_277 = arith.addf %sub3A_275, %add3A_276 : vector<128x16xf32>
    %slice3A_278 = vector.extract_strided_slice %dot_general3A_274 {offsets = [127, 0], sizes = [1, 16], strides = [1, 1]} : vector<128x16xf32> to vector<1x16xf32>
    %add3A_279 = arith.addf %add3A_270, %slice3A_278 : vector<1x16xf32>
    %slice3A_280 = vector.extract_strided_slice %convert_element_type3A_101 {offsets = [2432, 0], sizes = [128, 16], strides = [1, 1]} : vector<4096x16xf32> to vector<128x16xf32>
    %slice3A_281 = vector.extract_strided_slice %convert_element_type3A_107 {offsets = [2432, 0], sizes = [128, 16], strides = [1, 1]} : vector<4096x16xbf16> to vector<128x16xbf16>
    %dot_general3A_282 = arith.constant dense<0.000000e+00> : vector<128x16xf32>
    %dot_general3A_283 = tpu.matmul %convert_element_type3A_106, %slice3A_281, %dot_general3A_282 {dimension_numbers = #tpu.dot_dimension_numbers<[1], [0], [0], [1], [0, 0, 1, 1], [], []>, transpose_lhs_hint = false} : vector<128x128xbf16>, vector<128x16xbf16>, vector<128x16xf32> -> vector<128x16xf32>
    %sub3A_284 = arith.subf %dot_general3A_283, %slice3A_280 : vector<128x16xf32>
    %add3A_285 = vector.broadcast %add3A_279 : vector<1x16xf32> to vector<128x16xf32>
    %add3A_286 = arith.addf %sub3A_284, %add3A_285 : vector<128x16xf32>
    %slice3A_287 = vector.extract_strided_slice %dot_general3A_283 {offsets = [127, 0], sizes = [1, 16], strides = [1, 1]} : vector<128x16xf32> to vector<1x16xf32>
    %add3A_288 = arith.addf %add3A_279, %slice3A_287 : vector<1x16xf32>
    %slice3A_289 = vector.extract_strided_slice %convert_element_type3A_101 {offsets = [2560, 0], sizes = [128, 16], strides = [1, 1]} : vector<4096x16xf32> to vector<128x16xf32>
    %slice3A_290 = vector.extract_strided_slice %convert_element_type3A_107 {offsets = [2560, 0], sizes = [128, 16], strides = [1, 1]} : vector<4096x16xbf16> to vector<128x16xbf16>
    %dot_general3A_291 = arith.constant dense<0.000000e+00> : vector<128x16xf32>
    %dot_general3A_292 = tpu.matmul %convert_element_type3A_106, %slice3A_290, %dot_general3A_291 {dimension_numbers = #tpu.dot_dimension_numbers<[1], [0], [0], [1], [0, 0, 1, 1], [], []>, transpose_lhs_hint = false} : vector<128x128xbf16>, vector<128x16xbf16>, vector<128x16xf32> -> vector<128x16xf32>
    %sub3A_293 = arith.subf %dot_general3A_292, %slice3A_289 : vector<128x16xf32>
    %add3A_294 = vector.broadcast %add3A_288 : vector<1x16xf32> to vector<128x16xf32>
    %add3A_295 = arith.addf %sub3A_293, %add3A_294 : vector<128x16xf32>
    %slice3A_296 = vector.extract_strided_slice %dot_general3A_292 {offsets = [127, 0], sizes = [1, 16], strides = [1, 1]} : vector<128x16xf32> to vector<1x16xf32>
    %add3A_297 = arith.addf %add3A_288, %slice3A_296 : vector<1x16xf32>
    %slice3A_298 = vector.extract_strided_slice %convert_element_type3A_101 {offsets = [2688, 0], sizes = [128, 16], strides = [1, 1]} : vector<4096x16xf32> to vector<128x16xf32>
    %slice3A_299 = vector.extract_strided_slice %convert_element_type3A_107 {offsets = [2688, 0], sizes = [128, 16], strides = [1, 1]} : vector<4096x16xbf16> to vector<128x16xbf16>
    %dot_general3A_300 = arith.constant dense<0.000000e+00> : vector<128x16xf32>
    %dot_general3A_301 = tpu.matmul %convert_element_type3A_106, %slice3A_299, %dot_general3A_300 {dimension_numbers = #tpu.dot_dimension_numbers<[1], [0], [0], [1], [0, 0, 1, 1], [], []>, transpose_lhs_hint = false} : vector<128x128xbf16>, vector<128x16xbf16>, vector<128x16xf32> -> vector<128x16xf32>
    %sub3A_302 = arith.subf %dot_general3A_301, %slice3A_298 : vector<128x16xf32>
    %add3A_303 = vector.broadcast %add3A_297 : vector<1x16xf32> to vector<128x16xf32>
    %add3A_304 = arith.addf %sub3A_302, %add3A_303 : vector<128x16xf32>
    %slice3A_305 = vector.extract_strided_slice %dot_general3A_301 {offsets = [127, 0], sizes = [1, 16], strides = [1, 1]} : vector<128x16xf32> to vector<1x16xf32>
    %add3A_306 = arith.addf %add3A_297, %slice3A_305 : vector<1x16xf32>
    %slice3A_307 = vector.extract_strided_slice %convert_element_type3A_101 {offsets = [2816, 0], sizes = [128, 16], strides = [1, 1]} : vector<4096x16xf32> to vector<128x16xf32>
    %slice3A_308 = vector.extract_strided_slice %convert_element_type3A_107 {offsets = [2816, 0], sizes = [128, 16], strides = [1, 1]} : vector<4096x16xbf16> to vector<128x16xbf16>
    %dot_general3A_309 = arith.constant dense<0.000000e+00> : vector<128x16xf32>
    %dot_general3A_310 = tpu.matmul %convert_element_type3A_106, %slice3A_308, %dot_general3A_309 {dimension_numbers = #tpu.dot_dimension_numbers<[1], [0], [0], [1], [0, 0, 1, 1], [], []>, transpose_lhs_hint = false} : vector<128x128xbf16>, vector<128x16xbf16>, vector<128x16xf32> -> vector<128x16xf32>
    %sub3A_311 = arith.subf %dot_general3A_310, %slice3A_307 : vector<128x16xf32>
    %add3A_312 = vector.broadcast %add3A_306 : vector<1x16xf32> to vector<128x16xf32>
    %add3A_313 = arith.addf %sub3A_311, %add3A_312 : vector<128x16xf32>
    %slice3A_314 = vector.extract_strided_slice %dot_general3A_310 {offsets = [127, 0], sizes = [1, 16], strides = [1, 1]} : vector<128x16xf32> to vector<1x16xf32>
    %add3A_315 = arith.addf %add3A_306, %slice3A_314 : vector<1x16xf32>
    %slice3A_316 = vector.extract_strided_slice %convert_element_type3A_101 {offsets = [2944, 0], sizes = [128, 16], strides = [1, 1]} : vector<4096x16xf32> to vector<128x16xf32>
    %slice3A_317 = vector.extract_strided_slice %convert_element_type3A_107 {offsets = [2944, 0], sizes = [128, 16], strides = [1, 1]} : vector<4096x16xbf16> to vector<128x16xbf16>
    %dot_general3A_318 = arith.constant dense<0.000000e+00> : vector<128x16xf32>
    %dot_general3A_319 = tpu.matmul %convert_element_type3A_106, %slice3A_317, %dot_general3A_318 {dimension_numbers = #tpu.dot_dimension_numbers<[1], [0], [0], [1], [0, 0, 1, 1], [], []>, transpose_lhs_hint = false} : vector<128x128xbf16>, vector<128x16xbf16>, vector<128x16xf32> -> vector<128x16xf32>
    %sub3A_320 = arith.subf %dot_general3A_319, %slice3A_316 : vector<128x16xf32>
    %add3A_321 = vector.broadcast %add3A_315 : vector<1x16xf32> to vector<128x16xf32>
    %add3A_322 = arith.addf %sub3A_320, %add3A_321 : vector<128x16xf32>
    %slice3A_323 = vector.extract_strided_slice %dot_general3A_319 {offsets = [127, 0], sizes = [1, 16], strides = [1, 1]} : vector<128x16xf32> to vector<1x16xf32>
    %add3A_324 = arith.addf %add3A_315, %slice3A_323 : vector<1x16xf32>
    %slice3A_325 = vector.extract_strided_slice %convert_element_type3A_101 {offsets = [3072, 0], sizes = [128, 16], strides = [1, 1]} : vector<4096x16xf32> to vector<128x16xf32>
    %slice3A_326 = vector.extract_strided_slice %convert_element_type3A_107 {offsets = [3072, 0], sizes = [128, 16], strides = [1, 1]} : vector<4096x16xbf16> to vector<128x16xbf16>
    %dot_general3A_327 = arith.constant dense<0.000000e+00> : vector<128x16xf32>
    %dot_general3A_328 = tpu.matmul %convert_element_type3A_106, %slice3A_326, %dot_general3A_327 {dimension_numbers = #tpu.dot_dimension_numbers<[1], [0], [0], [1], [0, 0, 1, 1], [], []>, transpose_lhs_hint = false} : vector<128x128xbf16>, vector<128x16xbf16>, vector<128x16xf32> -> vector<128x16xf32>
    %sub3A_329 = arith.subf %dot_general3A_328, %slice3A_325 : vector<128x16xf32>
    %add3A_330 = vector.broadcast %add3A_324 : vector<1x16xf32> to vector<128x16xf32>
    %add3A_331 = arith.addf %sub3A_329, %add3A_330 : vector<128x16xf32>
    %slice3A_332 = vector.extract_strided_slice %dot_general3A_328 {offsets = [127, 0], sizes = [1, 16], strides = [1, 1]} : vector<128x16xf32> to vector<1x16xf32>
    %add3A_333 = arith.addf %add3A_324, %slice3A_332 : vector<1x16xf32>
    %slice3A_334 = vector.extract_strided_slice %convert_element_type3A_101 {offsets = [3200, 0], sizes = [128, 16], strides = [1, 1]} : vector<4096x16xf32> to vector<128x16xf32>
    %slice3A_335 = vector.extract_strided_slice %convert_element_type3A_107 {offsets = [3200, 0], sizes = [128, 16], strides = [1, 1]} : vector<4096x16xbf16> to vector<128x16xbf16>
    %dot_general3A_336 = arith.constant dense<0.000000e+00> : vector<128x16xf32>
    %dot_general3A_337 = tpu.matmul %convert_element_type3A_106, %slice3A_335, %dot_general3A_336 {dimension_numbers = #tpu.dot_dimension_numbers<[1], [0], [0], [1], [0, 0, 1, 1], [], []>, transpose_lhs_hint = false} : vector<128x128xbf16>, vector<128x16xbf16>, vector<128x16xf32> -> vector<128x16xf32>
    %sub3A_338 = arith.subf %dot_general3A_337, %slice3A_334 : vector<128x16xf32>
    %add3A_339 = vector.broadcast %add3A_333 : vector<1x16xf32> to vector<128x16xf32>
    %add3A_340 = arith.addf %sub3A_338, %add3A_339 : vector<128x16xf32>
    %slice3A_341 = vector.extract_strided_slice %dot_general3A_337 {offsets = [127, 0], sizes = [1, 16], strides = [1, 1]} : vector<128x16xf32> to vector<1x16xf32>
    %add3A_342 = arith.addf %add3A_333, %slice3A_341 : vector<1x16xf32>
    %slice3A_343 = vector.extract_strided_slice %convert_element_type3A_101 {offsets = [3328, 0], sizes = [128, 16], strides = [1, 1]} : vector<4096x16xf32> to vector<128x16xf32>
    %slice3A_344 = vector.extract_strided_slice %convert_element_type3A_107 {offsets = [3328, 0], sizes = [128, 16], strides = [1, 1]} : vector<4096x16xbf16> to vector<128x16xbf16>
    %dot_general3A_345 = arith.constant dense<0.000000e+00> : vector<128x16xf32>
    %dot_general3A_346 = tpu.matmul %convert_element_type3A_106, %slice3A_344, %dot_general3A_345 {dimension_numbers = #tpu.dot_dimension_numbers<[1], [0], [0], [1], [0, 0, 1, 1], [], []>, transpose_lhs_hint = false} : vector<128x128xbf16>, vector<128x16xbf16>, vector<128x16xf32> -> vector<128x16xf32>
    %sub3A_347 = arith.subf %dot_general3A_346, %slice3A_343 : vector<128x16xf32>
    %add3A_348 = vector.broadcast %add3A_342 : vector<1x16xf32> to vector<128x16xf32>
    %add3A_349 = arith.addf %sub3A_347, %add3A_348 : vector<128x16xf32>
    %slice3A_350 = vector.extract_strided_slice %dot_general3A_346 {offsets = [127, 0], sizes = [1, 16], strides = [1, 1]} : vector<128x16xf32> to vector<1x16xf32>
    %add3A_351 = arith.addf %add3A_342, %slice3A_350 : vector<1x16xf32>
    %slice3A_352 = vector.extract_strided_slice %convert_element_type3A_101 {offsets = [3456, 0], sizes = [128, 16], strides = [1, 1]} : vector<4096x16xf32> to vector<128x16xf32>
    %slice3A_353 = vector.extract_strided_slice %convert_element_type3A_107 {offsets = [3456, 0], sizes = [128, 16], strides = [1, 1]} : vector<4096x16xbf16> to vector<128x16xbf16>
    %dot_general3A_354 = arith.constant dense<0.000000e+00> : vector<128x16xf32>
    %dot_general3A_355 = tpu.matmul %convert_element_type3A_106, %slice3A_353, %dot_general3A_354 {dimension_numbers = #tpu.dot_dimension_numbers<[1], [0], [0], [1], [0, 0, 1, 1], [], []>, transpose_lhs_hint = false} : vector<128x128xbf16>, vector<128x16xbf16>, vector<128x16xf32> -> vector<128x16xf32>
    %sub3A_356 = arith.subf %dot_general3A_355, %slice3A_352 : vector<128x16xf32>
    %add3A_357 = vector.broadcast %add3A_351 : vector<1x16xf32> to vector<128x16xf32>
    %add3A_358 = arith.addf %sub3A_356, %add3A_357 : vector<128x16xf32>
    %slice3A_359 = vector.extract_strided_slice %dot_general3A_355 {offsets = [127, 0], sizes = [1, 16], strides = [1, 1]} : vector<128x16xf32> to vector<1x16xf32>
    %add3A_360 = arith.addf %add3A_351, %slice3A_359 : vector<1x16xf32>
    %slice3A_361 = vector.extract_strided_slice %convert_element_type3A_101 {offsets = [3584, 0], sizes = [128, 16], strides = [1, 1]} : vector<4096x16xf32> to vector<128x16xf32>
    %slice3A_362 = vector.extract_strided_slice %convert_element_type3A_107 {offsets = [3584, 0], sizes = [128, 16], strides = [1, 1]} : vector<4096x16xbf16> to vector<128x16xbf16>
    %dot_general3A_363 = arith.constant dense<0.000000e+00> : vector<128x16xf32>
    %dot_general3A_364 = tpu.matmul %convert_element_type3A_106, %slice3A_362, %dot_general3A_363 {dimension_numbers = #tpu.dot_dimension_numbers<[1], [0], [0], [1], [0, 0, 1, 1], [], []>, transpose_lhs_hint = false} : vector<128x128xbf16>, vector<128x16xbf16>, vector<128x16xf32> -> vector<128x16xf32>
    %sub3A_365 = arith.subf %dot_general3A_364, %slice3A_361 : vector<128x16xf32>
    %add3A_366 = vector.broadcast %add3A_360 : vector<1x16xf32> to vector<128x16xf32>
    %add3A_367 = arith.addf %sub3A_365, %add3A_366 : vector<128x16xf32>
    %slice3A_368 = vector.extract_strided_slice %dot_general3A_364 {offsets = [127, 0], sizes = [1, 16], strides = [1, 1]} : vector<128x16xf32> to vector<1x16xf32>
    %add3A_369 = arith.addf %add3A_360, %slice3A_368 : vector<1x16xf32>
    %slice3A_370 = vector.extract_strided_slice %convert_element_type3A_101 {offsets = [3712, 0], sizes = [128, 16], strides = [1, 1]} : vector<4096x16xf32> to vector<128x16xf32>
    %slice3A_371 = vector.extract_strided_slice %convert_element_type3A_107 {offsets = [3712, 0], sizes = [128, 16], strides = [1, 1]} : vector<4096x16xbf16> to vector<128x16xbf16>
    %dot_general3A_372 = arith.constant dense<0.000000e+00> : vector<128x16xf32>
    %dot_general3A_373 = tpu.matmul %convert_element_type3A_106, %slice3A_371, %dot_general3A_372 {dimension_numbers = #tpu.dot_dimension_numbers<[1], [0], [0], [1], [0, 0, 1, 1], [], []>, transpose_lhs_hint = false} : vector<128x128xbf16>, vector<128x16xbf16>, vector<128x16xf32> -> vector<128x16xf32>
    %sub3A_374 = arith.subf %dot_general3A_373, %slice3A_370 : vector<128x16xf32>
    %add3A_375 = vector.broadcast %add3A_369 : vector<1x16xf32> to vector<128x16xf32>
    %add3A_376 = arith.addf %sub3A_374, %add3A_375 : vector<128x16xf32>
    %slice3A_377 = vector.extract_strided_slice %dot_general3A_373 {offsets = [127, 0], sizes = [1, 16], strides = [1, 1]} : vector<128x16xf32> to vector<1x16xf32>
    %add3A_378 = arith.addf %add3A_369, %slice3A_377 : vector<1x16xf32>
    %slice3A_379 = vector.extract_strided_slice %convert_element_type3A_101 {offsets = [3840, 0], sizes = [128, 16], strides = [1, 1]} : vector<4096x16xf32> to vector<128x16xf32>
    %slice3A_380 = vector.extract_strided_slice %convert_element_type3A_107 {offsets = [3840, 0], sizes = [128, 16], strides = [1, 1]} : vector<4096x16xbf16> to vector<128x16xbf16>
    %dot_general3A_381 = arith.constant dense<0.000000e+00> : vector<128x16xf32>
    %dot_general3A_382 = tpu.matmul %convert_element_type3A_106, %slice3A_380, %dot_general3A_381 {dimension_numbers = #tpu.dot_dimension_numbers<[1], [0], [0], [1], [0, 0, 1, 1], [], []>, transpose_lhs_hint = false} : vector<128x128xbf16>, vector<128x16xbf16>, vector<128x16xf32> -> vector<128x16xf32>
    %sub3A_383 = arith.subf %dot_general3A_382, %slice3A_379 : vector<128x16xf32>
    %add3A_384 = vector.broadcast %add3A_378 : vector<1x16xf32> to vector<128x16xf32>
    %add3A_385 = arith.addf %sub3A_383, %add3A_384 : vector<128x16xf32>
    %slice3A_386 = vector.extract_strided_slice %dot_general3A_382 {offsets = [127, 0], sizes = [1, 16], strides = [1, 1]} : vector<128x16xf32> to vector<1x16xf32>
    %add3A_387 = arith.addf %add3A_378, %slice3A_386 : vector<1x16xf32>
    %slice3A_388 = vector.extract_strided_slice %convert_element_type3A_101 {offsets = [3968, 0], sizes = [128, 16], strides = [1, 1]} : vector<4096x16xf32> to vector<128x16xf32>
    %slice3A_389 = vector.extract_strided_slice %convert_element_type3A_107 {offsets = [3968, 0], sizes = [128, 16], strides = [1, 1]} : vector<4096x16xbf16> to vector<128x16xbf16>
    %dot_general3A_390 = arith.constant dense<0.000000e+00> : vector<128x16xf32>
    %dot_general3A_391 = tpu.matmul %convert_element_type3A_106, %slice3A_389, %dot_general3A_390 {dimension_numbers = #tpu.dot_dimension_numbers<[1], [0], [0], [1], [0, 0, 1, 1], [], []>, transpose_lhs_hint = false} : vector<128x128xbf16>, vector<128x16xbf16>, vector<128x16xf32> -> vector<128x16xf32>
    %sub3A_392 = arith.subf %dot_general3A_391, %slice3A_388 : vector<128x16xf32>
    %add3A_393 = vector.broadcast %add3A_387 : vector<1x16xf32> to vector<128x16xf32>
    %add3A_394 = arith.addf %sub3A_392, %add3A_393 : vector<128x16xf32>
    %slice3A_395 = vector.extract_strided_slice %dot_general3A_391 {offsets = [127, 0], sizes = [1, 16], strides = [1, 1]} : vector<128x16xf32> to vector<1x16xf32>
    %add3A_396 = arith.addf %add3A_387, %slice3A_395 : vector<1x16xf32>
    %concatenate3A_397 = tpu.concatenate %add3A_115, %add3A_124, %add3A_133, %add3A_142, %add3A_151, %add3A_160, %add3A_169, %add3A_178, %add3A_187, %add3A_196, %add3A_205, %add3A_214, %add3A_223, %add3A_232, %add3A_241, %add3A_250, %add3A_259, %add3A_268, %add3A_277, %add3A_286, %add3A_295, %add3A_304, %add3A_313, %add3A_322, %add3A_331, %add3A_340, %add3A_349, %add3A_358, %add3A_367, %add3A_376, %add3A_385, %add3A_394 in 0 : vector<128x16xf32>, vector<128x16xf32>, vector<128x16xf32>, vector<128x16xf32>, vector<128x16xf32>, vector<128x16xf32>, vector<128x16xf32>, vector<128x16xf32>, vector<128x16xf32>, vector<128x16xf32>, vector<128x16xf32>, vector<128x16xf32>, vector<128x16xf32>, vector<128x16xf32>, vector<128x16xf32>, vector<128x16xf32>, vector<128x16xf32>, vector<128x16xf32>, vector<128x16xf32>, vector<128x16xf32>, vector<128x16xf32>, vector<128x16xf32>, vector<128x16xf32>, vector<128x16xf32>, vector<128x16xf32>, vector<128x16xf32>, vector<128x16xf32>, vector<128x16xf32>, vector<128x16xf32>, vector<128x16xf32>, vector<128x16xf32>, vector<128x16xf32> -> vector<4096x16xf32>
    %add3A_398 = arith.constant 1.270000e+02 : f32
    %add3A_399 = vector.broadcast %add3A_398 : f32 to vector<1x16xf32>
    %add3A_400 = arith.addf %add3A_396, %add3A_399 : vector<1x16xf32>
    %mul3A_401 = arith.constant 7.812500e-03 : f32
    %mul3A_402 = vector.broadcast %mul3A_401 : f32 to vector<1x16xf32>
    %mul3A_403 = arith.mulf %add3A_400, %mul3A_402 : vector<1x16xf32>
    %floor3A = math.floor %mul3A_403 : vector<1x16xf32>
    %mul3A_404 = arith.constant 1.280000e+02 : f32
    %mul3A_405 = vector.broadcast %mul3A_404 : f32 to vector<1x16xf32>
    %mul3A_406 = arith.mulf %floor3A, %mul3A_405 : vector<1x16xf32>
    %broadcast_in_dim3A_407 = arith.constant 0.000000e+00 : f32
    %broadcast_in_dim3A_408 = vector.broadcast %broadcast_in_dim3A_407 : f32 to vector<1x1xf32>
    %slice3A_409 = vector.extract_strided_slice %mul3A_406 {offsets = [0, 0], sizes = [1, 15], strides = [1, 1]} : vector<1x16xf32> to vector<1x15xf32>
    %concatenate3A_410 = tpu.concatenate %broadcast_in_dim3A_408, %slice3A_409 in 1 : vector<1x1xf32>, vector<1x15xf32> -> vector<1x16xf32>
    %add3A_411 = arith.addf %mul3A_406, %concatenate3A_410 : vector<1x16xf32>
    %broadcast_in_dim3A_412 = arith.constant 0.000000e+00 : f32
    %broadcast_in_dim3A_413 = vector.broadcast %broadcast_in_dim3A_412 : f32 to vector<1x2xf32>
    %slice3A_414 = vector.extract_strided_slice %add3A_411 {offsets = [0, 0], sizes = [1, 14], strides = [1, 1]} : vector<1x16xf32> to vector<1x14xf32>
    %concatenate3A_415 = tpu.concatenate %broadcast_in_dim3A_413, %slice3A_414 in 1 : vector<1x2xf32>, vector<1x14xf32> -> vector<1x16xf32>
    %add3A_416 = arith.addf %add3A_411, %concatenate3A_415 : vector<1x16xf32>
    %broadcast_in_dim3A_417 = arith.constant 0.000000e+00 : f32
    %broadcast_in_dim3A_418 = vector.broadcast %broadcast_in_dim3A_417 : f32 to vector<1x4xf32>
    %slice3A_419 = vector.extract_strided_slice %add3A_416 {offsets = [0, 0], sizes = [1, 12], strides = [1, 1]} : vector<1x16xf32> to vector<1x12xf32>
    %concatenate3A_420 = tpu.concatenate %broadcast_in_dim3A_418, %slice3A_419 in 1 : vector<1x4xf32>, vector<1x12xf32> -> vector<1x16xf32>
    %add3A_421 = arith.addf %add3A_416, %concatenate3A_420 : vector<1x16xf32>
    %broadcast_in_dim3A_422 = arith.constant 0.000000e+00 : f32
    %broadcast_in_dim3A_423 = vector.broadcast %broadcast_in_dim3A_422 : f32 to vector<1x8xf32>
    %slice3A_424 = vector.extract_strided_slice %add3A_421 {offsets = [0, 0], sizes = [1, 8], strides = [1, 1]} : vector<1x16xf32> to vector<1x8xf32>
    %concatenate3A_425 = tpu.concatenate %broadcast_in_dim3A_423, %slice3A_424 in 1 : vector<1x8xf32>, vector<1x8xf32> -> vector<1x16xf32>
    %add3A_426 = arith.addf %add3A_421, %concatenate3A_425 : vector<1x16xf32>
    %sub3A_427 = arith.subf %add3A_426, %mul3A_406 : vector<1x16xf32>
    %add3A_428 = vector.broadcast %sub3A_427 : vector<1x16xf32> to vector<4096x16xf32>
    %add3A_429 = arith.addf %add3A_428, %concatenate3A_397 : vector<4096x16xf32>
    %mul3A_430 = arith.mulf %convert_element_type3A_101, %add3A_429 : vector<4096x16xf32>
    %reduce_sum3A_431 = arith.constant dense<0.000000e+00> : vector<4096xf32>
    %reduce_sum3A_432 = vector.multi_reduction <add>, %mul3A_430, %reduce_sum3A_431 [1] : vector<4096x16xf32> to vector<4096xf32>
    %broadcast_in_dim3A_433 = vector.shape_cast %reduce_sum3A_432 : vector<4096xf32> to vector<4096x1xf32>
    %convert_element_type3A_434 = arith.fptosi %broadcast_in_dim3A_433 : vector<4096x1xf32> to vector<4096x1xi32>
    %swap3A_435 = arith.constant 0 : index
    %swap3A_436 = arith.constant 0 : index
    %swap3A_437 = vector.load %arg4[%swap3A_435, %swap3A_436] : memref<4096x1xi32, #tpu.memory_space<vmem>>, vector<4096x1xi32>
    tpu.vector_store %arg4[%swap3A_435, %swap3A_436], %convert_element_type3A_434 {strides = array<i32>} : memref<4096x1xi32, #tpu.memory_space<vmem>>, vector<4096x1xi32>,
    %add3A_438 = arith.addf %sub3A_427, %mul3A_406 : vector<1x16xf32>
    %iota3A_439 = tpu.iota {dimensions = array<i32: 0>} : vector<48x1xi32>
    %convert_element_type3A_440 = arith.sitofp %iota3A_439 : vector<48x1xi32> to vector<48x1xf32>
    %mul3A_441 = arith.constant 1.280000e+02 : f32
    %mul3A_442 = vector.broadcast %mul3A_441 : f32 to vector<48x1xf32>
    %mul3A_443 = arith.mulf %convert_element_type3A_440, %mul3A_442 : vector<48x1xf32>
    %le3A = vector.broadcast %add3A_438 : vector<1x16xf32> to vector<48x16xf32>
    %le3A_444 = vector.broadcast %mul3A_443 : vector<48x1xf32> to vector<48x16xf32>
    %le3A_445 = arith.cmpf ole, %le3A, %le3A_444 : vector<48x16xf32>
    %convert_element_type3A_446 = arith.extui %le3A_445 : vector<48x16xi1> to vector<48x16xi32>
    %convert_element_type3A_447 = arith.sitofp %convert_element_type3A_446 : vector<48x16xi32> to vector<48x16xf32>
    %reduce_sum3A_448 = arith.constant dense<0.000000e+00> : vector<48xf32>
    %reduce_sum3A_449 = vector.multi_reduction <add>, %convert_element_type3A_447, %reduce_sum3A_448 [1] : vector<48x16xf32> to vector<48xf32>
    %broadcast_in_dim3A_450 = vector.shape_cast %reduce_sum3A_449 : vector<48xf32> to vector<48x1xf32>
    %min3A = arith.constant 1.500000e+01 : f32
    %min3A_451 = vector.broadcast %min3A : f32 to vector<48x1xf32>
    %min3A_452 = arith.minimumf %broadcast_in_dim3A_450, %min3A_451 : vector<48x1xf32>
    %convert_element_type3A_453 = arith.fptosi %min3A_452 : vector<48x1xf32> to vector<48x1xi32>
    %swap3A_454 = arith.constant 0 : index
    %swap3A_455 = arith.constant 0 : index
    %swap3A_456 = vector.load %arg5[%swap3A_454, %swap3A_455] : memref<48x1xi32, #tpu.memory_space<vmem>>, vector<48x1xi32>
    tpu.vector_store %arg5[%swap3A_454, %swap3A_455], %convert_element_type3A_453 {strides = array<i32>} : memref<48x1xi32, #tpu.memory_space<vmem>>, vector<48x1xi32>,
    %reduce_sum3A_457 = vector.shape_cast %mul3A_406 : vector<1x16xf32> to vector<1x1x16xf32>
    %reduce_sum3A_458 = arith.constant dense<0.000000e+00> : vector<1xf32>
    %reduce_sum3A_459 = vector.multi_reduction <add>, %reduce_sum3A_457, %reduce_sum3A_458 [1, 2] : vector<1x1x16xf32> to vector<1xf32>
    %reduce_sum3A_460 = vector.shape_cast %reduce_sum3A_459 : vector<1xf32> to vector<1x1x1xf32>
    %reduce_sum3A_461 = vector.extract %reduce_sum3A_460[0, 0, 0] : f32 from vector<1x1x1xf32>
    %lt3A = vector.broadcast %reduce_sum3A_461 : f32 to vector<48x1xf32>
    %lt3A_462 = arith.cmpf olt, %mul3A_443, %lt3A : vector<48x1xf32>
    %convert_element_type3A_463 = arith.extui %lt3A_462 : vector<48x1xi1> to vector<48x1xi32>
    %swap3A_464 = arith.constant 0 : index
    %swap3A_465 = arith.constant 0 : index
    %swap3A_466 = vector.load %arg6[%swap3A_464, %swap3A_465] : memref<48x1xi32, #tpu.memory_space<vmem>>, vector<48x1xi32>
    tpu.vector_store %arg6[%swap3A_464, %swap3A_465], %convert_element_type3A_463 {strides = array<i32>} : memref<48x1xi32, #tpu.memory_space<vmem>>, vector<48x1xi32>,
    return
  }
}

module attributes {stable_mosaic.version = 14 : i64} {
  func.func @_ffn_body(%arg0: i32, %arg1: memref<48xi32, #tpu.memory_space<smem>>, %arg2: memref<48xi32, #tpu.memory_space<smem>>, %arg3: memref<128x768xf32, #tpu.memory_space<vmem>>, %arg4: memref<1x768x768xf32, #tpu.memory_space<vmem>>, %arg5: memref<1x768x768xf32, #tpu.memory_space<vmem>>, %arg6: memref<128x768xf32, #tpu.memory_space<vmem>>) attributes {dimension_semantics = [#tpu.dimension_semantics<arbitrary>], iteration_bounds = array<i64: 48>, scalar_prefetch = 2 : i64, scratch_operands = 0 : i64, tpu.core_type = #tpu.core_type<tc>, window_params = [{transform_indices = @transform_0, window_bounds = array<i64: 128, 768>}, {transform_indices = @transform_1, window_bounds = array<i64: 1, 768, 768>}, {transform_indices = @transform_2, window_bounds = array<i64: 1, 768, 768>}, {transform_indices = @transform_3, window_bounds = array<i64: 128, 768>}]} {
    %get3A = arith.index_cast %arg0 : i32 to index
    %get3A_0 = memref.load %arg2[%get3A] : memref<48xi32, #tpu.memory_space<smem>>
    %ne3A = arith.constant 0 : i32
    %ne3A_1 = arith.cmpi ne, %get3A_0, %ne3A : i32
    %convert_element_type3A = arith.extui %ne3A_1 : i1 to i32
    %cond3A = arith.constant 0 : i32
    %cond3A_2 = arith.cmpi ne, %convert_element_type3A, %cond3A : i32
    scf.if %cond3A_2 {
      %get3A_3 = arith.constant 0 : index
      %get3A_4 = arith.constant 0 : index
      %get3A_5 = vector.load %arg3[%get3A_3, %get3A_4] : memref<128x768xf32, #tpu.memory_space<vmem>>, vector<128x768xf32>
      %convert_element_type3A_6 = arith.truncf %get3A_5 : vector<128x768xf32> to vector<128x768xbf16>
      %get3A_7 = arith.constant 0 : index
      %get3A_8 = arith.constant 0 : index
      %get3A_9 = arith.constant 0 : index
      %get3A_10 = vector.load %arg4[%get3A_7, %get3A_8, %get3A_9] : memref<1x768x768xf32, #tpu.memory_space<vmem>>, vector<1x768x768xf32>
      %get3A_11 = vector.shape_cast %get3A_10 : vector<1x768x768xf32> to vector<768x768xf32>
      %convert_element_type3A_12 = arith.truncf %get3A_11 : vector<768x768xf32> to vector<768x768xbf16>
      %dot_general3A = arith.constant dense<0.000000e+00> : vector<128x768xf32>
      %dot_general3A_13 = tpu.matmul %convert_element_type3A_6, %convert_element_type3A_12, %dot_general3A {dimension_numbers = #tpu.dot_dimension_numbers<[1], [0], [0], [1], [0, 0, 1, 1], [], []>, transpose_lhs_hint = false} : vector<128x768xbf16>, vector<768x768xbf16>, vector<128x768xf32> -> vector<128x768xf32>
      %max3A = arith.constant 0.000000e+00 : f32
      %max3A_14 = vector.broadcast %max3A : f32 to vector<128x768xf32>
      %max3A_15 = arith.maximumf %dot_general3A_13, %max3A_14 : vector<128x768xf32>
      %convert_element_type3A_16 = arith.truncf %max3A_15 : vector<128x768xf32> to vector<128x768xbf16>
      %get3A_17 = arith.constant 0 : index
      %get3A_18 = arith.constant 0 : index
      %get3A_19 = arith.constant 0 : index
      %get3A_20 = vector.load %arg5[%get3A_17, %get3A_18, %get3A_19] : memref<1x768x768xf32, #tpu.memory_space<vmem>>, vector<1x768x768xf32>
      %get3A_21 = vector.shape_cast %get3A_20 : vector<1x768x768xf32> to vector<768x768xf32>
      %convert_element_type3A_22 = arith.truncf %get3A_21 : vector<768x768xf32> to vector<768x768xbf16>
      %dot_general3A_23 = arith.constant dense<0.000000e+00> : vector<128x768xf32>
      %dot_general3A_24 = tpu.matmul %convert_element_type3A_16, %convert_element_type3A_22, %dot_general3A_23 {dimension_numbers = #tpu.dot_dimension_numbers<[1], [0], [0], [1], [0, 0, 1, 1], [], []>, transpose_lhs_hint = false} : vector<128x768xbf16>, vector<768x768xbf16>, vector<128x768xf32> -> vector<128x768xf32>
      %swap3A = arith.constant 0 : index
      %swap3A_25 = arith.constant 0 : index
      %swap3A_26 = vector.load %arg6[%swap3A, %swap3A_25] : memref<128x768xf32, #tpu.memory_space<vmem>>, vector<128x768xf32>
      tpu.vector_store %arg6[%swap3A, %swap3A_25], %dot_general3A_24 {strides = array<i32>} : memref<128x768xf32, #tpu.memory_space<vmem>>, vector<128x768xf32>,
    } else {
    }
    return
  }
  func.func @transform_0(%arg0: i32, %arg1: memref<48xi32, #tpu.memory_space<smem>>, %arg2: memref<48xi32, #tpu.memory_space<smem>>) -> (i32, i32) {
    %c0_i32 = arith.constant 0 : i32
    %c0_i32_0 = arith.constant 0 : i32
    return %arg0, %c0_i32 : i32, i32
  }
  func.func @transform_1(%arg0: i32, %arg1: memref<48xi32, #tpu.memory_space<smem>>, %arg2: memref<48xi32, #tpu.memory_space<smem>>) -> (i32, i32, i32) {
    %get3A = arith.index_cast %arg0 : i32 to index
    %get3A_0 = memref.load %arg1[%get3A] : memref<48xi32, #tpu.memory_space<smem>>
    %c0_i32 = arith.constant 0 : i32
    %c0_i32_1 = arith.constant 0 : i32
    %c0_i32_2 = arith.constant 0 : i32
    return %get3A_0, %c0_i32, %c0_i32_1 : i32, i32, i32
  }
  func.func @transform_2(%arg0: i32, %arg1: memref<48xi32, #tpu.memory_space<smem>>, %arg2: memref<48xi32, #tpu.memory_space<smem>>) -> (i32, i32, i32) {
    %get3A = arith.index_cast %arg0 : i32 to index
    %get3A_0 = memref.load %arg1[%get3A] : memref<48xi32, #tpu.memory_space<smem>>
    %c0_i32 = arith.constant 0 : i32
    %c0_i32_1 = arith.constant 0 : i32
    %c0_i32_2 = arith.constant 0 : i32
    return %get3A_0, %c0_i32, %c0_i32_1 : i32, i32, i32
  }
  func.func @transform_3(%arg0: i32, %arg1: memref<48xi32, #tpu.memory_space<smem>>, %arg2: memref<48xi32, #tpu.memory_space<smem>>) -> (i32, i32) {
    %c0_i32 = arith.constant 0 : i32
    %c0_i32_0 = arith.constant 0 : i32
    return %arg0, %c0_i32 : i32, i32
  }
}

</mosaic_0001>

<sc_bundles>
// kernel: kernel.6.cloned.1.call-start
scs
__scs_entry_jumppad:
0x0: {  	(pc) =	sbr.rel $0x88, $3  }
0x1: {  	(tag) =	ssettag $0x0;
	lr =	simm.s32 $0x1  }
0x2: {  	[smem:$0x3F9C] =	sst lr;
	_ =	strace $0xD0000000  }
0x3: {  	_ = 	snop  }
0x4: {  	_ = 	snop  }
0x5: {  	_ = 	snop  }
0x6: {  	_ = 	snop  }
0x7: {  	_ = 	snop  }
__scs_overlays_trampoline_lowered:
0x8: {  	[smem:$0x3FAB] =	sst s0  }
0x9: {  	[smem:$0x3FAC] =	sst s1  }
0xa: {  	[smem:$0x3FAD] =	sst s2  }
0xb: {  	[smem:$0x3FAE] =	sst s3  }
0xc: {  	[smem:$0x3FAF] =	sst s4  }
0xd: {  	[smem:$0x3FB0] =	sst s5  }
0xe: {  	[smem:$0x3FB1] =	sst s6  }
0xf: {  	[smem:$0x3FB2] =	sst s7  }
0x10: {  	[smem:$0x3FB3] =	sst s8  }
0x11: {  	[smem:$0x3FB4] =	sst s9;
	s0 =	simm.s32 @!p0 $0x0  }
0x12: {  	s1 =	sld [smem:$0x3F9A];
	s0 =	simm.s32 @p0 $0x1  }
0x13: {  	[smem:$0x3FB5] =	sst s0;
	s0 =	simm.s32 @!p1 $0x0  }
0x14: {  	s2 =	sld [smem:$0x3F99];
	s0 =	simm.s32 @p1 $0x1  }
0x15: {  	[smem:$0x3FB6] =	sst s0;
	s0 =	simm.s32 @!p2 $0x0  }
0x16: {  	s3 =	sld [smem:$0x3FDB];
	s0 =	simm.s32 @p2 $0x1  }
0x17: {  	s4 =	simm.s32 $0x1BF5;
	[smem:$0x3FB8] =	sst s0  }
0x18: {  	s0 =	sld [smem:$0x3F9B];
	_ =	swait.ge [sflag:s4], $0x0  }
0x19: {  	s7 =	sld [smem:$0x3F9C]  }
0x1a: {  	s8 =	sadd.s32 $0xFFFFE003, lr  }
0x1b: {  	s9 =	sadd.s32 $0xFFFFFEF7, lr;
	s5 =	simm.s32 $0xFFFFFFFF;
	p2 =	slt.u32 s8, $0xFFFFF086  }
0x1c: {  	p1 =	slt.u32 s9, $0xF7A;
	s5 =	simm.s32 @!p2 $0x0  }
0x1d: {  	s5 =	simm.s32 @p1 $0x1;
	p0 =	seq.s32 s7, s2  }
0x1e: {  	s7 =	smul.u32 @!p0 $0xF7A, s2;
	p2 =	seq.s32 @!p0 s5, $0x0  }
0x1f: {  	s9 =	smul.u32 $0xF7A, s1;
	s8 =	simm.s32 @!p0 $0x1BF5;
	p2 =	por !p2, p0  }
0x20: {  	[sflag:s8] =	ssyncset.s32 @!p0 $0xFFFFF086;
	s6 =	sadd.s32 @!p0 s3, s7;
	s7 =	simm.s32 @!p0 $0x108  }
0x21: {  	s3 =	sadd.s32 s3, s9;
	s6 =	sadd.s32 @!p0 $0x88, s6;
	s7 =	simm.s32 @p2 $0x1082  }
0x22: {  	[simem:s7], [sflag:s8] =	dma.local @!p0 [hbm:s6], $0xF7A  }
0x23: {  	s9 =	sor.u32 $0xD0000000, s2;
	s6 =	simm.s32 $0x108;
	_ =	swait.ge @!p0 [sflag:s8], $0x0  }
0x24: {  	s3 =	sadd.s32 $0x88, s3;
	s6 =	simm.s32 @!p1 $0x1082;
	[sflag:s4] =	ssyncset.s32 $0xFFFFF086  }
0x25: {  	[simem:s6], [sflag:s4] =	dma.local [hbm:s3], $0xF7A  }
0x26: {  	[smem:$0x3F9C] =	sst s1;
	(tag) =	ssettag s2;
	_ =	strace s9  }
0x27: {  	s1 =	sld [smem:$0x3FAC]  }
0x28: {  	s2 =	sld [smem:$0x3FAD]  }
0x29: {  	s4 =	sld [smem:$0x3FAF]  }
0x2a: {  	p0 =	seq.s32 s5, $0x0;
	s5 =	sld [smem:$0x3FB0]  }
0x2b: {  	s6 =	sld [smem:$0x3FB1]  }
0x2c: {  	s7 =	sld [smem:$0x3FB2]  }
0x2d: {  	s3 =	simm.s32 $0x108;
	s8 =	sld [smem:$0x3FB3]  }
0x2e: {  	s3 =	simm.s32 @!p0 $0x1082;
	s9 =	sld [smem:$0x3FB4]  }
0x2f: {  	lr =	sadd.s32 s0, s3;
	s0 =	sld [smem:$0x3FAB]  }
0x30: {  	s3 =	sld [smem:$0x3FAE]  }
0x31: {  	[smem:$0x3FB7] =	sst s10  }
0x32: {  	s10 =	sld [smem:$0x3FB5];
	_ =	sdelay $0x3  }
0x33: {  	p0 =	seq.s32 s10, $0x1;
	s10 =	sld [smem:$0x3FB7];
	_ =	sdelay $0x3  }
0x34: {  	[smem:$0x3FB7] =	sst s10  }
0x35: {  	s10 =	sld [smem:$0x3FB6];
	_ =	sdelay $0x3  }
0x36: {  	p1 =	seq.s32 s10, $0x1;
	s10 =	sld [smem:$0x3FB7];
	_ =	sdelay $0x3  }
0x37: {  	[smem:$0x3FB7] =	sst s10  }
0x38: {  	s10 =	sld [smem:$0x3FB8]  }
0x39: {  	_ = 	snop;
	(pc) =	sbr.ind lr, $3  }
0x3a: {  	_ = 	snop  }
0x3b: {  	_ = 	snop  }
0x3c: {  	p2 =	seq.s32 s10, $0x1;
	s10 =	sld [smem:$0x3FB7]  }
0x3d: {  	_ =	shalt  }
0x3e: {  	_ =	shalt  }
0x3f: {  	_ =	shalt  }
0x40: {  	_ =	shalt  }
0x41: {  	_ =	shalt  }
0x42: {  	_ =	shalt  }
0x43: {  	_ =	shalt  }
0x44: {  	_ =	shalt  }
0x45: {  	_ =	shalt  }
0x46: {  	_ =	shalt  }
0x47: {  	_ =	shalt  }
0x48: {  	_ =	shalt  }
0x49: {  	_ =	shalt  }
0x4a: {  	_ =	shalt  }
0x4b: {  	_ =	shalt  }
0x4c: {  	_ =	shalt  }
0x4d: {  	_ =	shalt  }
0x4e: {  	_ =	shalt  }
0x4f: {  	_ =	shalt  }
0x50: {  	_ =	shalt  }
0x51: {  	_ =	shalt  }
0x52: {  	_ =	shalt  }
0x53: {  	_ =	shalt  }
0x54: {  	_ =	shalt  }
0x55: {  	_ =	shalt  }
0x56: {  	_ =	shalt  }
0x57: {  	_ =	shalt  }
0x58: {  	_ =	shalt  }
0x59: {  	_ =	shalt  }
0x5a: {  	_ =	shalt  }
0x5b: {  	_ =	shalt  }
0x5c: {  	_ =	shalt  }
0x5d: {  	_ =	shalt  }
0x5e: {  	_ =	shalt  }
0x5f: {  	_ =	shalt  }
0x60: {  	_ =	shalt  }
0x61: {  	_ =	shalt  }
0x62: {  	_ =	shalt  }
0x63: {  	_ =	shalt  }
0x64: {  	_ =	shalt  }
0x65: {  	_ =	shalt  }
0x66: {  	_ =	shalt  }
0x67: {  	_ =	shalt  }
0x68: {  	_ =	shalt  }
0x69: {  	_ =	shalt  }
0x6a: {  	_ =	shalt  }
0x6b: {  	_ =	shalt  }
0x6c: {  	_ =	shalt  }
0x6d: {  	_ =	shalt  }
0x6e: {  	_ =	shalt  }
0x6f: {  	_ =	shalt  }
0x70: {  	_ =	shalt  }
0x71: {  	_ =	shalt  }
0x72: {  	_ =	shalt  }
0x73: {  	_ =	shalt  }
0x74: {  	_ =	shalt  }
0x75: {  	_ =	shalt  }
0x76: {  	_ =	shalt  }
0x77: {  	_ =	shalt  }
0x78: {  	_ =	shalt  }
0x79: {  	_ =	shalt  }
0x7a: {  	_ =	shalt  }
0x7b: {  	_ =	shalt  }
0x7c: {  	_ =	shalt  }
0x7d: {  	_ =	shalt  }
0x7e: {  	_ =	shalt  }
0x7f: {  	_ =	shalt  }
0x80: {  	_ =	shalt  }
0x81: {  	_ =	shalt  }
0x82: {  	_ =	shalt  }
0x83: {  	_ =	shalt  }
0x84: {  	_ =	shalt  }
0x85: {  	_ =	shalt  }
0x86: {  	_ =	shalt  }
0x87: {  	_ =	shalt  }
.Lfunc_end0:
.L_simem_size_0:
called_computation_lowered:
.L_overlay_start_0:
0x88: {  	s2 =	sld [smem:$0x3FD9]  }
0x89: {  	s3 =	sld [smem:$0x3FFE];
	_ =	sdelay $0x1  }
0x8a: {  	s1 =	srdreg.scid  }
0x8b: {  	s0 =	sand.u32 $0x1, s1  }
0x8c: {  	s17 =	sshll.u32 s0, $0xA;
	s2 =	sadd.s32 s3, s2  }
0x8d: {  	s2 =	sadd.s32 s2, s17  }
0x8e: {  	[smem:$0x3FC3] =	sst s2  }
0x8f: {  	_ = 	snop  }
0x90: {  	s2 =	sld [smem:$0x3FC9];
	(tm) =	ssettm $0x1  }
0x91: {  	s18 =	sld [smem:$0x3FFB];
	_ =	sdelay $0x3  }
0x92: {  	_ =	strace s18  }
0x93: {  	s3 =	sld [smem:$0x3FFC];
	_ =	sdelay $0x3  }
0x94: {  	_ =	strace s3  }
0x95: {  	s3 =	sld [smem:$0x3FFD];
	_ =	sdelay $0x3  }
0x96: {  	_ =	strace s3  }
0x97: {  	_ =	strace $0x8FFFFFFF  }
0x98: {  	s19 =	sld [smem:$0x3FDB];
	_ =	sdelay $0x1  }
0x99: {  	s4 =	simm.s32 $_scs_section_size  }
0x9a: {  	s5 =	simm.s32 $_size__tile_overlayer_lowered;
	s6 =	simm.s32 $_tile_overlayer_lowered  }
0x9b: {  	s22 =	simm.s32 $0x1BFF;
	s21 =	sshll.u32 s6, $0x1;
	s3 =	sadd.s32 s4, s19  }
0x9c: {  	s7 =	simm.s32 $0x0;
	s20 =	sshll.u32 s5, $0x1;
	s5 =	sadd.s32 s21, s3  }
0x9d: {  	[timem:s7], [sflag:s22] =	dma.local [hbm:s5], s20  }
0x9e: {  	_ =	swait.ge [sflag:s22], s20  }
0x9f: {  	s4 =	ssub.s32 $0x0, s20;
	[sflag:s22] =	ssyncset.done $0x0  }
0xa0: {  	[sflag:s22] =	ssyncadd.s32 s4;
	_ =	sdelay $0x1  }
0xa1: {  	s23 =	simm.s32 $0x1B8B  }
0xa2: {  	_ =	swait.ge [sflag:s23], $0x1  }
0xa3: {  	[sflag:s23] =	ssyncset.done $0x0  }
0xa4: {  	s25 =	simm.s32 $0x1B8E;
	s24 =	sld [smem:$0x3FFE];
	[sflag:s23] =	ssyncadd.s32 $0xFFFFFFFF  }
0xa5: {  	s26 =	simm.s32 $execute0_lowered;
	[smem:$0x3FD2] =	sst s25  }
0xa6: {  	s5 =	sshll.u32 s26, $0x1;
	_ =	strace $0x80000046;
	[dreg:$0x1] =	wrdreg $0xFFFFFFFF  }
0xa7: {  	s28 =	simm.s32 $_size_execute0_lowered;
	s3 =	sadd.s32 s3, s5;
	[dreg:$0x0] =	wrdreg $0x0  }
0xa8: {  	s5 =	sshll.u32 s28, $0x1;
	[dreg:$0x2] =	wrdreg s3  }
0xa9: {  	[dreg:$0x3] =	wrdreg s5  }
0xaa: {  	[dreg:$0x4] =	wrdreg $0xC0  }
0xab: {  	_ =	task [dreg:s7], $0x5FFFF  }
0xac: {  	[dreg:$0x1] =	wrdreg $0xFFFFFFFF  }
0xad: {  	[dreg:$0x0] =	wrdreg $0x60  }
0xae: {  	[dreg:$0x2] =	wrdreg s2  }
0xaf: {  	[dreg:$0x3] =	wrdreg s24  }
0xb0: {  	[dreg:$0x4] =	wrdreg $0x9  }
0xb1: {  	_ =	task.clear_ibuf [dreg:s7], $0x5FFFF;
	_ =	strace $0x90000046  }
0xb2: {  	s29 =	simm.s32 $0x9;
	_ =	strace $0x80000048  }
0xb3: {  	_ =	swait.ge [sflag:s29], $0x1  }
0xb4: {  	[sflag:s29] =	ssyncadd.s32 $0xFFFFFFFF  }
0xb5: {  	_ =	strace $0x90000048  }
0xb6: {  	_ =	sfence  }
0xb7: {  	s30 =	sld [smem:$0x0];
	_ =	sdelay $0x2  }
0xb8: {  	s31 =	sshll.u32 s1, $0xD;
	s1 =	sshrl.u32 s1, $0x2  }
0xb9: {  	s3 =	sand.u32 $0x4000, s31;
	s1 =	sadd.s32 s1, s30  }
0xba: {  	s0 =	sor.u32 s3, s0;
	s1 =	sshll.u32 s1, $0x11  }
0xbb: {  	s0 =	sor.u32 s1, s0  }
0xbc: {  	s0 =	sadd.s32 $0x8F2B, s0  }
0xbd: {  	[sflag:s0] =	ssyncadd.remote.s32 $0x1  }
0xbe: {  	_ =	sfence.sel $0xFFFF  }
0xbf: {  	[dreg:$0x0] =	wrdreg $0xFFFFFFFF;
	(pc) =	sbr.abs _section_cstart, $3  }
0xc0: {  	[dreg:$0x1] =	wrdreg $0xFFFFFFFF  }
0xc1: {  	_ =	task.clear_ibuf [dreg:s7], $0x2FFFF;
	_ =	strace $0x9FFFFFFF  }
0xc2: {  	(tm) =	ssettm $0x7FFFFFFF  }
0xc3: {  	_ =	shalt  }
tec
execute0_lowered:
.L_overlay_start_1:
0x0: {  	(tag) =	ssettag $0x1  }
0x1: {  	s0 =	srdreg.scid  }
0x2: {  	s1 =	rddreg [dreg:$0x0];
	s2 =	stileid.u32  }
0x3: {  	s4 =	rddreg [dreg:$0x1];
	s26 =	simm.s32 $0x80;
	s8 =	simm.s32 $0x100  }
0x4: {  	s9 =	simm.s32 $0x2;
	s12 =	simm.s32 $0x1900;
	s13 =	simm.s32 $0x2100  }
0x5: {  	s14 =	simm.s32 $0x2900;
	s15 =	simm.s32 $0x3100;
	s16 =	simm.s32 $0x3900  }
0x6: {  	s17 =	simm.s32 $0x4100;
	s18 =	simm.s32 $0x4900;
	s19 =	simm.s32 $0x5100  }
0x7: {  	s20 =	simm.s32 $0x5900;
	s21 =	simm.s32 $0x6100;
	s22 =	simm.s32 $0x6900  }
0x8: {  	s28 =	simm.s32 $0x9100;
	s29 =	simm.s32 $0x9900;
	s30 =	simm.s32 $0xA100  }
0x9: {  	s0 =	sand.u32 $0x1, s0;
	s3 =	sshll.u32 s2, $0x4;
	s2 =	simm.s32 $0x0  }
0xa: {  	s31 =	simm.s32 $0xA900;
	s5 =	sshll.u32 s0, $0x3;
	[smem:$0x7FF] =	sst s2  }
0xb: {  	s0 =	ssub.s32 $0x2, s0;
	s5 =	sor.u32 s5, s3;
	_ =	strace $0x80000047  }
0xc: {  	s3 =	sadd.s32 $0x400, s4;
	s24 =	sshrl.u32 s0, $0x1;
	[dreg:$0x5] =	wrdreg s26  }
0xd: {  	s26 =	simm.s32 $0x8900;
	s6 =	smul.u32 $0x300, s5;
	s23 =	sadd.s32 s4, s5  }
0xe: {  	s0 =	ssub.s32 s0, s24;
	s5 =	sadd.s32 $0x500, s4;
	s24 =	simm.s32 $0x7900  }
0xf: {  	[dreg:$0x6] =	wrdreg s23;
	s25 =	sadd.s32 $0x200, s23;
	s7 =	smax.u32 s0, $0x1  }
0x10: {  	v2 =	vlaneseq.u32;
	s23 =	simm.s32 $0x7100;
	s0 =	simm.s32 $0xB900;
	s1 =	sadd.s32 s1, s6  }
0x11: {  	vm0 =	vmmov $0xffff;
	v1 =	vshrl.u32 v2, $0x3;
	[dreg:$0x4] =	wrdreg s25;
	s6 =	sadd.s32 $0x600, s4;
	s25 =	simm.s32 $0x8100  }
0x12: {  	v0 =	vand.u32 $0x7, v2;
	v2 =	vor.u32 $0x8, v2;
	v1 =	vmul.u32 $0x8, v1;
	s4 =	simm.s32 $0x1;
	[dreg:$0x3] =	wrdreg s1;
	s1 =	simm.s32 $0xB100  }
.LBB2_1:
0x13: {  	s10 =	rddreg [dreg:$0x3]  }
0x14: {  	[tilespmem:s8], [sflag:$0x2] =	stream.linear.gather [hbm4b:s10+s2], $0xC000, $0x38;
	[tilespmem:$0xC100] =	vst v63  }
0x15: {  	_ =	swait.ge [sflag:s9], $0xC000  }
0x16: {  	[sflag:s9] =	ssyncset.done $0x0  }
0x17: {  	s11 =	rddreg [dreg:$0x6];
	[sflag:s9] =	ssyncadd.s32 $0xFFFF4000  }
0x18: {  	[tilespmem:s2], [sflag:$0x2] =	stream.linear.gather [hbm4b:s11+s2], $0x40, $0x38;
	[tilespmem:$0xC100] =	vst v63  }
0x19: {  	_ =	swait.ge [sflag:s9], $0x40  }
0x1a: {  	s10 =	rddreg [dreg:$0x4];
	[sflag:s9] =	ssyncset.done $0x0  }
0x1b: {  	s11 =	rddreg [dreg:$0x5];
	[sflag:s9] =	ssyncadd.s32 $0xFFFFFFC0  }
0x1c: {  	[tilespmem:s11], [sflag:$0x2] =	stream.linear.gather [hbm4b:s10+s2], $0x40, $0x38;
	[tilespmem:$0xC100] =	vst v63  }
0x1d: {  	_ =	swait.ge [sflag:s9], $0x40  }
0x1e: {  	[sflag:s9] =	ssyncset.done $0x0  }
0x1f: {  	[sflag:s9] =	ssyncadd.s32 $0xFFFFFFC0  }
0x20: {  	v3 =	vld [tilespmem:$0x0];
	_ =	sdelay $0x4  }
0x21: {  	v4 =	vshrl.u32 v3, $0x3  }
0x22: {  	v4 =	vmul.u32 $0x30, v4  }
0x23: {  	v3 =	vand.u32 $0x7, v3  }
0x24: {  	v3 =	vor.u32 v3, v4  }
0x25: {  	v4 =	vperm.xlane v3, v0;
	_ =	sdelay $0x1  }
0x26: {  	v4 =	vadd.s32 v1, v4;
	_ =	sdelay $0x3  }
0x27: {  	v3 =	vperm.xlane v3, v2  }
0x28: {  	[hbm4b:s3+s2] =	stream.indirect_vreg.scatter [tilespmem:s8], [sflag:$0x1], $0x80, v4, vm0, $0xb8;
	[tilespmem:$0xC100] =	vst v63  }
0x29: {  	s10 =	simm.s32 $0x900;
	v3 =	vadd.s32 v1, v3  }
0x2a: {  	[hbm4b:s5+s2] =	stream.indirect_vreg.scatter [tilespmem:s10], [sflag:$0x1], $0x80, v4, vm0, $0xb8;
	[tilespmem:$0xC100] =	vst v63  }
0x2b: {  	s11 =	simm.s32 $0x1100  }
0x2c: {  	[hbm4b:s6+s2] =	stream.indirect_vreg.scatter [tilespmem:s11], [sflag:$0x1], $0x80, v4, vm0, $0xb8;
	[tilespmem:$0xC100] =	vst v63  }
0x2d: {  	_ = 	snop  }
0x2e: {  	[hbm4b:s3+s2] =	stream.indirect_vreg.scatter [tilespmem:s12], [sflag:$0x1], $0x80, v3, vm0, $0xb8;
	[tilespmem:$0xC100] =	vst v63  }
0x2f: {  	_ = 	snop  }
0x30: {  	[hbm4b:s5+s2] =	stream.indirect_vreg.scatter [tilespmem:s13], [sflag:$0x1], $0x80, v3, vm0, $0xb8;
	[tilespmem:$0xC100] =	vst v63  }
0x31: {  	_ = 	snop  }
0x32: {  	[hbm4b:s6+s2] =	stream.indirect_vreg.scatter [tilespmem:s14], [sflag:$0x1], $0x80, v3, vm0, $0xb8;
	[tilespmem:$0xC100] =	vst v63  }
0x33: {  	v3 =	vld [tilespmem:$0x10];
	_ =	sdelay $0x4  }
0x34: {  	v57 =	vshrl.u32 v3, $0x3  }
0x35: {  	v4 =	vmul.u32 $0x30, v57  }
0x36: {  	v3 =	vand.u32 $0x7, v3  }
0x37: {  	v3 =	vor.u32 v3, v4  }
0x38: {  	v4 =	vperm.xlane v3, v0;
	_ =	sdelay $0x1  }
0x39: {  	v4 =	vadd.s32 v1, v4;
	_ =	sdelay $0x3  }
0x3a: {  	v3 =	vperm.xlane v3, v2  }
0x3b: {  	[hbm4b:s3+s2] =	stream.indirect_vreg.scatter [tilespmem:s15], [sflag:$0x1], $0x80, v4, vm0, $0xb8;
	[tilespmem:$0xC100] =	vst v63  }
0x3c: {  	v3 =	vadd.s32 v1, v3  }
0x3d: {  	[hbm4b:s5+s2] =	stream.indirect_vreg.scatter [tilespmem:s16], [sflag:$0x1], $0x80, v4, vm0, $0xb8;
	[tilespmem:$0xC100] =	vst v63  }
0x3e: {  	_ = 	snop  }
0x3f: {  	[hbm4b:s6+s2] =	stream.indirect_vreg.scatter [tilespmem:s17], [sflag:$0x1], $0x80, v4, vm0, $0xb8;
	[tilespmem:$0xC100] =	vst v63  }
0x40: {  	_ = 	snop  }
0x41: {  	[hbm4b:s3+s2] =	stream.indirect_vreg.scatter [tilespmem:s18], [sflag:$0x1], $0x80, v3, vm0, $0xb8;
	[tilespmem:$0xC100] =	vst v63  }
0x42: {  	_ = 	snop  }
0x43: {  	[hbm4b:s5+s2] =	stream.indirect_vreg.scatter [tilespmem:s19], [sflag:$0x1], $0x80, v3, vm0, $0xb8;
	[tilespmem:$0xC100] =	vst v63  }
0x44: {  	_ = 	snop  }
0x45: {  	[hbm4b:s6+s2] =	stream.indirect_vreg.scatter [tilespmem:s20], [sflag:$0x1], $0x80, v3, vm0, $0xb8;
	[tilespmem:$0xC100] =	vst v63  }
0x46: {  	v3 =	vld [tilespmem:$0x20];
	_ =	sdelay $0x4  }
0x47: {  	v58 =	vshrl.u32 v3, $0x3  }
0x48: {  	v4 =	vmul.u32 $0x30, v58  }
0x49: {  	v3 =	vand.u32 $0x7, v3  }
0x4a: {  	v3 =	vor.u32 v3, v4  }
0x4b: {  	v4 =	vperm.xlane v3, v0;
	_ =	sdelay $0x1  }
0x4c: {  	v4 =	vadd.s32 v1, v4;
	_ =	sdelay $0x3  }
0x4d: {  	v3 =	vperm.xlane v3, v2  }
0x4e: {  	[hbm4b:s3+s2] =	stream.indirect_vreg.scatter [tilespmem:s21], [sflag:$0x1], $0x80, v4, vm0, $0xb8;
	[tilespmem:$0xC100] =	vst v63  }
0x4f: {  	v3 =	vadd.s32 v1, v3  }
0x50: {  	[hbm4b:s5+s2] =	stream.indirect_vreg.scatter [tilespmem:s22], [sflag:$0x1], $0x80, v4, vm0, $0xb8;
	[tilespmem:$0xC100] =	vst v63  }
0x51: {  	_ = 	snop  }
0x52: {  	[hbm4b:s6+s2] =	stream.indirect_vreg.scatter [tilespmem:s23], [sflag:$0x1], $0x80, v4, vm0, $0xb8;
	[tilespmem:$0xC100] =	vst v63  }
0x53: {  	_ = 	snop  }
0x54: {  	[hbm4b:s3+s2] =	stream.indirect_vreg.scatter [tilespmem:s24], [sflag:$0x1], $0x80, v3, vm0, $0xb8;
	[tilespmem:$0xC100] =	vst v63  }
0x55: {  	_ = 	snop  }
0x56: {  	[hbm4b:s5+s2] =	stream.indirect_vreg.scatter [tilespmem:s25], [sflag:$0x1], $0x80, v3, vm0, $0xb8;
	[tilespmem:$0xC100] =	vst v63  }
0x57: {  	_ = 	snop  }
0x58: {  	[hbm4b:s6+s2] =	stream.indirect_vreg.scatter [tilespmem:s26], [sflag:$0x1], $0x80, v3, vm0, $0xb8;
	[tilespmem:$0xC100] =	vst v63  }
0x59: {  	v3 =	vld [tilespmem:$0x30];
	_ =	sdelay $0x4  }
0x5a: {  	v59 =	vshrl.u32 v3, $0x3  }
0x5b: {  	v4 =	vmul.u32 $0x30, v59  }
0x5c: {  	v3 =	vand.u32 $0x7, v3  }
0x5d: {  	v3 =	vor.u32 v3, v4  }
0x5e: {  	v4 =	vperm.xlane v3, v0;
	_ =	sdelay $0x1  }
0x5f: {  	v4 =	vadd.s32 v1, v4;
	_ =	sdelay $0x3  }
0x60: {  	v3 =	vperm.xlane v3, v2  }
0x61: {  	[hbm4b:s3+s2] =	stream.indirect_vreg.scatter [tilespmem:s28], [sflag:$0x1], $0x80, v4, vm0, $0xb8;
	[tilespmem:$0xC100] =	vst v63  }
0x62: {  	v3 =	vadd.s32 v1, v3  }
0x63: {  	[hbm4b:s5+s2] =	stream.indirect_vreg.scatter [tilespmem:s29], [sflag:$0x1], $0x80, v4, vm0, $0xb8;
	[tilespmem:$0xC100] =	vst v63  }
0x64: {  	_ = 	snop  }
0x65: {  	[hbm4b:s6+s2] =	stream.indirect_vreg.scatter [tilespmem:s30], [sflag:$0x1], $0x80, v4, vm0, $0xb8;
	[tilespmem:$0xC100] =	vst v63  }
0x66: {  	_ = 	snop  }
0x67: {  	[hbm4b:s3+s2] =	stream.indirect_vreg.scatter [tilespmem:s31], [sflag:$0x1], $0x80, v3, vm0, $0xb8;
	[tilespmem:$0xC100] =	vst v63  }
0x68: {  	_ = 	snop  }
0x69: {  	[hbm4b:s5+s2] =	stream.indirect_vreg.scatter [tilespmem:s1], [sflag:$0x1], $0x80, v3, vm0, $0xb8;
	[tilespmem:$0xC100] =	vst v63  }
0x6a: {  	_ = 	snop  }
0x6b: {  	[hbm4b:s6+s2] =	stream.indirect_vreg.scatter [tilespmem:s0], [sflag:$0x1], $0x80, v3, vm0, $0xb8;
	[tilespmem:$0xC100] =	vst v63  }
0x6c: {  	v3 =	vld [tilespmem:$0x80];
	_ =	sdelay $0x4  }
0x6d: {  	v60 =	vshrl.u32 v3, $0x3  }
0x6e: {  	v4 =	vmul.u32 $0x30, v60  }
0x6f: {  	v3 =	vand.u32 $0x7, v3  }
0x70: {  	v3 =	vor.u32 v3, v4  }
0x71: {  	v4 =	vperm.xlane v3, v0;
	_ =	sdelay $0x1  }
0x72: {  	v4 =	vadd.s32 v1, v4;
	_ =	sdelay $0x3  }
0x73: {  	v3 =	vperm.xlane v3, v2  }
0x74: {  	[hbm4b:s3+s2] =	stream.indirect_vreg.scatter [tilespmem:s8], [sflag:$0x1], $0x80, v4, vm0, $0xb8;
	[tilespmem:$0xC100] =	vst v63  }
0x75: {  	v3 =	vadd.s32 v1, v3  }
0x76: {  	[hbm4b:s5+s2] =	stream.indirect_vreg.scatter [tilespmem:s10], [sflag:$0x1], $0x80, v4, vm0, $0xb8;
	[tilespmem:$0xC100] =	vst v63  }
0x77: {  	_ = 	snop  }
0x78: {  	[hbm4b:s6+s2] =	stream.indirect_vreg.scatter [tilespmem:s11], [sflag:$0x1], $0x80, v4, vm0, $0xb8;
	[tilespmem:$0xC100] =	vst v63  }
0x79: {  	_ = 	snop  }
0x7a: {  	[hbm4b:s3+s2] =	stream.indirect_vreg.scatter [tilespmem:s12], [sflag:$0x1], $0x80, v3, vm0, $0xb8;
	[tilespmem:$0xC100] =	vst v63  }
0x7b: {  	_ = 	snop  }
0x7c: {  	[hbm4b:s5+s2] =	stream.indirect_vreg.scatter [tilespmem:s13], [sflag:$0x1], $0x80, v3, vm0, $0xb8;
	[tilespmem:$0xC100] =	vst v63  }
0x7d: {  	_ = 	snop  }
0x7e: {  	[hbm4b:s6+s2] =	stream.indirect_vreg.scatter [tilespmem:s14], [sflag:$0x1], $0x80, v3, vm0, $0xb8;
	[tilespmem:$0xC100] =	vst v63  }
0x7f: {  	v3 =	vld [tilespmem:$0x90];
	_ =	sdelay $0x4  }
0x80: {  	v61 =	vshrl.u32 v3, $0x3  }
0x81: {  	v4 =	vmul.u32 $0x30, v61  }
0x82: {  	v3 =	vand.u32 $0x7, v3  }
0x83: {  	v3 =	vor.u32 v3, v4  }
0x84: {  	v4 =	vperm.xlane v3, v0;
	_ =	sdelay $0x1  }
0x85: {  	v4 =	vadd.s32 v1, v4;
	_ =	sdelay $0x3  }
0x86: {  	v3 =	vperm.xlane v3, v2  }
0x87: {  	[hbm4b:s3+s2] =	stream.indirect_vreg.scatter [tilespmem:s15], [sflag:$0x1], $0x80, v4, vm0, $0xb8;
	[tilespmem:$0xC100] =	vst v63  }
0x88: {  	v3 =	vadd.s32 v1, v3  }
0x89: {  	[hbm4b:s5+s2] =	stream.indirect_vreg.scatter [tilespmem:s16], [sflag:$0x1], $0x80, v4, vm0, $0xb8;
	[tilespmem:$0xC100] =	vst v63  }
0x8a: {  	_ = 	snop  }
0x8b: {  	[hbm4b:s6+s2] =	stream.indirect_vreg.scatter [tilespmem:s17], [sflag:$0x1], $0x80, v4, vm0, $0xb8;
	[tilespmem:$0xC100] =	vst v63  }
0x8c: {  	_ = 	snop  }
0x8d: {  	[hbm4b:s3+s2] =	stream.indirect_vreg.scatter [tilespmem:s18], [sflag:$0x1], $0x80, v3, vm0, $0xb8;
	[tilespmem:$0xC100] =	vst v63  }
0x8e: {  	_ = 	snop  }
0x8f: {  	[hbm4b:s5+s2] =	stream.indirect_vreg.scatter [tilespmem:s19], [sflag:$0x1], $0x80, v3, vm0, $0xb8;
	[tilespmem:$0xC100] =	vst v63  }
0x90: {  	_ = 	snop  }
0x91: {  	[hbm4b:s6+s2] =	stream.indirect_vreg.scatter [tilespmem:s20], [sflag:$0x1], $0x80, v3, vm0, $0xb8;
	[tilespmem:$0xC100] =	vst v63  }
0x92: {  	v3 =	vld [tilespmem:$0xA0];
	_ =	sdelay $0x4  }
0x93: {  	v62 =	vshrl.u32 v3, $0x3  }
0x94: {  	v4 =	vmul.u32 $0x30, v62  }
0x95: {  	v3 =	vand.u32 $0x7, v3  }
0x96: {  	v3 =	vor.u32 v3, v4  }
0x97: {  	v4 =	vperm.xlane v3, v0;
	_ =	sdelay $0x1  }
0x98: {  	v4 =	vadd.s32 v1, v4;
	_ =	sdelay $0x3  }
0x99: {  	v3 =	vperm.xlane v3, v2  }
0x9a: {  	[hbm4b:s3+s2] =	stream.indirect_vreg.scatter [tilespmem:s21], [sflag:$0x1], $0x80, v4, vm0, $0xb8;
	[tilespmem:$0xC100] =	vst v63  }
0x9b: {  	v3 =	vadd.s32 v1, v3  }
0x9c: {  	[hbm4b:s5+s2] =	stream.indirect_vreg.scatter [tilespmem:s22], [sflag:$0x1], $0x80, v4, vm0, $0xb8;
	[tilespmem:$0xC100] =	vst v63  }
0x9d: {  	_ = 	snop  }
0x9e: {  	[hbm4b:s6+s2] =	stream.indirect_vreg.scatter [tilespmem:s23], [sflag:$0x1], $0x80, v4, vm0, $0xb8;
	[tilespmem:$0xC100] =	vst v63  }
0x9f: {  	_ = 	snop  }
0xa0: {  	[hbm4b:s3+s2] =	stream.indirect_vreg.scatter [tilespmem:s24], [sflag:$0x1], $0x80, v3, vm0, $0xb8;
	[tilespmem:$0xC100] =	vst v63  }
0xa1: {  	_ = 	snop  }
0xa2: {  	[hbm4b:s5+s2] =	stream.indirect_vreg.scatter [tilespmem:s25], [sflag:$0x1], $0x80, v3, vm0, $0xb8;
	[tilespmem:$0xC100] =	vst v63  }
0xa3: {  	_ = 	snop  }
0xa4: {  	[hbm4b:s6+s2] =	stream.indirect_vreg.scatter [tilespmem:s26], [sflag:$0x1], $0x80, v3, vm0, $0xb8;
	[tilespmem:$0xC100] =	vst v63  }
0xa5: {  	v3 =	vld [tilespmem:$0xB0];
	_ =	sdelay $0x4  }
0xa6: {  	v63 =	vshrl.u32 v3, $0x3  }
0xa7: {  	v4 =	vmul.u32 $0x30, v63  }
0xa8: {  	v3 =	vand.u32 $0x7, v3  }
0xa9: {  	v3 =	vor.u32 v3, v4  }
0xaa: {  	v4 =	vperm.xlane v3, v0;
	_ =	sdelay $0x1  }
0xab: {  	v4 =	vadd.s32 v1, v4;
	_ =	sdelay $0x3  }
0xac: {  	v3 =	vperm.xlane v3, v2  }
0xad: {  	[hbm4b:s3+s2] =	stream.indirect_vreg.scatter [tilespmem:s28], [sflag:$0x1], $0x80, v4, vm0, $0xb8;
	[tilespmem:$0xC100] =	vst v63  }
0xae: {  	v3 =	vadd.s32 v1, v3  }
0xaf: {  	[hbm4b:s5+s2] =	stream.indirect_vreg.scatter [tilespmem:s29], [sflag:$0x1], $0x80, v4, vm0, $0xb8;
	[tilespmem:$0xC100] =	vst v63  }
0xb0: {  	_ = 	snop  }
0xb1: {  	[hbm4b:s6+s2] =	stream.indirect_vreg.scatter [tilespmem:s30], [sflag:$0x1], $0x80, v4, vm0, $0xb8;
	[tilespmem:$0xC100] =	vst v63  }
0xb2: {  	_ = 	snop  }
0xb3: {  	[hbm4b:s3+s2] =	stream.indirect_vreg.scatter [tilespmem:s31], [sflag:$0x1], $0x80, v3, vm0, $0xb8;
	[tilespmem:$0xC100] =	vst v63  }
0xb4: {  	_ = 	snop  }
0xb5: {  	[hbm4b:s5+s2] =	stream.indirect_vreg.scatter [tilespmem:s1], [sflag:$0x1], $0x80, v3, vm0, $0xb8;
	[tilespmem:$0xC100] =	vst v63  }
0xb6: {  	_ = 	snop  }
0xb7: {  	[hbm4b:s6+s2] =	stream.indirect_vreg.scatter [tilespmem:s0], [sflag:$0x1], $0x80, v3, vm0, $0xb8;
	[tilespmem:$0xC100] =	vst v63  }
0xb8: {  	p0 =	sne.s32 s7, $0x1;
	_ =	swait.ge [sflag:s4], $0xC000  }
.Ltmp0:
0xb9: {  	[sflag:s4] =	ssyncset.done $0x0;
	(pc) =	sbr.rel @p0 .LBB2_1-.Ltmp0, $4  }
0xba: {  	[sflag:s4] =	ssyncadd.s32 $0xFFFF4000  }
0xbb: {  	_ =	swait.ge [sflag:s4], $0xC000  }
0xbc: {  	[sflag:s4] =	ssyncset.done $0x0  }
0xbd: {  	s7 =	sadd.s32 $0xFFFFFFFF, s7;
	[sflag:s4] =	ssyncadd.s32 $0xFFFF4000  }
0xbe: {  	_ =	sfence.sel $0x180000  }
0xbf: {  	[bflag:$0x0] =	sbarrier.arrive $0xFFFF  }
0xc0: {  	_ =	strace $0x90000047  }
0xc1: {  	s0 =	stileid.u32;
	[bflag:$0x2] =	sbarrier.arrive $0xFFFF  }
0xc2: {  	p0 =	sne.s32 s0, $0x0;
	s0 =	rddreg [dreg:$0x2]  }
0xc3: {  	s0 =	sadd.s32 @!p0 $0x100000, s0  }
0xc4: {  	[sflag:s0] =	ssyncadd.tile.s32 @!p0 $0x1;
	_ =	shalt  }
.Lfunc_end2:
_tile_overlayer_lowered:
.L_overlay_start_2:
0xc5: {  	(tag) =	ssettag $0x2  }
0xc6: {  	s0 =	rddreg [dreg:$0x0];
	s2 =	stileid.u32  }
0xc7: {  	s1 =	rddreg [dreg:$0x1];
	p0 =	sne.s32 s2, $0x0  }
0xc8: {  	s3 =	rddreg [dreg:$0x2];
	[bflag:$0x3] =	sbarrier.arrive $0xFFFF;
	s2 =	simm.s32 @!p0 $0x1C02  }
0xc9: {  	[timem:s3], [sflag:s2] =	dma.local @!p0 [hbm:s0], s1  }
0xca: {  	s0 =	simm.s32 @!p0 $0x2  }
0xcb: {  	_ =	swait.ge @!p0 [sflag:s0], s1  }
0xcc: {  	s1 =	ssub.s32 @!p0 $0x0, s1;
	[sflag:s0] =	ssyncset.done @!p0 $0x0  }
0xcd: {  	[sflag:s0] =	ssyncadd.s32 @!p0 s1  }
0xce: {  	[bflag:$0x3] =	sbarrier.arrive $0xFFFF  }
0xcf: {  	_ =	shalt  }

// kernel: kernel.9.cloned.1.call-start
scs
__scs_entry_jumppad:
0x0: {  	(pc) =	sbr.rel $0x88, $3  }
0x1: {  	(tag) =	ssettag $0x0;
	lr =	simm.s32 $0x1  }
0x2: {  	[smem:$0x3F9C] =	sst lr;
	_ =	strace $0xD0000000  }
0x3: {  	_ = 	snop  }
0x4: {  	_ = 	snop  }
0x5: {  	_ = 	snop  }
0x6: {  	_ = 	snop  }
0x7: {  	_ = 	snop  }
__scs_overlays_trampoline_lowered:
0x8: {  	[smem:$0x3FAB] =	sst s0  }
0x9: {  	[smem:$0x3FAC] =	sst s1  }
0xa: {  	[smem:$0x3FAD] =	sst s2  }
0xb: {  	[smem:$0x3FAE] =	sst s3  }
0xc: {  	[smem:$0x3FAF] =	sst s4  }
0xd: {  	[smem:$0x3FB0] =	sst s5  }
0xe: {  	[smem:$0x3FB1] =	sst s6  }
0xf: {  	[smem:$0x3FB2] =	sst s7  }
0x10: {  	[smem:$0x3FB3] =	sst s8  }
0x11: {  	[smem:$0x3FB4] =	sst s9;
	s0 =	simm.s32 @!p0 $0x0  }
0x12: {  	s1 =	sld [smem:$0x3F9A];
	s0 =	simm.s32 @p0 $0x1  }
0x13: {  	[smem:$0x3FB5] =	sst s0;
	s0 =	simm.s32 @!p1 $0x0  }
0x14: {  	s2 =	sld [smem:$0x3F99];
	s0 =	simm.s32 @p1 $0x1  }
0x15: {  	[smem:$0x3FB6] =	sst s0;
	s0 =	simm.s32 @!p2 $0x0  }
0x16: {  	s3 =	sld [smem:$0x3FDB];
	s0 =	simm.s32 @p2 $0x1  }
0x17: {  	s4 =	simm.s32 $0x1BF5;
	[smem:$0x3FB8] =	sst s0  }
0x18: {  	s0 =	sld [smem:$0x3F9B];
	_ =	swait.ge [sflag:s4], $0x0  }
0x19: {  	s7 =	sld [smem:$0x3F9C]  }
0x1a: {  	s8 =	sadd.s32 $0xFFFFE003, lr  }
0x1b: {  	s9 =	sadd.s32 $0xFFFFFEF7, lr;
	s5 =	simm.s32 $0xFFFFFFFF;
	p2 =	slt.u32 s8, $0xFFFFF086  }
0x1c: {  	p1 =	slt.u32 s9, $0xF7A;
	s5 =	simm.s32 @!p2 $0x0  }
0x1d: {  	s5 =	simm.s32 @p1 $0x1;
	p0 =	seq.s32 s7, s2  }
0x1e: {  	s7 =	smul.u32 @!p0 $0xF7A, s2;
	p2 =	seq.s32 @!p0 s5, $0x0  }
0x1f: {  	s9 =	smul.u32 $0xF7A, s1;
	s8 =	simm.s32 @!p0 $0x1BF5;
	p2 =	por !p2, p0  }
0x20: {  	[sflag:s8] =	ssyncset.s32 @!p0 $0xFFFFF086;
	s6 =	sadd.s32 @!p0 s3, s7;
	s7 =	simm.s32 @!p0 $0x108  }
0x21: {  	s3 =	sadd.s32 s3, s9;
	s6 =	sadd.s32 @!p0 $0x88, s6;
	s7 =	simm.s32 @p2 $0x1082  }
0x22: {  	[simem:s7], [sflag:s8] =	dma.local @!p0 [hbm:s6], $0xF7A  }
0x23: {  	s9 =	sor.u32 $0xD0000000, s2;
	s6 =	simm.s32 $0x108;
	_ =	swait.ge @!p0 [sflag:s8], $0x0  }
0x24: {  	s3 =	sadd.s32 $0x88, s3;
	s6 =	simm.s32 @!p1 $0x1082;
	[sflag:s4] =	ssyncset.s32 $0xFFFFF086  }
0x25: {  	[simem:s6], [sflag:s4] =	dma.local [hbm:s3], $0xF7A  }
0x26: {  	[smem:$0x3F9C] =	sst s1;
	(tag) =	ssettag s2;
	_ =	strace s9  }
0x27: {  	s1 =	sld [smem:$0x3FAC]  }
0x28: {  	s2 =	sld [smem:$0x3FAD]  }
0x29: {  	s4 =	sld [smem:$0x3FAF]  }
0x2a: {  	p0 =	seq.s32 s5, $0x0;
	s5 =	sld [smem:$0x3FB0]  }
0x2b: {  	s6 =	sld [smem:$0x3FB1]  }
0x2c: {  	s7 =	sld [smem:$0x3FB2]  }
0x2d: {  	s3 =	simm.s32 $0x108;
	s8 =	sld [smem:$0x3FB3]  }
0x2e: {  	s3 =	simm.s32 @!p0 $0x1082;
	s9 =	sld [smem:$0x3FB4]  }
0x2f: {  	lr =	sadd.s32 s0, s3;
	s0 =	sld [smem:$0x3FAB]  }
0x30: {  	s3 =	sld [smem:$0x3FAE]  }
0x31: {  	[smem:$0x3FB7] =	sst s10  }
0x32: {  	s10 =	sld [smem:$0x3FB5];
	_ =	sdelay $0x3  }
0x33: {  	p0 =	seq.s32 s10, $0x1;
	s10 =	sld [smem:$0x3FB7];
	_ =	sdelay $0x3  }
0x34: {  	[smem:$0x3FB7] =	sst s10  }
0x35: {  	s10 =	sld [smem:$0x3FB6];
	_ =	sdelay $0x3  }
0x36: {  	p1 =	seq.s32 s10, $0x1;
	s10 =	sld [smem:$0x3FB7];
	_ =	sdelay $0x3  }
0x37: {  	[smem:$0x3FB7] =	sst s10  }
0x38: {  	s10 =	sld [smem:$0x3FB8]  }
0x39: {  	_ = 	snop;
	(pc) =	sbr.ind lr, $3  }
0x3a: {  	_ = 	snop  }
0x3b: {  	_ = 	snop  }
0x3c: {  	p2 =	seq.s32 s10, $0x1;
	s10 =	sld [smem:$0x3FB7]  }
0x3d: {  	_ =	shalt  }
0x3e: {  	_ =	shalt  }
0x3f: {  	_ =	shalt  }
0x40: {  	_ =	shalt  }
0x41: {  	_ =	shalt  }
0x42: {  	_ =	shalt  }
0x43: {  	_ =	shalt  }
0x44: {  	_ =	shalt  }
0x45: {  	_ =	shalt  }
0x46: {  	_ =	shalt  }
0x47: {  	_ =	shalt  }
0x48: {  	_ =	shalt  }
0x49: {  	_ =	shalt  }
0x4a: {  	_ =	shalt  }
0x4b: {  	_ =	shalt  }
0x4c: {  	_ =	shalt  }
0x4d: {  	_ =	shalt  }
0x4e: {  	_ =	shalt  }
0x4f: {  	_ =	shalt  }
0x50: {  	_ =	shalt  }
0x51: {  	_ =	shalt  }
0x52: {  	_ =	shalt  }
0x53: {  	_ =	shalt  }
0x54: {  	_ =	shalt  }
0x55: {  	_ =	shalt  }
0x56: {  	_ =	shalt  }
0x57: {  	_ =	shalt  }
0x58: {  	_ =	shalt  }
0x59: {  	_ =	shalt  }
0x5a: {  	_ =	shalt  }
0x5b: {  	_ =	shalt  }
0x5c: {  	_ =	shalt  }
0x5d: {  	_ =	shalt  }
0x5e: {  	_ =	shalt  }
0x5f: {  	_ =	shalt  }
0x60: {  	_ =	shalt  }
0x61: {  	_ =	shalt  }
0x62: {  	_ =	shalt  }
0x63: {  	_ =	shalt  }
0x64: {  	_ =	shalt  }
0x65: {  	_ =	shalt  }
0x66: {  	_ =	shalt  }
0x67: {  	_ =	shalt  }
0x68: {  	_ =	shalt  }
0x69: {  	_ =	shalt  }
0x6a: {  	_ =	shalt  }
0x6b: {  	_ =	shalt  }
0x6c: {  	_ =	shalt  }
0x6d: {  	_ =	shalt  }
0x6e: {  	_ =	shalt  }
0x6f: {  	_ =	shalt  }
0x70: {  	_ =	shalt  }
0x71: {  	_ =	shalt  }
0x72: {  	_ =	shalt  }
0x73: {  	_ =	shalt  }
0x74: {  	_ =	shalt  }
0x75: {  	_ =	shalt  }
0x76: {  	_ =	shalt  }
0x77: {  	_ =	shalt  }
0x78: {  	_ =	shalt  }
0x79: {  	_ =	shalt  }
0x7a: {  	_ =	shalt  }
0x7b: {  	_ =	shalt  }
0x7c: {  	_ =	shalt  }
0x7d: {  	_ =	shalt  }
0x7e: {  	_ =	shalt  }
0x7f: {  	_ =	shalt  }
0x80: {  	_ =	shalt  }
0x81: {  	_ =	shalt  }
0x82: {  	_ =	shalt  }
0x83: {  	_ =	shalt  }
0x84: {  	_ =	shalt  }
0x85: {  	_ =	shalt  }
0x86: {  	_ =	shalt  }
0x87: {  	_ =	shalt  }
.Lfunc_end0:
.L_simem_size_0:
called_computation.1_lowered:
.L_overlay_start_0:
0x88: {  	s2 =	sld [smem:$0x3FD9]  }
0x89: {  	s3 =	sld [smem:$0x3FFE];
	_ =	sdelay $0x1  }
0x8a: {  	s1 =	srdreg.scid  }
0x8b: {  	s0 =	sand.u32 $0x1, s1  }
0x8c: {  	s14 =	sshll.u32 s0, $0xA;
	s2 =	sadd.s32 s3, s2  }
0x8d: {  	s2 =	sadd.s32 s2, s14  }
0x8e: {  	[smem:$0x3FC3] =	sst s2  }
0x8f: {  	_ = 	snop  }
0x90: {  	s2 =	sld [smem:$0x3FD0];
	_ =	sdelay $0x2  }
0x91: {  	s15 =	simm.s32 $0xA;
	s4 =	simm.s32 $0x10  }
0x92: {  	[smem:s4], [sflag:s15] =	dma.local [hbm:s2], $0x1  }
0x93: {  	_ =	swait.eq [sflag:s15], $0x1  }
0x94: {  	[sflag:s15] =	ssyncset.done $0x0  }
0x95: {  	[sflag:s15] =	ssyncadd.s32 $0xFFFFFFFF  }
0x96: {  	s16 =	sld [smem:$0x10];
	(tm) =	ssettm $0x1  }
0x97: {  	s17 =	sld [smem:$0x3FFB];
	_ =	sdelay $0x3  }
0x98: {  	_ =	strace s17  }
0x99: {  	s3 =	sld [smem:$0x3FFC];
	_ =	sdelay $0x3  }
0x9a: {  	_ =	strace s3  }
0x9b: {  	s3 =	sld [smem:$0x3FFD];
	_ =	sdelay $0x3  }
0x9c: {  	_ =	strace s3  }
0x9d: {  	_ =	strace $0x8FFFFFFF  }
0x9e: {  	s18 =	sld [smem:$0x3FDB];
	_ =	sdelay $0x1  }
0x9f: {  	s19 =	simm.s32 $_scs_section_size  }
0xa0: {  	s5 =	simm.s32 $_size__tile_overlayer_lowered;
	s6 =	simm.s32 $_tile_overlayer_lowered  }
0xa1: {  	s22 =	simm.s32 $0x1BFF;
	s21 =	sshll.u32 s6, $0x1;
	s3 =	sadd.s32 s19, s18  }
0xa2: {  	s7 =	simm.s32 $0x0;
	s20 =	sshll.u32 s5, $0x1;
	s5 =	sadd.s32 s21, s3  }
0xa3: {  	[timem:s7], [sflag:s22] =	dma.local [hbm:s5], s20  }
0xa4: {  	_ =	swait.ge [sflag:s22], s20  }
0xa5: {  	s4 =	ssub.s32 $0x0, s20;
	[sflag:s22] =	ssyncset.done $0x0  }
0xa6: {  	[sflag:s22] =	ssyncadd.s32 s4;
	_ =	sdelay $0x1  }
0xa7: {  	s23 =	simm.s32 $0x1B8B  }
0xa8: {  	_ =	swait.ge [sflag:s23], $0x1  }
0xa9: {  	[sflag:s23] =	ssyncset.done $0x0  }
0xaa: {  	s25 =	simm.s32 $0x1B8E;
	s24 =	sld [smem:$0x3FFE];
	[sflag:s23] =	ssyncadd.s32 $0xFFFFFFFF  }
0xab: {  	s26 =	simm.s32 $execute0_lowered;
	[smem:$0x3FD2] =	sst s25  }
0xac: {  	s5 =	sshll.u32 s26, $0x1;
	_ =	strace $0x80000049;
	[dreg:$0x1] =	wrdreg $0xFFFFFFFF  }
0xad: {  	s28 =	simm.s32 $_size_execute0_lowered;
	s3 =	sadd.s32 s3, s5;
	[dreg:$0x0] =	wrdreg $0x0  }
0xae: {  	s5 =	sshll.u32 s28, $0x1;
	[dreg:$0x2] =	wrdreg s3  }
0xaf: {  	[dreg:$0x3] =	wrdreg s5  }
0xb0: {  	[dreg:$0x4] =	wrdreg $0xC0  }
0xb1: {  	_ =	task [dreg:s7], $0x5FFFF  }
0xb2: {  	[dreg:$0x1] =	wrdreg $0xFFFFFFFF  }
0xb3: {  	[dreg:$0x0] =	wrdreg $0x60  }
0xb4: {  	[dreg:$0x2] =	wrdreg s24  }
0xb5: {  	[dreg:$0x3] =	wrdreg s16  }
0xb6: {  	[dreg:$0x4] =	wrdreg $0x9  }
0xb7: {  	_ =	task.clear_ibuf [dreg:s7], $0x5FFFF;
	_ =	strace $0x90000049  }
0xb8: {  	s29 =	simm.s32 $0x9;
	_ =	strace $0x8000004B  }
0xb9: {  	_ =	swait.ge [sflag:s29], $0x1  }
0xba: {  	[sflag:s29] =	ssyncadd.s32 $0xFFFFFFFF  }
0xbb: {  	_ =	strace $0x9000004B  }
0xbc: {  	_ =	sfence  }
0xbd: {  	s30 =	sld [smem:$0x0];
	_ =	sdelay $0x2  }
0xbe: {  	s31 =	sshll.u32 s1, $0xD;
	s1 =	sshrl.u32 s1, $0x2  }
0xbf: {  	s3 =	sand.u32 $0x4000, s31;
	s1 =	sadd.s32 s1, s30  }
0xc0: {  	s0 =	sor.u32 s3, s0;
	s1 =	sshll.u32 s1, $0x11  }
0xc1: {  	s0 =	sor.u32 s1, s0  }
0xc2: {  	s0 =	sadd.s32 $0x8F2B, s0  }
0xc3: {  	[sflag:s0] =	ssyncadd.remote.s32 $0x1  }
0xc4: {  	_ =	sfence.sel $0xFFFF  }
0xc5: {  	[dreg:$0x0] =	wrdreg $0xFFFFFFFF;
	(pc) =	sbr.abs _section_cstart, $3  }
0xc6: {  	[dreg:$0x1] =	wrdreg $0xFFFFFFFF  }
0xc7: {  	_ =	task.clear_ibuf [dreg:s7], $0x2FFFF;
	_ =	strace $0x9FFFFFFF  }
0xc8: {  	(tm) =	ssettm $0x7FFFFFFF  }
0xc9: {  	_ =	shalt  }
tec
execute0_lowered:
.L_overlay_start_1:
0x0: {  	(tag) =	ssettag $0x1  }
0x1: {  	s0 =	rddreg [dreg:$0x0]  }
0x2: {  	s1 =	rddreg [dreg:$0x1];
	s3 =	srdreg.scid;
	s2 =	simm.s32 $0x0  }
0x3: {  	s4 =	stileid.u32;
	s12 =	simm.s32 $0x2;
	s14 =	simm.s32 $0x100  }
0x4: {  	s15 =	simm.s32 $0x180;
	s16 =	simm.s32 $0x200;
	s20 =	simm.s32 $0x13200  }
0x5: {  	s21 =	simm.s32 $0x13A00;
	s22 =	simm.s32 $0x14200;
	s23 =	simm.s32 $0x14A00  }
0x6: {  	s24 =	simm.s32 $0x15200;
	s25 =	simm.s32 $0x15A00;
	s28 =	simm.s32 $0x16A00  }
0x7: {  	s29 =	simm.s32 $0x17200;
	s30 =	simm.s32 $0x17A00;
	s31 =	simm.s32 $0x1  }
0x8: {  	s3 =	sand.u32 $0x1, s3;
	[smem:$0x7FF] =	sst s2;
	s4 =	sshll.u32 s4, $0x4  }
0x9: {  	s8 =	sadd.s32 $0x500, s0;
	s9 =	sadd.s32 $0x600, s0;
	s5 =	sshll.u32 s3, $0x3  }
0xa: {  	_ =	strace $0x8000004A;
	s6 =	ssub.s32 $0x2, s3;
	s7 =	sor.u32 s5, s4  }
0xb: {  	s3 =	sadd.s32 $0x400, s0;
	s26 =	sshrl.u32 s6, $0x1;
	s4 =	sadd.s32 s0, s7  }
0xc: {  	v2 =	vlaneseq.u32;
	s11 =	ssub.s32 s6, s26;
	s10 =	smul.u32 $0x300, s7;
	s26 =	simm.s32 $0x16200  }
0xd: {  	vm0 =	vmmov $0xffff;
	v1 =	vshrl.u32 v2, $0x3;
	s0 =	simm.s32 $0x0;
	s5 =	sadd.s32 $0x200, s4;
	s6 =	sadd.s32 $0x90600, s4  }
0xe: {  	v0 =	vand.u32 $0x7, v2;
	v2 =	vor.u32 $0x8, v2;
	v1 =	vmul.u32 $0x8, v1;
	s7 =	sadd.s32 $0x90400, s4;
	s11 =	smax.u32 s11, $0x1;
	s10 =	sadd.s32 s1, s10  }
.LBB2_1:
0xf: {  	[tilespmem:s2], [sflag:$0x2] =	stream.linear.gather [hbm4b:s4+s2], $0x40, $0x38;
	[tilespmem:$0x18200] =	vst v63  }
0x10: {  	_ =	swait.ge [sflag:s12], $0x40  }
0x11: {  	[sflag:s12] =	ssyncset.done $0x0  }
0x12: {  	s1 =	simm.s32 $0x80;
	[sflag:s12] =	ssyncadd.s32 $0xFFFFFFC0  }
0x13: {  	[tilespmem:s1], [sflag:$0x2] =	stream.linear.gather [hbm4b:s5+s2], $0x40, $0x38;
	[tilespmem:$0x18200] =	vst v63  }
0x14: {  	_ =	swait.ge [sflag:s12], $0x40  }
0x15: {  	[sflag:s12] =	ssyncset.done $0x0  }
0x16: {  	[sflag:s12] =	ssyncadd.s32 $0xFFFFFFC0  }
0x17: {  	[tilespmem:s14], [sflag:$0x2] =	stream.linear.gather [hbm4b:s6+s2], $0x40, $0x38;
	[tilespmem:$0x18200] =	vst v63  }
0x18: {  	_ =	swait.ge [sflag:s12], $0x40  }
0x19: {  	[sflag:s12] =	ssyncset.done $0x0  }
0x1a: {  	[sflag:s12] =	ssyncadd.s32 $0xFFFFFFC0  }
0x1b: {  	[tilespmem:s15], [sflag:$0x2] =	stream.linear.gather [hbm4b:s7+s2], $0x40, $0x38;
	[tilespmem:$0x18200] =	vst v63  }
0x1c: {  	_ =	swait.ge [sflag:s12], $0x40  }
0x1d: {  	[sflag:s12] =	ssyncset.done $0x0  }
0x1e: {  	[sflag:s12] =	ssyncadd.s32 $0xFFFFFFC0  }
0x1f: {  	v3 =	vld [tilespmem:$0x0];
	_ =	sdelay $0x4  }
0x20: {  	v4 =	vshrl.u32 v3, $0x3  }
0x21: {  	v4 =	vmul.u32 $0x30, v4  }
0x22: {  	v3 =	vand.u32 $0x7, v3  }
0x23: {  	v3 =	vor.u32 v3, v4  }
0x24: {  	v4 =	vperm.xlane v3, v0;
	_ =	sdelay $0x1  }
0x25: {  	v4 =	vadd.s32 v1, v4;
	_ =	sdelay $0x3  }
0x26: {  	v3 =	vperm.xlane v3, v2  }
0x27: {  	[tilespmem:s16], [sflag:$0x1] =	stream.indirect_vreg.gather [hbm4b:s3+s2], $0x80, v4, vm0, $0xb8;
	[tilespmem:$0x18200] =	vst v63  }
0x28: {  	s18 =	simm.s32 $0xA00;
	v3 =	vadd.s32 v1, v3  }
0x29: {  	[tilespmem:s18], [sflag:$0x1] =	stream.indirect_vreg.gather [hbm4b:s8+s2], $0x80, v4, vm0, $0xb8;
	[tilespmem:$0x18200] =	vst v63  }
0x2a: {  	s19 =	simm.s32 $0x1200  }
0x2b: {  	[tilespmem:s19], [sflag:$0x1] =	stream.indirect_vreg.gather [hbm4b:s9+s2], $0x80, v4, vm0, $0xb8;
	[tilespmem:$0x18200] =	vst v63  }
0x2c: {  	s13 =	simm.s32 $0x1A00  }
0x2d: {  	[tilespmem:s13], [sflag:$0x1] =	stream.indirect_vreg.gather [hbm4b:s3+s2], $0x80, v3, vm0, $0xb8;
	[tilespmem:$0x18200] =	vst v63  }
0x2e: {  	s17 =	simm.s32 $0x2200  }
0x2f: {  	[tilespmem:s17], [sflag:$0x1] =	stream.indirect_vreg.gather [hbm4b:s8+s2], $0x80, v3, vm0, $0xb8;
	[tilespmem:$0x18200] =	vst v63  }
0x30: {  	s18 =	simm.s32 $0x2A00  }
0x31: {  	[tilespmem:s18], [sflag:$0x1] =	stream.indirect_vreg.gather [hbm4b:s9+s2], $0x80, v3, vm0, $0xb8;
	[tilespmem:$0x18200] =	vst v63  }
0x32: {  	v3 =	vld [tilespmem:$0x10];
	_ =	sdelay $0x4  }
0x33: {  	v4 =	vshrl.u32 v3, $0x3  }
0x34: {  	v4 =	vmul.u32 $0x30, v4  }
0x35: {  	v3 =	vand.u32 $0x7, v3  }
0x36: {  	v3 =	vor.u32 v3, v4  }
0x37: {  	v4 =	vperm.xlane v3, v0;
	_ =	sdelay $0x1  }
0x38: {  	v4 =	vadd.s32 v1, v4;
	_ =	sdelay $0x3  }
0x39: {  	s19 =	simm.s32 $0x3200;
	v3 =	vperm.xlane v3, v2  }
0x3a: {  	[tilespmem:s19], [sflag:$0x1] =	stream.indirect_vreg.gather [hbm4b:s3+s2], $0x80, v4, vm0, $0xb8;
	[tilespmem:$0x18200] =	vst v63  }
0x3b: {  	s13 =	simm.s32 $0x3A00;
	v3 =	vadd.s32 v1, v3  }
0x3c: {  	[tilespmem:s13], [sflag:$0x1] =	stream.indirect_vreg.gather [hbm4b:s8+s2], $0x80, v4, vm0, $0xb8;
	[tilespmem:$0x18200] =	vst v63  }
0x3d: {  	s17 =	simm.s32 $0x4200  }
0x3e: {  	[tilespmem:s17], [sflag:$0x1] =	stream.indirect_vreg.gather [hbm4b:s9+s2], $0x80, v4, vm0, $0xb8;
	[tilespmem:$0x18200] =	vst v63  }
0x3f: {  	s18 =	simm.s32 $0x4A00  }
0x40: {  	[tilespmem:s18], [sflag:$0x1] =	stream.indirect_vreg.gather [hbm4b:s3+s2], $0x80, v3, vm0, $0xb8;
	[tilespmem:$0x18200] =	vst v63  }
0x41: {  	s19 =	simm.s32 $0x5200  }
0x42: {  	[tilespmem:s19], [sflag:$0x1] =	stream.indirect_vreg.gather [hbm4b:s8+s2], $0x80, v3, vm0, $0xb8;
	[tilespmem:$0x18200] =	vst v63  }
0x43: {  	s13 =	simm.s32 $0x5A00  }
0x44: {  	[tilespmem:s13], [sflag:$0x1] =	stream.indirect_vreg.gather [hbm4b:s9+s2], $0x80, v3, vm0, $0xb8;
	[tilespmem:$0x18200] =	vst v63  }
0x45: {  	v3 =	vld [tilespmem:$0x20];
	_ =	sdelay $0x4  }
0x46: {  	v4 =	vshrl.u32 v3, $0x3  }
0x47: {  	v4 =	vmul.u32 $0x30, v4  }
0x48: {  	v3 =	vand.u32 $0x7, v3  }
0x49: {  	v3 =	vor.u32 v3, v4  }
0x4a: {  	v4 =	vperm.xlane v3, v0;
	_ =	sdelay $0x1  }
0x4b: {  	v4 =	vadd.s32 v1, v4;
	_ =	sdelay $0x3  }
0x4c: {  	s17 =	simm.s32 $0x6200;
	v3 =	vperm.xlane v3, v2  }
0x4d: {  	[tilespmem:s17], [sflag:$0x1] =	stream.indirect_vreg.gather [hbm4b:s3+s2], $0x80, v4, vm0, $0xb8;
	[tilespmem:$0x18200] =	vst v63  }
0x4e: {  	s18 =	simm.s32 $0x6A00;
	v3 =	vadd.s32 v1, v3  }
0x4f: {  	[tilespmem:s18], [sflag:$0x1] =	stream.indirect_vreg.gather [hbm4b:s8+s2], $0x80, v4, vm0, $0xb8;
	[tilespmem:$0x18200] =	vst v63  }
0x50: {  	s19 =	simm.s32 $0x7200  }
0x51: {  	[tilespmem:s19], [sflag:$0x1] =	stream.indirect_vreg.gather [hbm4b:s9+s2], $0x80, v4, vm0, $0xb8;
	[tilespmem:$0x18200] =	vst v63  }
0x52: {  	s13 =	simm.s32 $0x7A00  }
0x53: {  	[tilespmem:s13], [sflag:$0x1] =	stream.indirect_vreg.gather [hbm4b:s3+s2], $0x80, v3, vm0, $0xb8;
	[tilespmem:$0x18200] =	vst v63  }
0x54: {  	s17 =	simm.s32 $0x8200  }
0x55: {  	[tilespmem:s17], [sflag:$0x1] =	stream.indirect_vreg.gather [hbm4b:s8+s2], $0x80, v3, vm0, $0xb8;
	[tilespmem:$0x18200] =	vst v63  }
0x56: {  	s18 =	simm.s32 $0x8A00  }
0x57: {  	[tilespmem:s18], [sflag:$0x1] =	stream.indirect_vreg.gather [hbm4b:s9+s2], $0x80, v3, vm0, $0xb8;
	[tilespmem:$0x18200] =	vst v63  }
0x58: {  	v3 =	vld [tilespmem:$0x30];
	_ =	sdelay $0x4  }
0x59: {  	v4 =	vshrl.u32 v3, $0x3  }
0x5a: {  	v4 =	vmul.u32 $0x30, v4  }
0x5b: {  	v3 =	vand.u32 $0x7, v3  }
0x5c: {  	v3 =	vor.u32 v3, v4  }
0x5d: {  	v4 =	vperm.xlane v3, v0;
	_ =	sdelay $0x1  }
0x5e: {  	v4 =	vadd.s32 v1, v4;
	_ =	sdelay $0x3  }
0x5f: {  	s19 =	simm.s32 $0x9200;
	v3 =	vperm.xlane v3, v2  }
0x60: {  	[tilespmem:s19], [sflag:$0x1] =	stream.indirect_vreg.gather [hbm4b:s3+s2], $0x80, v4, vm0, $0xb8;
	[tilespmem:$0x18200] =	vst v63  }
0x61: {  	s13 =	simm.s32 $0x9A00;
	v3 =	vadd.s32 v1, v3  }
0x62: {  	[tilespmem:s13], [sflag:$0x1] =	stream.indirect_vreg.gather [hbm4b:s8+s2], $0x80, v4, vm0, $0xb8;
	[tilespmem:$0x18200] =	vst v63  }
0x63: {  	s17 =	simm.s32 $0xA200  }
0x64: {  	[tilespmem:s17], [sflag:$0x1] =	stream.indirect_vreg.gather [hbm4b:s9+s2], $0x80, v4, vm0, $0xb8;
	[tilespmem:$0x18200] =	vst v63  }
0x65: {  	s18 =	simm.s32 $0xAA00  }
0x66: {  	[tilespmem:s18], [sflag:$0x1] =	stream.indirect_vreg.gather [hbm4b:s3+s2], $0x80, v3, vm0, $0xb8;
	[tilespmem:$0x18200] =	vst v63  }
0x67: {  	s19 =	simm.s32 $0xB200  }
0x68: {  	[tilespmem:s19], [sflag:$0x1] =	stream.indirect_vreg.gather [hbm4b:s8+s2], $0x80, v3, vm0, $0xb8;
	[tilespmem:$0x18200] =	vst v63  }
0x69: {  	s13 =	simm.s32 $0xBA00  }
0x6a: {  	[tilespmem:s13], [sflag:$0x1] =	stream.indirect_vreg.gather [hbm4b:s9+s2], $0x80, v3, vm0, $0xb8;
	[tilespmem:$0x18200] =	vst v63  }
0x6b: {  	v3 =	vld [tilespmem:$0x80];
	_ =	sdelay $0x4  }
0x6c: {  	v4 =	vshrl.u32 v3, $0x3  }
0x6d: {  	v4 =	vmul.u32 $0x30, v4  }
0x6e: {  	v3 =	vand.u32 $0x7, v3  }
0x6f: {  	v3 =	vor.u32 v3, v4  }
0x70: {  	v4 =	vperm.xlane v3, v0;
	_ =	sdelay $0x1  }
0x71: {  	v4 =	vadd.s32 v1, v4;
	_ =	sdelay $0x3  }
0x72: {  	s17 =	simm.s32 $0xC200;
	v3 =	vperm.xlane v3, v2  }
0x73: {  	[tilespmem:s17], [sflag:$0x1] =	stream.indirect_vreg.gather [hbm4b:s3+s2], $0x80, v4, vm0, $0xb8;
	[tilespmem:$0x18200] =	vst v63  }
0x74: {  	s18 =	simm.s32 $0xCA00;
	v3 =	vadd.s32 v1, v3  }
0x75: {  	[tilespmem:s18], [sflag:$0x1] =	stream.indirect_vreg.gather [hbm4b:s8+s2], $0x80, v4, vm0, $0xb8;
	[tilespmem:$0x18200] =	vst v63  }
0x76: {  	s19 =	simm.s32 $0xD200  }
0x77: {  	[tilespmem:s19], [sflag:$0x1] =	stream.indirect_vreg.gather [hbm4b:s9+s2], $0x80, v4, vm0, $0xb8;
	[tilespmem:$0x18200] =	vst v63  }
0x78: {  	s13 =	simm.s32 $0xDA00  }
0x79: {  	[tilespmem:s13], [sflag:$0x1] =	stream.indirect_vreg.gather [hbm4b:s3+s2], $0x80, v3, vm0, $0xb8;
	[tilespmem:$0x18200] =	vst v63  }
0x7a: {  	s17 =	simm.s32 $0xE200  }
0x7b: {  	[tilespmem:s17], [sflag:$0x1] =	stream.indirect_vreg.gather [hbm4b:s8+s2], $0x80, v3, vm0, $0xb8;
	[tilespmem:$0x18200] =	vst v63  }
0x7c: {  	s18 =	simm.s32 $0xEA00  }
0x7d: {  	[tilespmem:s18], [sflag:$0x1] =	stream.indirect_vreg.gather [hbm4b:s9+s2], $0x80, v3, vm0, $0xb8;
	[tilespmem:$0x18200] =	vst v63  }
0x7e: {  	v3 =	vld [tilespmem:$0x90];
	_ =	sdelay $0x4  }
0x7f: {  	v4 =	vshrl.u32 v3, $0x3  }
0x80: {  	v4 =	vmul.u32 $0x30, v4  }
0x81: {  	v3 =	vand.u32 $0x7, v3  }
0x82: {  	v3 =	vor.u32 v3, v4  }
0x83: {  	v4 =	vperm.xlane v3, v0;
	_ =	sdelay $0x1  }
0x84: {  	v4 =	vadd.s32 v1, v4;
	_ =	sdelay $0x3  }
0x85: {  	s19 =	simm.s32 $0xF200;
	v3 =	vperm.xlane v3, v2  }
0x86: {  	[tilespmem:s19], [sflag:$0x1] =	stream.indirect_vreg.gather [hbm4b:s3+s2], $0x80, v4, vm0, $0xb8;
	[tilespmem:$0x18200] =	vst v63  }
0x87: {  	s13 =	simm.s32 $0xFA00;
	v3 =	vadd.s32 v1, v3  }
0x88: {  	[tilespmem:s13], [sflag:$0x1] =	stream.indirect_vreg.gather [hbm4b:s8+s2], $0x80, v4, vm0, $0xb8;
	[tilespmem:$0x18200] =	vst v63  }
0x89: {  	s17 =	simm.s32 $0x10200  }
0x8a: {  	[tilespmem:s17], [sflag:$0x1] =	stream.indirect_vreg.gather [hbm4b:s9+s2], $0x80, v4, vm0, $0xb8;
	[tilespmem:$0x18200] =	vst v63  }
0x8b: {  	s18 =	simm.s32 $0x10A00  }
0x8c: {  	[tilespmem:s18], [sflag:$0x1] =	stream.indirect_vreg.gather [hbm4b:s3+s2], $0x80, v3, vm0, $0xb8;
	[tilespmem:$0x18200] =	vst v63  }
0x8d: {  	s19 =	simm.s32 $0x11200  }
0x8e: {  	[tilespmem:s19], [sflag:$0x1] =	stream.indirect_vreg.gather [hbm4b:s8+s2], $0x80, v3, vm0, $0xb8;
	[tilespmem:$0x18200] =	vst v63  }
0x8f: {  	s13 =	simm.s32 $0x11A00  }
0x90: {  	[tilespmem:s13], [sflag:$0x1] =	stream.indirect_vreg.gather [hbm4b:s9+s2], $0x80, v3, vm0, $0xb8;
	[tilespmem:$0x18200] =	vst v63  }
0x91: {  	v3 =	vld [tilespmem:$0xA0];
	_ =	sdelay $0x4  }
0x92: {  	v4 =	vshrl.u32 v3, $0x3  }
0x93: {  	v4 =	vmul.u32 $0x30, v4  }
0x94: {  	v3 =	vand.u32 $0x7, v3  }
0x95: {  	v3 =	vor.u32 v3, v4  }
0x96: {  	v4 =	vperm.xlane v3, v0;
	_ =	sdelay $0x1  }
0x97: {  	v4 =	vadd.s32 v1, v4;
	_ =	sdelay $0x3  }
0x98: {  	s17 =	simm.s32 $0x12200;
	v3 =	vperm.xlane v3, v2  }
0x99: {  	[tilespmem:s17], [sflag:$0x1] =	stream.indirect_vreg.gather [hbm4b:s3+s2], $0x80, v4, vm0, $0xb8;
	[tilespmem:$0x18200] =	vst v63  }
0x9a: {  	s18 =	simm.s32 $0x12A00;
	v3 =	vadd.s32 v1, v3  }
0x9b: {  	[tilespmem:s18], [sflag:$0x1] =	stream.indirect_vreg.gather [hbm4b:s8+s2], $0x80, v4, vm0, $0xb8;
	[tilespmem:$0x18200] =	vst v63  }
0x9c: {  	_ = 	snop  }
0x9d: {  	[tilespmem:s20], [sflag:$0x1] =	stream.indirect_vreg.gather [hbm4b:s9+s2], $0x80, v4, vm0, $0xb8;
	[tilespmem:$0x18200] =	vst v63  }
0x9e: {  	_ = 	snop  }
0x9f: {  	[tilespmem:s21], [sflag:$0x1] =	stream.indirect_vreg.gather [hbm4b:s3+s2], $0x80, v3, vm0, $0xb8;
	[tilespmem:$0x18200] =	vst v63  }
0xa0: {  	_ = 	snop  }
0xa1: {  	[tilespmem:s22], [sflag:$0x1] =	stream.indirect_vreg.gather [hbm4b:s8+s2], $0x80, v3, vm0, $0xb8;
	[tilespmem:$0x18200] =	vst v63  }
0xa2: {  	_ = 	snop  }
0xa3: {  	[tilespmem:s23], [sflag:$0x1] =	stream.indirect_vreg.gather [hbm4b:s9+s2], $0x80, v3, vm0, $0xb8;
	[tilespmem:$0x18200] =	vst v63  }
0xa4: {  	v3 =	vld [tilespmem:$0xB0];
	_ =	sdelay $0x4  }
0xa5: {  	v4 =	vshrl.u32 v3, $0x3  }
0xa6: {  	v4 =	vmul.u32 $0x30, v4  }
0xa7: {  	v3 =	vand.u32 $0x7, v3  }
0xa8: {  	v3 =	vor.u32 v3, v4  }
0xa9: {  	v4 =	vperm.xlane v3, v0;
	_ =	sdelay $0x1  }
0xaa: {  	v4 =	vadd.s32 v1, v4;
	_ =	sdelay $0x3  }
0xab: {  	v3 =	vperm.xlane v3, v2  }
0xac: {  	[tilespmem:s24], [sflag:$0x1] =	stream.indirect_vreg.gather [hbm4b:s3+s2], $0x80, v4, vm0, $0xb8;
	[tilespmem:$0x18200] =	vst v63  }
0xad: {  	v3 =	vadd.s32 v1, v3  }
0xae: {  	[tilespmem:s25], [sflag:$0x1] =	stream.indirect_vreg.gather [hbm4b:s8+s2], $0x80, v4, vm0, $0xb8;
	[tilespmem:$0x18200] =	vst v63  }
0xaf: {  	_ = 	snop  }
0xb0: {  	[tilespmem:s26], [sflag:$0x1] =	stream.indirect_vreg.gather [hbm4b:s9+s2], $0x80, v4, vm0, $0xb8;
	[tilespmem:$0x18200] =	vst v63  }
0xb1: {  	_ = 	snop  }
0xb2: {  	[tilespmem:s28], [sflag:$0x1] =	stream.indirect_vreg.gather [hbm4b:s3+s2], $0x80, v3, vm0, $0xb8;
	[tilespmem:$0x18200] =	vst v63  }
0xb3: {  	_ = 	snop  }
0xb4: {  	[tilespmem:s29], [sflag:$0x1] =	stream.indirect_vreg.gather [hbm4b:s8+s2], $0x80, v3, vm0, $0xb8;
	[tilespmem:$0x18200] =	vst v63  }
0xb5: {  	_ = 	snop  }
0xb6: {  	[tilespmem:s30], [sflag:$0x1] =	stream.indirect_vreg.gather [hbm4b:s9+s2], $0x80, v3, vm0, $0xb8;
	[tilespmem:$0x18200] =	vst v63  }
0xb7: {  	_ =	swait.ge [sflag:s31], $0xC000  }
0xb8: {  	[sflag:s31] =	ssyncset.done $0x0  }
0xb9: {  	s19 =	simm.s32 $0x0;
	[sflag:s31] =	ssyncadd.s32 $0xFFFF4000  }
0xba: {  	s1 =	smul.u32 $0x1800, s19;
	_ =	swait.ge [sflag:s31], $0xC000  }
0xbb: {  	s13 =	sand.u32 $0x380, s2;
	[sflag:s31] =	ssyncset.done $0x0  }
0xbc: {  	s1 =	sor.u32 s13, s1;
	[sflag:s31] =	ssyncadd.s32 $0xFFFF4000  }
0xbd: {  	v4 =	vld [tilespmem:s1+$0x210]  }
0xbe: {  	v3 =	vld [tilespmem:s1+$0xC210]  }
0xbf: {  	v6 =	vld [tilespmem:s1+$0x220]  }
0xc0: {  	v5 =	vld [tilespmem:s1+$0xC220]  }
0xc1: {  	v8 =	vld [tilespmem:s1+$0x230]  }
0xc2: {  	v7 =	vld [tilespmem:s1+$0xC230]  }
0xc3: {  	v10 =	vld [tilespmem:s1+$0x240]  }
0xc4: {  	v9 =	vld [tilespmem:s1+$0xC240]  }
0xc5: {  	v12 =	vld [tilespmem:s1+$0x250]  }
0xc6: {  	v11 =	vld [tilespmem:s1+$0xC250]  }
0xc7: {  	v13 =	vld [tilespmem:s1+$0x260]  }
0xc8: {  	v14 =	vld [tilespmem:s1+$0x270]  }
0xc9: {  	v15 =	vld [tilespmem:s1+$0x600]  }
0xca: {  	v16 =	vld [tilespmem:s1+$0x610]  }
0xcb: {  	v17 =	vld [tilespmem:s1+$0x620]  }
0xcc: {  	v18 =	vld [tilespmem:s1+$0x630]  }
0xcd: {  	v19 =	vld [tilespmem:s1+$0x640]  }
0xce: {  	v20 =	vld [tilespmem:s1+$0x650]  }
0xcf: {  	v21 =	vld [tilespmem:s1+$0x660]  }
0xd0: {  	v22 =	vld [tilespmem:s1+$0x670]  }
0xd1: {  	v23 =	vld [tilespmem:s1+$0xA00]  }
0xd2: {  	v24 =	vld [tilespmem:s1+$0xA10]  }
0xd3: {  	v25 =	vld [tilespmem:s1+$0xA20]  }
0xd4: {  	v26 =	vld [tilespmem:s1+$0xA30]  }
0xd5: {  	v27 =	vld [tilespmem:s1+$0xA40]  }
0xd6: {  	v28 =	vld [tilespmem:s1+$0xA50]  }
0xd7: {  	v29 =	vld [tilespmem:s1+$0xA60]  }
0xd8: {  	v30 =	vld [tilespmem:s1+$0xA70]  }
0xd9: {  	v32 =	vld [tilespmem:s1+$0xE00]  }
0xda: {  	v34 =	vld [tilespmem:s1+$0xE10]  }
0xdb: {  	v35 =	vld [tilespmem:s1+$0xE20]  }
0xdc: {  	v36 =	vld [tilespmem:s1+$0xE30]  }
0xdd: {  	v37 =	vld [tilespmem:s1+$0xE40]  }
0xde: {  	v38 =	vld [tilespmem:s1+$0xE50]  }
0xdf: {  	v39 =	vld [tilespmem:s1+$0xE60]  }
0xe0: {  	v40 =	vld [tilespmem:s1+$0xE70]  }
0xe1: {  	v41 =	vld [tilespmem:s1+$0x1200]  }
0xe2: {  	v42 =	vld [tilespmem:s1+$0x1210]  }
0xe3: {  	v43 =	vld [tilespmem:s1+$0x1220]  }
0xe4: {  	v44 =	vld [tilespmem:s1+$0x1230]  }
0xe5: {  	v45 =	vld [tilespmem:s1+$0x1240]  }
0xe6: {  	v46 =	vld [tilespmem:s1+$0x1250]  }
0xe7: {  	v47 =	vld [tilespmem:s1+$0x1260]  }
0xe8: {  	v50 =	vmov s2;
	v48 =	vld [tilespmem:s1+$0x1600]  }
0xe9: {  	s13 =	simm.s32 $0x1;
	s17 =	simm.s32 $0x0;
	v49 =	vld [tilespmem:s1+$0x1610]  }
.LBB2_2:
0xea: {  	p0 =	sne.s32 s13, $0x3F;
	v51 =	vld [tilespmem:s1+$0xD610]  }
0xeb: {  	v52 =	vld [tilespmem:s1+$0xD630]  }
0xec: {  	v53 =	vld [tilespmem:s1+$0x1620]  }
0xed: {  	v33 =	vld.idx.msk [tilespmem:v50+s14+$0x0], $0xffff  }
0xee: {  	v31 =	vld.idx.msk [tilespmem:v50+s15+$0x0], $0xffff  }
0xef: {  	v50 =	vld [tilespmem:s1+$0x1630]  }
0xf0: {  	v54 =	vld [tilespmem:s1+$0xD620]  }
0xf1: {  	v55 =	vld [tilespmem:s1+$0xD600]  }
0xf2: {  	v56 =	vld [tilespmem:s1+$0x1270]  }
0xf3: {  	v49 =	vmul.f32 v49, v33;
	v53 =	vmul.f32 v53, v33;
	v57 =	vld [tilespmem:s1+$0xD270]  }
0xf4: {  	v52 =	vmul.f32 v52, v31;
	v58 =	vld [tilespmem:s1+$0xD260];
	v50 =	vmul.f32 v50, v33  }
0xf5: {  	v51 =	vmul.f32 v51, v31;
	v59 =	vld [tilespmem:s1+$0xD250];
	v54 =	vmul.f32 v54, v31  }
0xf6: {  	v48 =	vmul.f32 v48, v33;
	v60 =	vld [tilespmem:s1+$0xD240];
	v55 =	vmul.f32 v55, v31;
	v50 =	vadd.f32 v52, v50  }
0xf7: {  	v49 =	vadd.f32 v51, v49;
	v52 =	vld [tilespmem:s1+$0xD230];
	v56 =	vmul.f32 v56, v33;
	v51 =	vadd.f32 v54, v53  }
0xf8: {  	v47 =	vmul.f32 v47, v33;
	v53 =	vld [tilespmem:s1+$0xD220];
	v54 =	vmul.f32 v57, v31;
	v48 =	vadd.f32 v55, v48;
	[tilespmem:s1+$0x1630] =	vst v50  }
0xf9: {  	v46 =	vmul.f32 v46, v33;
	v50 =	vld [tilespmem:s1+$0xD210];
	v55 =	vmul.f32 v58, v31;
	[tilespmem:s1+$0x1620] =	vst v51  }
0xfa: {  	v45 =	vmul.f32 v45, v33;
	v51 =	vld [tilespmem:s1+$0xD200];
	v57 =	vmul.f32 v59, v31;
	v54 =	vadd.f32 v54, v56;
	[tilespmem:s1+$0x1610] =	vst v49  }
0xfb: {  	v44 =	vmul.f32 v44, v33;
	v49 =	vld [tilespmem:s1+$0xCE70];
	v56 =	vmul.f32 v60, v31;
	v47 =	vadd.f32 v55, v47;
	[tilespmem:s1+$0x1600] =	vst v48  }
0xfc: {  	v43 =	vmul.f32 v43, v33;
	v48 =	vld [tilespmem:s1+$0xCE60];
	v52 =	vmul.f32 v52, v31;
	v46 =	vadd.f32 v57, v46;
	[tilespmem:s1+$0x1270] =	vst v54  }
0xfd: {  	v42 =	vmul.f32 v42, v33;
	v54 =	vld [tilespmem:s1+$0xCE50];
	v53 =	vmul.f32 v53, v31;
	v45 =	vadd.f32 v56, v45;
	[tilespmem:s1+$0x1260] =	vst v47  }
0xfe: {  	v41 =	vmul.f32 v41, v33;
	v47 =	vld [tilespmem:s1+$0xCE40];
	v50 =	vmul.f32 v50, v31;
	v44 =	vadd.f32 v52, v44;
	[tilespmem:s1+$0x1250] =	vst v46  }
0xff: {  	v40 =	vmul.f32 v40, v33;
	v46 =	vld [tilespmem:s1+$0xCE30];
	v51 =	vmul.f32 v51, v31;
	v43 =	vadd.f32 v53, v43;
	[tilespmem:s1+$0x1240] =	vst v45  }
0x100: {  	v39 =	vmul.f32 v39, v33;
	v45 =	vld [tilespmem:s1+$0xCE20];
	v49 =	vmul.f32 v49, v31;
	v42 =	vadd.f32 v50, v42;
	[tilespmem:s1+$0x1230] =	vst v44  }
0x101: {  	v38 =	vmul.f32 v38, v33;
	v44 =	vld [tilespmem:s1+$0xCE10];
	v48 =	vmul.f32 v48, v31;
	v41 =	vadd.f32 v51, v41;
	[tilespmem:s1+$0x1220] =	vst v43  }
0x102: {  	v37 =	vmul.f32 v37, v33;
	v43 =	vld [tilespmem:s1+$0xCE00];
	v50 =	vmul.f32 v54, v31;
	v40 =	vadd.f32 v49, v40;
	[tilespmem:s1+$0x1210] =	vst v42  }
0x103: {  	v36 =	vmul.f32 v36, v33;
	v42 =	vld [tilespmem:s1+$0xCA70];
	v47 =	vmul.f32 v47, v31;
	v39 =	vadd.f32 v48, v39;
	[tilespmem:s1+$0x1200] =	vst v41  }
0x104: {  	v35 =	vmul.f32 v35, v33;
	v41 =	vld [tilespmem:s1+$0xCA60];
	v46 =	vmul.f32 v46, v31;
	v38 =	vadd.f32 v50, v38;
	[tilespmem:s1+$0xE70] =	vst v40  }
0x105: {  	v34 =	vmul.f32 v34, v33;
	v40 =	vld [tilespmem:s1+$0xCA50];
	v45 =	vmul.f32 v45, v31;
	v37 =	vadd.f32 v47, v37;
	[tilespmem:s1+$0xE60] =	vst v39  }
0x106: {  	v32 =	vmul.f32 v32, v33;
	v39 =	vld [tilespmem:s1+$0xCA40];
	v44 =	vmul.f32 v44, v31;
	v36 =	vadd.f32 v46, v36;
	[tilespmem:s1+$0xE50] =	vst v38  }
0x107: {  	v30 =	vmul.f32 v30, v33;
	v38 =	vld [tilespmem:s1+$0xCA30];
	v43 =	vmul.f32 v43, v31;
	v35 =	vadd.f32 v45, v35;
	[tilespmem:s1+$0xE40] =	vst v37  }
0x108: {  	v29 =	vmul.f32 v29, v33;
	v37 =	vld [tilespmem:s1+$0xCA20];
	v42 =	vmul.f32 v42, v31;
	v34 =	vadd.f32 v44, v34;
	[tilespmem:s1+$0xE30] =	vst v36  }
0x109: {  	v28 =	vmul.f32 v28, v33;
	v36 =	vld [tilespmem:s1+$0xCA10];
	v41 =	vmul.f32 v41, v31;
	v32 =	vadd.f32 v43, v32;
	[tilespmem:s1+$0xE20] =	vst v35  }
0x10a: {  	v27 =	vmul.f32 v27, v33;
	v35 =	vld [tilespmem:s1+$0xCA00];
	v40 =	vmul.f32 v40, v31;
	v30 =	vadd.f32 v42, v30;
	[tilespmem:s1+$0xE10] =	vst v34  }
0x10b: {  	v26 =	vmul.f32 v26, v33;
	v34 =	vld [tilespmem:s1+$0xC670];
	v39 =	vmul.f32 v39, v31;
	v29 =	vadd.f32 v41, v29;
	[tilespmem:s1+$0xE00] =	vst v32  }
0x10c: {  	v25 =	vmul.f32 v25, v33;
	v32 =	vld [tilespmem:s1+$0xC660];
	v38 =	vmul.f32 v38, v31;
	v28 =	vadd.f32 v40, v28;
	[tilespmem:s1+$0xA70] =	vst v30  }
0x10d: {  	v24 =	vmul.f32 v24, v33;
	v30 =	vld [tilespmem:s1+$0xC650];
	v37 =	vmul.f32 v37, v31;
	v27 =	vadd.f32 v39, v27;
	[tilespmem:s1+$0xA60] =	vst v29  }
0x10e: {  	v23 =	vmul.f32 v23, v33;
	v29 =	vld [tilespmem:s1+$0xC640];
	v36 =	vmul.f32 v36, v31;
	v26 =	vadd.f32 v38, v26;
	[tilespmem:s1+$0xA50] =	vst v28  }
0x10f: {  	v22 =	vmul.f32 v22, v33;
	v28 =	vld [tilespmem:s1+$0xC630];
	v35 =	vmul.f32 v35, v31;
	v25 =	vadd.f32 v37, v25;
	[tilespmem:s1+$0xA40] =	vst v27  }
0x110: {  	v21 =	vmul.f32 v21, v33;
	v27 =	vld [tilespmem:s1+$0xC620];
	v34 =	vmul.f32 v34, v31;
	v24 =	vadd.f32 v36, v24;
	[tilespmem:s1+$0xA30] =	vst v26  }
0x111: {  	v20 =	vmul.f32 v20, v33;
	v26 =	vld [tilespmem:s1+$0xC610];
	v32 =	vmul.f32 v32, v31;
	v23 =	vadd.f32 v35, v23;
	[tilespmem:s1+$0xA20] =	vst v25  }
0x112: {  	v19 =	vmul.f32 v19, v33;
	v25 =	vld [tilespmem:s1+$0xC600];
	v30 =	vmul.f32 v30, v31;
	v22 =	vadd.f32 v34, v22;
	[tilespmem:s1+$0xA10] =	vst v24  }
0x113: {  	v18 =	vmul.f32 v18, v33;
	v24 =	vld [tilespmem:s1+$0xC270];
	v29 =	vmul.f32 v29, v31;
	v21 =	vadd.f32 v32, v21;
	[tilespmem:s1+$0xA00] =	vst v23  }
0x114: {  	v17 =	vmul.f32 v17, v33;
	v23 =	vld [tilespmem:s1+$0xC260];
	v28 =	vmul.f32 v28, v31;
	v20 =	vadd.f32 v30, v20;
	[tilespmem:s1+$0x670] =	vst v22  }
0x115: {  	v16 =	vmul.f32 v16, v33;
	v22 =	vmul.f32 v27, v31;
	v19 =	vadd.f32 v29, v19;
	[tilespmem:s1+$0x660] =	vst v21;
	v21 =	vld [tilespmem:s1+$0xD640]  }
0x116: {  	v15 =	vmul.f32 v15, v33;
	v26 =	vmul.f32 v26, v31;
	v18 =	vadd.f32 v28, v18;
	[tilespmem:s1+$0x650] =	vst v20;
	v20 =	vld [tilespmem:s1+$0xD650]  }
0x117: {  	v14 =	vmul.f32 v14, v33;
	v25 =	vmul.f32 v25, v31;
	v17 =	vadd.f32 v22, v17;
	[tilespmem:s1+$0x640] =	vst v19;
	v19 =	vld [tilespmem:s1+$0xD660]  }
0x118: {  	v13 =	vmul.f32 v13, v33;
	v22 =	vmul.f32 v24, v31;
	v16 =	vadd.f32 v26, v16;
	[tilespmem:s1+$0x630] =	vst v18;
	v18 =	vld [tilespmem:s1+$0xD670]  }
0x119: {  	v12 =	vmul.f32 v12, v33;
	v23 =	vmul.f32 v23, v31;
	v15 =	vadd.f32 v25, v15;
	[tilespmem:s1+$0x620] =	vst v17;
	v17 =	vld [tilespmem:s1+$0x1640]  }
0x11a: {  	v10 =	vmul.f32 v10, v33;
	v11 =	vmul.f32 v11, v31;
	v14 =	vadd.f32 v22, v14;
	[tilespmem:s1+$0x610] =	vst v16;
	v16 =	vld [tilespmem:s1+$0x1650]  }
0x11b: {  	v8 =	vmul.f32 v8, v33;
	v9 =	vmul.f32 v9, v31;
	v13 =	vadd.f32 v23, v13;
	[tilespmem:s1+$0x600] =	vst v15;
	v15 =	vld [tilespmem:s1+$0x1660]  }
0x11c: {  	v6 =	vmul.f32 v6, v33;
	v7 =	vmul.f32 v7, v31;
	v11 =	vadd.f32 v11, v12;
	[tilespmem:s1+$0x270] =	vst v14;
	v12 =	vld [tilespmem:s1+$0x1670]  }
0x11d: {  	v4 =	vmul.f32 v4, v33;
	v5 =	vmul.f32 v5, v31;
	v9 =	vadd.f32 v9, v10;
	v14 =	vld [tilespmem:s1+$0x200];
	[tilespmem:s1+$0x260] =	vst v13  }
0x11e: {  	v3 =	vmul.f32 v3, v31;
	v7 =	vadd.f32 v7, v8;
	v10 =	vld [tilespmem:s1+$0xC200];
	[tilespmem:s1+$0x250] =	vst v11;
	v8 =	vmul.f32 v17, v33  }
0x11f: {  	s18 =	sshrl.u32 s13, $0x3;
	v5 =	vadd.f32 v5, v6;
	v6 =	vmul.f32 v21, v31;
	[tilespmem:s1+$0x240] =	vst v9;
	v9 =	vmul.f32 v16, v33  }
0x120: {  	s17 =	sadd.s32 $0x80, s17;
	s18 =	smul.u32 $0x1800, s18;
	v3 =	vadd.f32 v3, v4;
	v4 =	vmul.f32 v20, v31;
	[tilespmem:s1+$0x230] =	vst v7;
	v7 =	vmul.f32 v15, v33  }
0x121: {  	s19 =	sand.u32 $0x380, s17;
	[tilespmem:s1+$0x220] =	vst v5;
	v5 =	vadd.f32 v6, v8;
	v6 =	vmul.f32 v19, v31;
	v8 =	vmul.f32 v12, v33  }
0x122: {  	s18 =	sor.u32 s19, s18;
	v9 =	vadd.f32 v4, v9;
	v12 =	vmul.f32 v18, v31;
	v11 =	vmul.f32 v14, v33;
	[tilespmem:s1+$0x210] =	vst v3  }
0x123: {  	v4 =	vld [tilespmem:s18+$0x210];
	v10 =	vmul.f32 v10, v31;
	[tilespmem:s1+$0x1640] =	vst v5;
	v5 =	vadd.f32 v6, v7  }
0x124: {  	v7 =	vadd.f32 v12, v8;
	v3 =	vld [tilespmem:s18+$0xC210];
	[tilespmem:s1+$0x1650] =	vst v9  }
0x125: {  	v6 =	vld [tilespmem:s18+$0x220];
	v9 =	vadd.f32 v10, v11;
	[tilespmem:s1+$0x1660] =	vst v5  }
0x126: {  	v5 =	vld [tilespmem:s18+$0xC220];
	[tilespmem:s1+$0x1670] =	vst v7  }
0x127: {  	v8 =	vld [tilespmem:s18+$0x230];
	[tilespmem:s1+$0x200] =	vst v9;
	s1 =	smov.u32 s18  }
0x128: {  	v7 =	vld [tilespmem:s1+$0xC230]  }
0x129: {  	v10 =	vld [tilespmem:s1+$0x240]  }
0x12a: {  	v9 =	vld [tilespmem:s1+$0xC240]  }
0x12b: {  	v12 =	vld [tilespmem:s1+$0x250]  }
0x12c: {  	v11 =	vld [tilespmem:s1+$0xC250]  }
0x12d: {  	v13 =	vld [tilespmem:s1+$0x260]  }
0x12e: {  	v14 =	vld [tilespmem:s1+$0x270]  }
0x12f: {  	v15 =	vld [tilespmem:s1+$0x600]  }
0x130: {  	v16 =	vld [tilespmem:s1+$0x610]  }
0x131: {  	v17 =	vld [tilespmem:s1+$0x620]  }
0x132: {  	v18 =	vld [tilespmem:s1+$0x630]  }
0x133: {  	v19 =	vld [tilespmem:s1+$0x640]  }
0x134: {  	v20 =	vld [tilespmem:s1+$0x650]  }
0x135: {  	v21 =	vld [tilespmem:s1+$0x660]  }
0x136: {  	v22 =	vld [tilespmem:s1+$0x670]  }
0x137: {  	v23 =	vld [tilespmem:s1+$0xA00]  }
0x138: {  	v24 =	vld [tilespmem:s1+$0xA10]  }
0x139: {  	v25 =	vld [tilespmem:s1+$0xA20]  }
0x13a: {  	v26 =	vld [tilespmem:s1+$0xA30]  }
0x13b: {  	v27 =	vld [tilespmem:s1+$0xA40]  }
0x13c: {  	v28 =	vld [tilespmem:s1+$0xA50]  }
0x13d: {  	v29 =	vld [tilespmem:s1+$0xA60]  }
0x13e: {  	v30 =	vld [tilespmem:s1+$0xA70]  }
0x13f: {  	v32 =	vld [tilespmem:s1+$0xE00]  }
0x140: {  	v34 =	vld [tilespmem:s1+$0xE10]  }
0x141: {  	v35 =	vld [tilespmem:s1+$0xE20]  }
0x142: {  	v36 =	vld [tilespmem:s1+$0xE30]  }
0x143: {  	v37 =	vld [tilespmem:s1+$0xE40]  }
0x144: {  	v38 =	vld [tilespmem:s1+$0xE50]  }
0x145: {  	v39 =	vld [tilespmem:s1+$0xE60]  }
0x146: {  	v40 =	vld [tilespmem:s1+$0xE70]  }
0x147: {  	v41 =	vld [tilespmem:s1+$0x1200]  }
0x148: {  	v42 =	vld [tilespmem:s1+$0x1210]  }
0x149: {  	v43 =	vld [tilespmem:s1+$0x1220]  }
0x14a: {  	v44 =	vld [tilespmem:s1+$0x1230]  }
.Ltmp0:
0x14b: {  	v45 =	vld [tilespmem:s1+$0x1240];
	(pc) =	sbr.rel @p0 .LBB2_2-.Ltmp0, $4  }
0x14c: {  	v46 =	vld [tilespmem:s1+$0x1250]  }
0x14d: {  	v47 =	vld [tilespmem:s1+$0x1260]  }
0x14e: {  	v50 =	vmov s13;
	v48 =	vld [tilespmem:s1+$0x1600]  }
0x14f: {  	s13 =	sadd.s32 $0x1, s13;
	v49 =	vld [tilespmem:s1+$0x1610]  }
0x150: {  	_ =	sdelay $0x1  }
0x151: {  	v52 =	vld [tilespmem:s1+$0xD630]  }
0x152: {  	v53 =	vld [tilespmem:s1+$0x1620]  }
0x153: {  	v31 =	vld.idx.msk [tilespmem:v50+s14+$0x0], $0xffff  }
0x154: {  	v33 =	vld.idx.msk [tilespmem:v50+s15+$0x0], $0xffff  }
0x155: {  	v61 =	vld [tilespmem:s1+$0x1630]  }
0x156: {  	v54 =	vld [tilespmem:s1+$0xD620]  }
0x157: {  	v51 =	vld [tilespmem:s1+$0xD610]  }
0x158: {  	v55 =	vld [tilespmem:s1+$0xD600]  }
0x159: {  	v56 =	vld [tilespmem:s1+$0x1270]  }
0x15a: {  	v58 =	vld [tilespmem:s1+$0xD260];
	v50 =	vmul.f32 v61, v31;
	v52 =	vmul.f32 v52, v33  }
0x15b: {  	v57 =	vld [tilespmem:s1+$0xD270];
	v53 =	vmul.f32 v53, v31;
	v54 =	vmul.f32 v54, v33  }
0x15c: {  	v59 =	vld [tilespmem:s1+$0xD250];
	v49 =	vmul.f32 v49, v31;
	v51 =	vmul.f32 v51, v33  }
0x15d: {  	v60 =	vld [tilespmem:s1+$0xD240];
	v48 =	vmul.f32 v48, v31;
	v62 =	vmul.f32 v55, v33;
	v50 =	vadd.f32 v52, v50  }
0x15e: {  	v61 =	vld [tilespmem:s1+$0xD220];
	v63 =	vmul.f32 v56, v31;
	v47 =	vmul.f32 v47, v31;
	v53 =	vadd.f32 v54, v53  }
0x15f: {  	v58 =	vmul.f32 v58, v33;
	v55 =	vld [tilespmem:s1+$0xC660];
	v12 =	vmul.f32 v12, v31;
	v49 =	vadd.f32 v51, v49;
	[tilespmem:s1+$0x1630] =	vst v50  }
0x160: {  	v56 =	vld [tilespmem:s1+$0xC650];
	v11 =	vmul.f32 v11, v33;
	v10 =	vmul.f32 v10, v31;
	v48 =	vadd.f32 v62, v48;
	[tilespmem:s1+$0x1620] =	vst v53  }
0x161: {  	v9 =	vmul.f32 v9, v33;
	v8 =	vmul.f32 v8, v31;
	v52 =	vld [tilespmem:s1+$0xD230];
	v47 =	vadd.f32 v58, v47;
	[tilespmem:s1+$0x1610] =	vst v49  }
0x162: {  	v7 =	vmul.f32 v7, v33;
	v6 =	vmul.f32 v6, v31;
	v51 =	vld [tilespmem:s1+$0xD200];
	v11 =	vadd.f32 v11, v12;
	[tilespmem:s1+$0x1600] =	vst v48  }
0x163: {  	v5 =	vmul.f32 v5, v33;
	v4 =	vmul.f32 v4, v31;
	v58 =	vld [tilespmem:s1+$0xCE20];
	v9 =	vadd.f32 v9, v10;
	[tilespmem:s1+$0x1260] =	vst v47  }
0x164: {  	v3 =	vmul.f32 v3, v33;
	v62 =	vmul.f32 v59, v33;
	v59 =	vld [tilespmem:s1+$0xCE10];
	v7 =	vadd.f32 v7, v8;
	[tilespmem:s1+$0x250] =	vst v11  }
0x165: {  	v57 =	vmul.f32 v57, v33;
	v54 =	vld [tilespmem:s1+$0xC670];
	v5 =	vadd.f32 v5, v6;
	[tilespmem:s1+$0x240] =	vst v9  }
0x166: {  	v46 =	vmul.f32 v46, v31;
	v3 =	vadd.f32 v3, v4;
	v50 =	vld [tilespmem:s1+$0xD210];
	[tilespmem:s1+$0x230] =	vst v7  }
0x167: {  	v45 =	vmul.f32 v45, v31;
	v49 =	vld [tilespmem:s1+$0xCE70];
	v53 =	vadd.f32 v57, v63;
	v63 =	vmul.f32 v60, v33;
	[tilespmem:s1+$0x220] =	vst v5  }
0x168: {  	v43 =	vmul.f32 v43, v31;
	v48 =	vld [tilespmem:s1+$0xCE60];
	v46 =	vadd.f32 v62, v46;
	[tilespmem:s1+$0x210] =	vst v3;
	v57 =	vmul.f32 v61, v33  }
0x169: {  	v44 =	vmul.f32 v44, v31;
	v47 =	vld [tilespmem:s1+$0xCE40];
	[tilespmem:s1+$0x1270] =	vst v53;
	v45 =	vadd.f32 v63, v45;
	v52 =	vmul.f32 v52, v33  }
0x16a: {  	v41 =	vmul.f32 v41, v31;
	v60 =	vld [tilespmem:s1+$0xCE00];
	[tilespmem:s1+$0x1250] =	vst v46;
	v43 =	vadd.f32 v57, v43;
	v51 =	vmul.f32 v51, v33  }
0x16b: {  	v35 =	vmul.f32 v35, v31;
	v62 =	vld [tilespmem:s1+$0xCA60];
	[tilespmem:s1+$0x1240] =	vst v45;
	v45 =	vmul.f32 v58, v33;
	v44 =	vadd.f32 v52, v44  }
0x16c: {  	v42 =	vmul.f32 v42, v31;
	v53 =	vld [tilespmem:s1+$0xCE50];
	v50 =	vmul.f32 v50, v33;
	[tilespmem:s1+$0x1220] =	vst v43;
	v41 =	vadd.f32 v51, v41  }
0x16d: {  	v40 =	vmul.f32 v40, v31;
	v46 =	vld [tilespmem:s1+$0xCE30];
	v49 =	vmul.f32 v49, v33;
	v35 =	vadd.f32 v45, v35;
	[tilespmem:s1+$0x1230] =	vst v44  }
0x16e: {  	v39 =	vmul.f32 v39, v31;
	v61 =	vld [tilespmem:s1+$0xCA70];
	v48 =	vmul.f32 v48, v33;
	v42 =	vadd.f32 v50, v42;
	[tilespmem:s1+$0x1200] =	vst v41  }
0x16f: {  	v37 =	vmul.f32 v37, v31;
	v57 =	vld [tilespmem:s1+$0xC640];
	v47 =	vmul.f32 v47, v33;
	v40 =	vadd.f32 v49, v40;
	[tilespmem:s1+$0xE20] =	vst v35  }
0x170: {  	v32 =	vmul.f32 v32, v31;
	v58 =	vld [tilespmem:s1+$0xC630];
	v43 =	vmul.f32 v60, v33;
	v39 =	vadd.f32 v48, v39;
	[tilespmem:s1+$0x1210] =	vst v42  }
0x171: {  	v38 =	vmul.f32 v38, v31;
	v51 =	vld [tilespmem:s1+$0xCA20];
	v63 =	vmul.f32 v53, v33;
	v37 =	vadd.f32 v47, v37;
	[tilespmem:s1+$0xE70] =	vst v40  }
0x172: {  	v36 =	vmul.f32 v36, v31;
	v52 =	vld [tilespmem:s1+$0xCA10];
	v46 =	vmul.f32 v46, v33;
	v32 =	vadd.f32 v43, v32;
	[tilespmem:s1+$0xE60] =	vst v39  }
0x173: {  	v34 =	vmul.f32 v34, v31;
	v60 =	vld [tilespmem:s1+$0xC610];
	v44 =	vmul.f32 v59, v33;
	v38 =	vadd.f32 v63, v38;
	[tilespmem:s1+$0xE40] =	vst v37  }
0x174: {  	v29 =	vmul.f32 v29, v31;
	v45 =	vld [tilespmem:s1+$0x1640];
	v41 =	vmul.f32 v62, v33;
	v36 =	vadd.f32 v46, v36;
	[tilespmem:s1+$0xE00] =	vst v32  }
0x175: {  	v21 =	vmul.f32 v21, v31;
	v48 =	vld [tilespmem:s1+$0xCA50];
	v62 =	vmul.f32 v55, v33;
	v34 =	vadd.f32 v44, v34;
	[tilespmem:s1+$0xE50] =	vst v38  }
0x176: {  	v30 =	vmul.f32 v30, v31;
	v49 =	vld [tilespmem:s1+$0xCA40];
	v42 =	vmul.f32 v61, v33;
	v29 =	vadd.f32 v41, v29;
	[tilespmem:s1+$0xE30] =	vst v36  }
0x177: {  	v25 =	vmul.f32 v25, v31;
	v50 =	vld [tilespmem:s1+$0xCA30];
	v21 =	vadd.f32 v62, v21;
	v37 =	vmul.f32 v51, v33;
	[tilespmem:s1+$0xE10] =	vst v34  }
0x178: {  	v16 =	vmul.f32 v16, v31;
	v53 =	vld [tilespmem:s1+$0xCA00];
	v41 =	vmul.f32 v60, v33;
	v30 =	vadd.f32 v42, v30;
	[tilespmem:s1+$0xA60] =	vst v29  }
0x179: {  	v24 =	vmul.f32 v24, v31;
	v59 =	vld [tilespmem:s1+$0xC620];
	v36 =	vmul.f32 v52, v33;
	[tilespmem:s1+$0x660] =	vst v21;
	v25 =	vadd.f32 v37, v25  }
0x17a: {  	v22 =	vmul.f32 v22, v31;
	v43 =	vld [tilespmem:s1+$0xD670];
	v34 =	vmul.f32 v54, v33;
	v16 =	vadd.f32 v41, v16;
	[tilespmem:s1+$0xA70] =	vst v30  }
0x17b: {  	v28 =	vmul.f32 v28, v31;
	v61 =	vld [tilespmem:s1+$0xC600];
	v40 =	vmul.f32 v48, v33;
	v24 =	vadd.f32 v36, v24;
	[tilespmem:s1+$0xA20] =	vst v25  }
0x17c: {  	v27 =	vmul.f32 v27, v31;
	v63 =	vld [tilespmem:s1+$0xC270];
	v39 =	vmul.f32 v49, v33;
	v22 =	vadd.f32 v34, v22;
	[tilespmem:s1+$0x610] =	vst v16  }
0x17d: {  	v26 =	vmul.f32 v26, v31;
	v46 =	vld [tilespmem:s1+$0x1650];
	v38 =	vmul.f32 v50, v33;
	v28 =	vadd.f32 v40, v28;
	[tilespmem:s1+$0xA10] =	vst v24  }
0x17e: {  	v23 =	vmul.f32 v23, v31;
	v51 =	vld [tilespmem:s1+$0x200];
	v35 =	vmul.f32 v53, v33;
	v27 =	vadd.f32 v39, v27;
	[tilespmem:s1+$0x670] =	vst v22  }
0x17f: {  	v18 =	vmul.f32 v18, v31;
	v37 =	vmul.f32 v58, v33;
	v48 =	vld [tilespmem:s1+$0x1660];
	v26 =	vadd.f32 v38, v26;
	[tilespmem:s1+$0xA50] =	vst v28  }
0x180: {  	v20 =	vmul.f32 v20, v31;
	v50 =	vld [tilespmem:s1+$0xC200];
	v30 =	vmul.f32 v56, v33;
	v23 =	vadd.f32 v35, v23;
	[tilespmem:s1+$0xA40] =	vst v27  }
0x181: {  	v19 =	vmul.f32 v19, v31;
	v34 =	vld [tilespmem:s1+$0xC260];
	v35 =	vmul.f32 v57, v33;
	v18 =	vadd.f32 v37, v18;
	[tilespmem:s1+$0xA30] =	vst v26  }
0x182: {  	v17 =	vmul.f32 v17, v31;
	v36 =	vld [tilespmem:s1+$0xD640];
	v39 =	vmul.f32 v59, v33;
	v20 =	vadd.f32 v30, v20;
	[tilespmem:s1+$0xA00] =	vst v23  }
0x183: {  	v15 =	vmul.f32 v15, v31;
	v38 =	vld [tilespmem:s1+$0xD650];
	v42 =	vmul.f32 v61, v33;
	v19 =	vadd.f32 v35, v19;
	[tilespmem:s1+$0x630] =	vst v18  }
0x184: {  	v14 =	vmul.f32 v14, v31;
	v40 =	vld [tilespmem:s1+$0xD660];
	v44 =	vmul.f32 v63, v33;
	v17 =	vadd.f32 v39, v17;
	[tilespmem:s1+$0x650] =	vst v20  }
0x185: {  	v49 =	vld [tilespmem:s1+$0x1670];
	v61 =	vmul.f32 v51, v31;
	v15 =	vadd.f32 v42, v15;
	v10 =	vmul.f32 v50, v33;
	[tilespmem:s1+$0x640] =	vst v19  }
0x186: {  	v13 =	vmul.f32 v13, v31;
	v14 =	vadd.f32 v44, v14;
	[tilespmem:s1+$0x620] =	vst v17;
	v47 =	vmul.f32 v34, v33  }
0x187: {  	v52 =	vmul.f32 v45, v31;
	[tilespmem:s1+$0x600] =	vst v15;
	v53 =	vmul.f32 v36, v33;
	v63 =	vadd.f32 v10, v61  }
0x188: {  	v54 =	vmul.f32 v46, v31;
	[tilespmem:s1+$0x270] =	vst v14;
	v55 =	vmul.f32 v38, v33;
	v13 =	vadd.f32 v47, v13  }
0x189: {  	v56 =	vmul.f32 v48, v31;
	v58 =	vmul.f32 v40, v33;
	v57 =	vadd.f32 v53, v52;
	[tilespmem:s1+$0x200] =	vst v63  }
0x18a: {  	v60 =	vmul.f32 v43, v33;
	v59 =	vmul.f32 v49, v31;
	v3 =	vadd.f32 v55, v54;
	[tilespmem:s1+$0x260] =	vst v13  }
0x18b: {  	v62 =	vadd.f32 v58, v56;
	[tilespmem:s1+$0x1640] =	vst v57  }
0x18c: {  	s0 =	sadd.s32 $0x1, s0;
	[tilespmem:s1+$0x1650] =	vst v3;
	v3 =	vadd.f32 v60, v59  }
0x18d: {  	p0 =	sne.s32 s0, s11;
	[tilespmem:s1+$0x1660] =	vst v62  }
.Ltmp1:
0x18e: {  	[tilespmem:s1+$0x1670] =	vst v3;
	(pc) =	sbr.rel @p0 .LBB2_1-.Ltmp1, $4  }
0x18f: {  	[hbm4b:s10+s2] =	stream.linear.scatter [tilespmem:s16], [sflag:$0x2], $0xC000, $0x38;
	[tilespmem:$0x18200] =	vst v63  }
0x190: {  	_ =	swait.ge [sflag:s12], $0xC000  }
0x191: {  	[sflag:s12] =	ssyncset.done $0x0  }
0x192: {  	[sflag:s12] =	ssyncadd.s32 $0xFFFF4000  }
0x193: {  	_ =	sfence.sel $0x180000  }
0x194: {  	[bflag:$0x0] =	sbarrier.arrive $0xFFFF  }
0x195: {  	_ =	strace $0x9000004A  }
0x196: {  	s0 =	stileid.u32;
	[bflag:$0x2] =	sbarrier.arrive $0xFFFF  }
0x197: {  	p0 =	sne.s32 s0, $0x0;
	s0 =	rddreg [dreg:$0x2]  }
0x198: {  	s0 =	sadd.s32 @!p0 $0x100000, s0  }
0x199: {  	[sflag:s0] =	ssyncadd.tile.s32 @!p0 $0x1;
	_ =	shalt  }
.Lfunc_end2:
_tile_overlayer_lowered:
.L_overlay_start_2:
0x19a: {  	(tag) =	ssettag $0x2  }
0x19b: {  	s0 =	rddreg [dreg:$0x0];
	s2 =	stileid.u32  }
0x19c: {  	s1 =	rddreg [dreg:$0x1];
	p0 =	sne.s32 s2, $0x0  }
0x19d: {  	s3 =	rddreg [dreg:$0x2];
	[bflag:$0x3] =	sbarrier.arrive $0xFFFF;
	s2 =	simm.s32 @!p0 $0x1C02  }
0x19e: {  	[timem:s3], [sflag:s2] =	dma.local @!p0 [hbm:s0], s1  }
0x19f: {  	s0 =	simm.s32 @!p0 $0x2  }
0x1a0: {  	_ =	swait.ge @!p0 [sflag:s0], s1  }
0x1a1: {  	s1 =	ssub.s32 @!p0 $0x0, s1;
	[sflag:s0] =	ssyncset.done @!p0 $0x0  }
0x1a2: {  	[sflag:s0] =	ssyncadd.s32 @!p0 s1  }
0x1a3: {  	[bflag:$0x3] =	sbarrier.arrive $0xFFFF  }
0x1a4: {  	_ =	shalt  }

</sc_bundles>
